<compile_context>
chip_gen: v7x
topology: tpu7x:2x2x1
jax: 0.10.2.dev20260603
libtpu: 0.0.44.dev20260713+nightly
codegen_flags: <defaults>
</compile_context>

<pallas_src>
import functools

import jax
import jax.numpy as jnp
from jax import lax
from jax.experimental import pallas as pl
from jax.experimental.pallas import tpu as pltpu
from jax.experimental.pallas import tpu_sc as plsc

TOKENS_DIM = 100000
EMBEDDING_DIM = 64
BATCH = 16384
HIST_LEN = 50
_B = BATCH * HIST_LEN

_info = plsc.get_sparse_core_info()
_NC = _info.num_cores
_NS = _info.num_subcores
_NW = _NC * _NS
_BH = BATCH // 128
_JPW = _BH // _NW

_mesh = plsc.VectorSubcoreMesh(core_axis_name="c", subcore_axis_name="s")


@functools.partial(
    pl.kernel,
    mesh=_mesh,
    compiler_params=pltpu.CompilerParams(
        use_tc_tiling_on_sc=False, needs_layout_passes=False
    ),
    out_type=jax.ShapeDtypeStruct(
        (HIST_LEN, 8, _BH, 8, 128), jnp.float32
    ),
    scratch_types=[
        pltpu.VMEM((HIST_LEN, 128 * _JPW), jnp.int32),
        pltpu.VMEM((128, EMBEDDING_DIM), jnp.float32),
        pltpu.VMEM((128, EMBEDDING_DIM), jnp.float32),
        pltpu.VMEM((128, EMBEDDING_DIM), jnp.float32),
        pltpu.VMEM((128, EMBEDDING_DIM), jnp.float32),
        pltpu.VMEM((8, 8, 129), jnp.float32),
        pltpu.VMEM((8, 8, 129), jnp.float32),
        pltpu.VMEM((8, 8, 129), jnp.float32),
        pltpu.VMEM((8, 8, 129), jnp.float32),
        pltpu.SemaphoreType.DMA,
        pltpu.SemaphoreType.DMA,
        pltpu.SemaphoreType.DMA,
        pltpu.SemaphoreType.DMA,
        pltpu.SemaphoreType.DMA,
        pltpu.SemaphoreType.DMA,
        pltpu.SemaphoreType.DMA,
        pltpu.SemaphoreType.DMA,
    ],
)
def _gather_kernel(idxt_hbm, table_hbm, out_hbm, idx_v,
                   r0, r1, r2, r3, tb0, tb1, tb2, tb3,
                   g0, g1, g2, g3, s0, s1, s2, s3):
    wid = lax.axis_index("s") * _NC + lax.axis_index("c")
    rows = (r0, r1, r2, r3)
    tbuf = (tb0, tb1, tb2, tb3)
    gsem = (g0, g1, g2, g3)
    ssem = (s0, s1, s2, s3)

    pltpu.sync_copy(idxt_hbm.at[:, pl.ds(wid * 128 * _JPW, 128 * _JPW)], idx_v)

    iota = lax.iota(jnp.int32, 16)
    cdh = [jax.lax.shift_right_logical(iota + 16 * g, 3) for g in range(4)]
    cdl = [jax.lax.bitwise_and(iota + 16 * g, 7) for g in range(4)]
    zvec = jnp.zeros((16,), jnp.int32)

    def gather_desc(t, j):
        return pltpu.make_async_copy(
            table_hbm.at[idx_v.at[t, pl.ds(j * 128, 128)]],
            rows[j],
            gsem[j],
        )

    def store_desc(t, j):
        return pltpu.make_async_copy(
            tbuf[j].at[:, :, pl.ds(0, 128)],
            out_hbm.at[t, :, wid * _JPW + j],
            ssem[j],
        )

    for j in range(_JPW):
        gather_desc(0, j).start()
        store_desc(0, j).start()

    def body(t, carry):
        for j in range(_JPW):
            gather_desc(t, j).wait()
            store_desc(t, j).wait()
            @plsc.parallel_loop(0, 128, unroll=8)
            def _(bl):
                blvec = jnp.full((16,), bl, dtype=jnp.int32)
                vs = [rows[j][bl, pl.ds(16 * g, 16)] for g in range(4)]
                for g in range(4):
                    plsc.store_scatter(
                        tbuf[j],
                        [cdh[g], cdl[g], blvec],
                        vs[g],
                    )
            @pl.when(t < HIST_LEN - 1)
            def _():
                gather_desc(t + 1, j).start()
            store_desc(t, j).start()
        return carry

    lax.fori_loop(0, HIST_LEN, body, 0)

    for j in range(_JPW):
        store_desc(HIST_LEN - 1, j).wait()


def kernel(indices, table):
    idxt = indices.T.astype(jnp.int32)
    out5 = _gather_kernel(idxt, table)
    return out5.transpose(2, 4, 0, 1, 3).reshape(BATCH, HIST_LEN, EMBEDDING_DIM)

# --- scband reference (transcript-rebuilt; emitter-appended) ---
"""Pipeline reference for scband-model-with-pre-trained-embeddings-61572651155721 (READ-ONLY COPY).

The authoritative reference and input builder live on the scoring server;
editing this copy changes nothing except your own understanding.
"""

import jax, jax.numpy as jnp
import numpy as np

TOKENS_DIM = 100000
EMBEDDING_DIM = 64
BATCH = 16384
HIST_LEN = 50

def setup_inputs(seed: int = 0) -> dict:
    key = jax.random.key(seed)
    k_idx, k_tab = jax.random.split(key)
    indices = jax.random.randint(k_idx, (BATCH, HIST_LEN), 0, TOKENS_DIM, dtype=jnp.int64 if jax.config.jax_enable_x64 else jnp.int32)
    # nn.Embedding default init: N(0, 1)
    table = jax.random.normal(k_tab, (TOKENS_DIM, EMBEDDING_DIM), dtype=jnp.float32)
    return {"indices": indices, "table": table}

def reference(indices, table):
    # ModelWithPreTrainedEmbeddings forward == nn.Embedding lookup
    return jnp.take(table, indices, axis=0)

if __name__ == "__main__":
    import jax
    _d = setup_inputs()
    print(jax.jit(kernel)(*tuple(_d.values())))

</pallas_src>

<mosaic_0001>
#map = affine_map<(d0, d1) -> (0, 0)>
#map1 = affine_map<(d0, d1) -> (0, 0, 0, 0, 0)>
module attributes {stable_mosaic.version = 14 : i64} {
  func.func @_gather_kernel(%arg0: i32, %arg1: i32, %arg2: memref<50x16384xi32, #tpu.memory_space<hbm>>, %arg3: memref<100000x64xf32, #tpu.memory_space<hbm>>, %arg4: memref<50x8x128x8x128xf32, #tpu.memory_space<hbm>>, %arg5: memref<50x512xi32, #tpu.memory_space<vmem>>, %arg6: memref<128x64xf32, #tpu.memory_space<vmem>>, %arg7: memref<128x64xf32, #tpu.memory_space<vmem>>, %arg8: memref<128x64xf32, #tpu.memory_space<vmem>>, %arg9: memref<128x64xf32, #tpu.memory_space<vmem>>, %arg10: memref<8x8x129xf32, #tpu.memory_space<vmem>>, %arg11: memref<8x8x129xf32, #tpu.memory_space<vmem>>, %arg12: memref<8x8x129xf32, #tpu.memory_space<vmem>>, %arg13: memref<8x8x129xf32, #tpu.memory_space<vmem>>, %arg14: memref<!tpu.dma_semaphore, #tpu.memory_space<semaphore_mem>>, %arg15: memref<!tpu.dma_semaphore, #tpu.memory_space<semaphore_mem>>, %arg16: memref<!tpu.dma_semaphore, #tpu.memory_space<semaphore_mem>>, %arg17: memref<!tpu.dma_semaphore, #tpu.memory_space<semaphore_mem>>, %arg18: memref<!tpu.dma_semaphore, #tpu.memory_space<semaphore_mem>>, %arg19: memref<!tpu.dma_semaphore, #tpu.memory_space<semaphore_mem>>, %arg20: memref<!tpu.dma_semaphore, #tpu.memory_space<semaphore_mem>>, %arg21: memref<!tpu.dma_semaphore, #tpu.memory_space<semaphore_mem>>) attributes {dimension_semantics = [#tpu.dimension_semantics<core_parallel>, #tpu.dimension_semantics<subcore_parallel>], iteration_bounds = array<i64: 2, 16>, scalar_prefetch = 0 : i64, scratch_operands = 17 : i64, tpu.core_type = #tpu.core_type<sc_vector_subcore>, window_params = [{transform_indices = #map}, {transform_indices = #map}, {transform_indices = #map1}]} {
    %mul3A = arith.constant 2 : i32
    %mul3A_0 = arith.muli %arg1, %mul3A : i32
    %add3A = arith.addi %mul3A_0, %arg0 : i32
    %mul3A_1 = arith.constant 128 : i32
    %mul3A_2 = arith.muli %add3A, %mul3A_1 : i32
    %mul3A_3 = arith.constant 4 : i32
    %mul3A_4 = arith.muli %mul3A_2, %mul3A_3 : i32
    "tpu.region"() ({
      %run_scoped3A = tpu.sem_alloc : memref<!tpu.dma_semaphore, #tpu.memory_space<semaphore_mem>>
      %dma_start3A_267 = arith.constant 0 : i32
      %dma_start3A_268 = tpu.memref_slice %arg2[%dma_start3A_267, %mul3A_4] : memref<50x16384xi32, #tpu.memory_space<hbm>> -> memref<50x512xi32, #tpu.memory_space<hbm>>
      %dma_start3A_269 = arith.constant 0 : i32
      %dma_start3A_270 = tpu.memref_slice %arg2[%dma_start3A_269, %mul3A_4] : memref<50x16384xi32, #tpu.memory_space<hbm>> -> memref<50x512xi32, #tpu.memory_space<hbm>>
      tpu.enqueue_dma source(%dma_start3A_270 : memref<50x512xi32, #tpu.memory_space<hbm>>) target(%arg5 : memref<50x512xi32, #tpu.memory_space<vmem>>) target_semaphore(%run_scoped3A : memref<!tpu.dma_semaphore, #tpu.memory_space<semaphore_mem>>)
      %dma_wait3A_271 = arith.constant 0 : i32
      %dma_wait3A_272 = tpu.memref_slice %arg2[%dma_wait3A_271, %mul3A_4] : memref<50x16384xi32, #tpu.memory_space<hbm>> -> memref<50x512xi32, #tpu.memory_space<hbm>>
      %dma_wait3A_273 = arith.constant 0 : i32
      %dma_wait3A_274 = tpu.memref_slice %arg2[%dma_wait3A_273, %mul3A_4] : memref<50x16384xi32, #tpu.memory_space<hbm>> -> memref<50x512xi32, #tpu.memory_space<hbm>>
      tpu.wait_dma2 semaphore(%run_scoped3A : memref<!tpu.dma_semaphore, #tpu.memory_space<semaphore_mem>>) src(%dma_wait3A_274 : memref<50x512xi32, #tpu.memory_space<hbm>>) dst(%arg5 : memref<50x512xi32, #tpu.memory_space<vmem>>)
      tpu.yield
    }) : () -> ()
    %iota3A = tpu.iota {dimensions = array<i32: 0>} : vector<16xi32>
    %add3A_5 = arith.constant 0 : i32
    %add3A_6 = vector.broadcast %add3A_5 : i32 to vector<16xi32>
    %add3A_7 = arith.addi %iota3A, %add3A_6 : vector<16xi32>
    %shift_right_logical3A = arith.constant 3 : i32
    %shift_right_logical3A_8 = vector.broadcast %shift_right_logical3A : i32 to vector<16xi32>
    %shift_right_logical3A_9 = arith.shrui %add3A_7, %shift_right_logical3A_8 : vector<16xi32>
    %add3A_10 = arith.constant 16 : i32
    %add3A_11 = vector.broadcast %add3A_10 : i32 to vector<16xi32>
    %add3A_12 = arith.addi %iota3A, %add3A_11 : vector<16xi32>
    %shift_right_logical3A_13 = arith.constant 3 : i32
    %shift_right_logical3A_14 = vector.broadcast %shift_right_logical3A_13 : i32 to vector<16xi32>
    %shift_right_logical3A_15 = arith.shrui %add3A_12, %shift_right_logical3A_14 : vector<16xi32>
    %add3A_16 = arith.constant 32 : i32
    %add3A_17 = vector.broadcast %add3A_16 : i32 to vector<16xi32>
    %add3A_18 = arith.addi %iota3A, %add3A_17 : vector<16xi32>
    %shift_right_logical3A_19 = arith.constant 3 : i32
    %shift_right_logical3A_20 = vector.broadcast %shift_right_logical3A_19 : i32 to vector<16xi32>
    %shift_right_logical3A_21 = arith.shrui %add3A_18, %shift_right_logical3A_20 : vector<16xi32>
    %add3A_22 = arith.constant 48 : i32
    %add3A_23 = vector.broadcast %add3A_22 : i32 to vector<16xi32>
    %add3A_24 = arith.addi %iota3A, %add3A_23 : vector<16xi32>
    %shift_right_logical3A_25 = arith.constant 3 : i32
    %shift_right_logical3A_26 = vector.broadcast %shift_right_logical3A_25 : i32 to vector<16xi32>
    %shift_right_logical3A_27 = arith.shrui %add3A_24, %shift_right_logical3A_26 : vector<16xi32>
    %add3A_28 = arith.constant 0 : i32
    %add3A_29 = vector.broadcast %add3A_28 : i32 to vector<16xi32>
    %add3A_30 = arith.addi %iota3A, %add3A_29 : vector<16xi32>
    %and3A = arith.constant 7 : i32
    %and3A_31 = vector.broadcast %and3A : i32 to vector<16xi32>
    %and3A_32 = arith.andi %add3A_30, %and3A_31 : vector<16xi32>
    %add3A_33 = arith.constant 16 : i32
    %add3A_34 = vector.broadcast %add3A_33 : i32 to vector<16xi32>
    %add3A_35 = arith.addi %iota3A, %add3A_34 : vector<16xi32>
    %and3A_36 = arith.constant 7 : i32
    %and3A_37 = vector.broadcast %and3A_36 : i32 to vector<16xi32>
    %and3A_38 = arith.andi %add3A_35, %and3A_37 : vector<16xi32>
    %add3A_39 = arith.constant 32 : i32
    %add3A_40 = vector.broadcast %add3A_39 : i32 to vector<16xi32>
    %add3A_41 = arith.addi %iota3A, %add3A_40 : vector<16xi32>
    %and3A_42 = arith.constant 7 : i32
    %and3A_43 = vector.broadcast %and3A_42 : i32 to vector<16xi32>
    %and3A_44 = arith.andi %add3A_41, %and3A_43 : vector<16xi32>
    %add3A_45 = arith.constant 48 : i32
    %add3A_46 = vector.broadcast %add3A_45 : i32 to vector<16xi32>
    %add3A_47 = arith.addi %iota3A, %add3A_46 : vector<16xi32>
    %and3A_48 = arith.constant 7 : i32
    %and3A_49 = vector.broadcast %and3A_48 : i32 to vector<16xi32>
    %and3A_50 = arith.andi %add3A_47, %and3A_49 : vector<16xi32>
    %broadcast_in_dim3A = arith.constant 0 : i32
    %broadcast_in_dim3A_51 = vector.broadcast %broadcast_in_dim3A : i32 to vector<16xi32>
    %dma_start3A = arith.constant 0 : i32
    %dma_start3A_52 = arith.constant 0 : i32
    %dma_start3A_53 = tpu.memref_slice %arg5[%dma_start3A, %dma_start3A_52] : memref<50x512xi32, #tpu.memory_space<vmem>> -> memref<1x128xi32, #tpu.memory_space<vmem>>
    %dma_start3A_54 = tpu.memref_squeeze %dma_start3A_53 : memref<1x128xi32, #tpu.memory_space<vmem>> -> memref<128xi32, #tpu.memory_space<vmem>>
    %dma_start3A_55 = arith.constant 0 : i32
    %dma_start3A_56 = arith.constant 0 : i32
    %dma_start3A_57 = tpu.memref_slice %arg3[%dma_start3A_55, %dma_start3A_56] : memref<100000x64xf32, #tpu.memory_space<hbm>> -> memref<100000x64xf32, #tpu.memory_space<hbm>>
    tpu.enqueue_indirect_dma source(%dma_start3A_57 : memref<100000x64xf32, #tpu.memory_space<hbm>>) target(%arg6 : memref<128x64xf32, #tpu.memory_space<vmem>>) offsets(%dma_start3A_54 : memref<128xi32, #tpu.memory_space<vmem>>) semaphore(%arg14 : memref<!tpu.dma_semaphore, #tpu.memory_space<semaphore_mem>>)
    %mul3A_58 = arith.constant 4 : i32
    %mul3A_59 = arith.muli %add3A, %mul3A_58 : i32
    %add3A_60 = arith.constant 0 : i32
    %add3A_61 = arith.addi %mul3A_59, %add3A_60 : i32
    %dma_start3A_62 = arith.constant 0 : i32
    %dma_start3A_63 = arith.constant 0 : i32
    %dma_start3A_64 = arith.constant 0 : i32
    %dma_start3A_65 = arith.constant 0 : i32
    %dma_start3A_66 = tpu.memref_slice %arg10[%dma_start3A_63, %dma_start3A_64, %dma_start3A_65] : memref<8x8x129xf32, #tpu.memory_space<vmem>> -> memref<8x8x128xf32, #tpu.memory_space<vmem>>
    %dma_start3A_67 = arith.constant 0 : i32
    %dma_start3A_68 = arith.constant 0 : i32
    %dma_start3A_69 = arith.constant 0 : i32
    %dma_start3A_70 = tpu.memref_slice %arg4[%dma_start3A_62, %dma_start3A_67, %add3A_61, %dma_start3A_68, %dma_start3A_69] : memref<50x8x128x8x128xf32, #tpu.memory_space<hbm>> -> memref<1x8x1x8x128xf32, #tpu.memory_space<hbm>>
    %dma_start3A_71 = tpu.memref_squeeze %dma_start3A_70 : memref<1x8x1x8x128xf32, #tpu.memory_space<hbm>> -> memref<8x8x128xf32, #tpu.memory_space<hbm>>
    %dma_start3A_72 = arith.constant 0 : i32
    %dma_start3A_73 = arith.constant 0 : i32
    %dma_start3A_74 = arith.constant 0 : i32
    %dma_start3A_75 = tpu.memref_slice %arg4[%dma_start3A_62, %dma_start3A_72, %add3A_61, %dma_start3A_73, %dma_start3A_74] : memref<50x8x128x8x128xf32, #tpu.memory_space<hbm>> -> memref<1x8x1x8x128xf32, #tpu.memory_space<hbm>>
    %dma_start3A_76 = tpu.memref_squeeze %dma_start3A_75 : memref<1x8x1x8x128xf32, #tpu.memory_space<hbm>> -> memref<8x8x128xf32, #tpu.memory_space<hbm>>
    %dma_start3A_77 = arith.constant 0 : i32
    %dma_start3A_78 = arith.constant 0 : i32
    %dma_start3A_79 = arith.constant 0 : i32
    %dma_start3A_80 = tpu.memref_slice %arg10[%dma_start3A_77, %dma_start3A_78, %dma_start3A_79] : memref<8x8x129xf32, #tpu.memory_space<vmem>> -> memref<8x8x128xf32, #tpu.memory_space<vmem>>
    tpu.enqueue_dma source(%dma_start3A_80 : memref<8x8x128xf32, #tpu.memory_space<vmem>>) target(%dma_start3A_76 : memref<8x8x128xf32, #tpu.memory_space<hbm>>) target_semaphore(%arg18 : memref<!tpu.dma_semaphore, #tpu.memory_space<semaphore_mem>>)
    %dma_start3A_81 = arith.constant 0 : i32
    %dma_start3A_82 = arith.constant 128 : i32
    %dma_start3A_83 = tpu.memref_slice %arg5[%dma_start3A_81, %dma_start3A_82] : memref<50x512xi32, #tpu.memory_space<vmem>> -> memref<1x128xi32, #tpu.memory_space<vmem>>
    %dma_start3A_84 = tpu.memref_squeeze %dma_start3A_83 : memref<1x128xi32, #tpu.memory_space<vmem>> -> memref<128xi32, #tpu.memory_space<vmem>>
    %dma_start3A_85 = arith.constant 0 : i32
    %dma_start3A_86 = arith.constant 0 : i32
    %dma_start3A_87 = tpu.memref_slice %arg3[%dma_start3A_85, %dma_start3A_86] : memref<100000x64xf32, #tpu.memory_space<hbm>> -> memref<100000x64xf32, #tpu.memory_space<hbm>>
    tpu.enqueue_indirect_dma source(%dma_start3A_87 : memref<100000x64xf32, #tpu.memory_space<hbm>>) target(%arg7 : memref<128x64xf32, #tpu.memory_space<vmem>>) offsets(%dma_start3A_84 : memref<128xi32, #tpu.memory_space<vmem>>) semaphore(%arg15 : memref<!tpu.dma_semaphore, #tpu.memory_space<semaphore_mem>>)
    %mul3A_88 = arith.constant 4 : i32
    %mul3A_89 = arith.muli %add3A, %mul3A_88 : i32
    %add3A_90 = arith.constant 1 : i32
    %add3A_91 = arith.addi %mul3A_89, %add3A_90 : i32
    %dma_start3A_92 = arith.constant 0 : i32
    %dma_start3A_93 = arith.constant 0 : i32
    %dma_start3A_94 = arith.constant 0 : i32
    %dma_start3A_95 = arith.constant 0 : i32
    %dma_start3A_96 = tpu.memref_slice %arg11[%dma_start3A_93, %dma_start3A_94, %dma_start3A_95] : memref<8x8x129xf32, #tpu.memory_space<vmem>> -> memref<8x8x128xf32, #tpu.memory_space<vmem>>
    %dma_start3A_97 = arith.constant 0 : i32
    %dma_start3A_98 = arith.constant 0 : i32
    %dma_start3A_99 = arith.constant 0 : i32
    %dma_start3A_100 = tpu.memref_slice %arg4[%dma_start3A_92, %dma_start3A_97, %add3A_91, %dma_start3A_98, %dma_start3A_99] : memref<50x8x128x8x128xf32, #tpu.memory_space<hbm>> -> memref<1x8x1x8x128xf32, #tpu.memory_space<hbm>>
    %dma_start3A_101 = tpu.memref_squeeze %dma_start3A_100 : memref<1x8x1x8x128xf32, #tpu.memory_space<hbm>> -> memref<8x8x128xf32, #tpu.memory_space<hbm>>
    %dma_start3A_102 = arith.constant 0 : i32
    %dma_start3A_103 = arith.constant 0 : i32
    %dma_start3A_104 = arith.constant 0 : i32
    %dma_start3A_105 = tpu.memref_slice %arg4[%dma_start3A_92, %dma_start3A_102, %add3A_91, %dma_start3A_103, %dma_start3A_104] : memref<50x8x128x8x128xf32, #tpu.memory_space<hbm>> -> memref<1x8x1x8x128xf32, #tpu.memory_space<hbm>>
    %dma_start3A_106 = tpu.memref_squeeze %dma_start3A_105 : memref<1x8x1x8x128xf32, #tpu.memory_space<hbm>> -> memref<8x8x128xf32, #tpu.memory_space<hbm>>
    %dma_start3A_107 = arith.constant 0 : i32
    %dma_start3A_108 = arith.constant 0 : i32
    %dma_start3A_109 = arith.constant 0 : i32
    %dma_start3A_110 = tpu.memref_slice %arg11[%dma_start3A_107, %dma_start3A_108, %dma_start3A_109] : memref<8x8x129xf32, #tpu.memory_space<vmem>> -> memref<8x8x128xf32, #tpu.memory_space<vmem>>
    tpu.enqueue_dma source(%dma_start3A_110 : memref<8x8x128xf32, #tpu.memory_space<vmem>>) target(%dma_start3A_106 : memref<8x8x128xf32, #tpu.memory_space<hbm>>) target_semaphore(%arg19 : memref<!tpu.dma_semaphore, #tpu.memory_space<semaphore_mem>>)
    %dma_start3A_111 = arith.constant 0 : i32
    %dma_start3A_112 = arith.constant 256 : i32
    %dma_start3A_113 = tpu.memref_slice %arg5[%dma_start3A_111, %dma_start3A_112] : memref<50x512xi32, #tpu.memory_space<vmem>> -> memref<1x128xi32, #tpu.memory_space<vmem>>
    %dma_start3A_114 = tpu.memref_squeeze %dma_start3A_113 : memref<1x128xi32, #tpu.memory_space<vmem>> -> memref<128xi32, #tpu.memory_space<vmem>>
    %dma_start3A_115 = arith.constant 0 : i32
    %dma_start3A_116 = arith.constant 0 : i32
    %dma_start3A_117 = tpu.memref_slice %arg3[%dma_start3A_115, %dma_start3A_116] : memref<100000x64xf32, #tpu.memory_space<hbm>> -> memref<100000x64xf32, #tpu.memory_space<hbm>>
    tpu.enqueue_indirect_dma source(%dma_start3A_117 : memref<100000x64xf32, #tpu.memory_space<hbm>>) target(%arg8 : memref<128x64xf32, #tpu.memory_space<vmem>>) offsets(%dma_start3A_114 : memref<128xi32, #tpu.memory_space<vmem>>) semaphore(%arg16 : memref<!tpu.dma_semaphore, #tpu.memory_space<semaphore_mem>>)
    %mul3A_118 = arith.constant 4 : i32
    %mul3A_119 = arith.muli %add3A, %mul3A_118 : i32
    %add3A_120 = arith.constant 2 : i32
    %add3A_121 = arith.addi %mul3A_119, %add3A_120 : i32
    %dma_start3A_122 = arith.constant 0 : i32
    %dma_start3A_123 = arith.constant 0 : i32
    %dma_start3A_124 = arith.constant 0 : i32
    %dma_start3A_125 = arith.constant 0 : i32
    %dma_start3A_126 = tpu.memref_slice %arg12[%dma_start3A_123, %dma_start3A_124, %dma_start3A_125] : memref<8x8x129xf32, #tpu.memory_space<vmem>> -> memref<8x8x128xf32, #tpu.memory_space<vmem>>
    %dma_start3A_127 = arith.constant 0 : i32
    %dma_start3A_128 = arith.constant 0 : i32
    %dma_start3A_129 = arith.constant 0 : i32
    %dma_start3A_130 = tpu.memref_slice %arg4[%dma_start3A_122, %dma_start3A_127, %add3A_121, %dma_start3A_128, %dma_start3A_129] : memref<50x8x128x8x128xf32, #tpu.memory_space<hbm>> -> memref<1x8x1x8x128xf32, #tpu.memory_space<hbm>>
    %dma_start3A_131 = tpu.memref_squeeze %dma_start3A_130 : memref<1x8x1x8x128xf32, #tpu.memory_space<hbm>> -> memref<8x8x128xf32, #tpu.memory_space<hbm>>
    %dma_start3A_132 = arith.constant 0 : i32
    %dma_start3A_133 = arith.constant 0 : i32
    %dma_start3A_134 = arith.constant 0 : i32
    %dma_start3A_135 = tpu.memref_slice %arg4[%dma_start3A_122, %dma_start3A_132, %add3A_121, %dma_start3A_133, %dma_start3A_134] : memref<50x8x128x8x128xf32, #tpu.memory_space<hbm>> -> memref<1x8x1x8x128xf32, #tpu.memory_space<hbm>>
    %dma_start3A_136 = tpu.memref_squeeze %dma_start3A_135 : memref<1x8x1x8x128xf32, #tpu.memory_space<hbm>> -> memref<8x8x128xf32, #tpu.memory_space<hbm>>
    %dma_start3A_137 = arith.constant 0 : i32
    %dma_start3A_138 = arith.constant 0 : i32
    %dma_start3A_139 = arith.constant 0 : i32
    %dma_start3A_140 = tpu.memref_slice %arg12[%dma_start3A_137, %dma_start3A_138, %dma_start3A_139] : memref<8x8x129xf32, #tpu.memory_space<vmem>> -> memref<8x8x128xf32, #tpu.memory_space<vmem>>
    tpu.enqueue_dma source(%dma_start3A_140 : memref<8x8x128xf32, #tpu.memory_space<vmem>>) target(%dma_start3A_136 : memref<8x8x128xf32, #tpu.memory_space<hbm>>) target_semaphore(%arg20 : memref<!tpu.dma_semaphore, #tpu.memory_space<semaphore_mem>>)
    %dma_start3A_141 = arith.constant 0 : i32
    %dma_start3A_142 = arith.constant 384 : i32
    %dma_start3A_143 = tpu.memref_slice %arg5[%dma_start3A_141, %dma_start3A_142] : memref<50x512xi32, #tpu.memory_space<vmem>> -> memref<1x128xi32, #tpu.memory_space<vmem>>
    %dma_start3A_144 = tpu.memref_squeeze %dma_start3A_143 : memref<1x128xi32, #tpu.memory_space<vmem>> -> memref<128xi32, #tpu.memory_space<vmem>>
    %dma_start3A_145 = arith.constant 0 : i32
    %dma_start3A_146 = arith.constant 0 : i32
    %dma_start3A_147 = tpu.memref_slice %arg3[%dma_start3A_145, %dma_start3A_146] : memref<100000x64xf32, #tpu.memory_space<hbm>> -> memref<100000x64xf32, #tpu.memory_space<hbm>>
    tpu.enqueue_indirect_dma source(%dma_start3A_147 : memref<100000x64xf32, #tpu.memory_space<hbm>>) target(%arg9 : memref<128x64xf32, #tpu.memory_space<vmem>>) offsets(%dma_start3A_144 : memref<128xi32, #tpu.memory_space<vmem>>) semaphore(%arg17 : memref<!tpu.dma_semaphore, #tpu.memory_space<semaphore_mem>>)
    %mul3A_148 = arith.constant 4 : i32
    %mul3A_149 = arith.muli %add3A, %mul3A_148 : i32
    %add3A_150 = arith.constant 3 : i32
    %add3A_151 = arith.addi %mul3A_149, %add3A_150 : i32
    %dma_start3A_152 = arith.constant 0 : i32
    %dma_start3A_153 = arith.constant 0 : i32
    %dma_start3A_154 = arith.constant 0 : i32
    %dma_start3A_155 = arith.constant 0 : i32
    %dma_start3A_156 = tpu.memref_slice %arg13[%dma_start3A_153, %dma_start3A_154, %dma_start3A_155] : memref<8x8x129xf32, #tpu.memory_space<vmem>> -> memref<8x8x128xf32, #tpu.memory_space<vmem>>
    %dma_start3A_157 = arith.constant 0 : i32
    %dma_start3A_158 = arith.constant 0 : i32
    %dma_start3A_159 = arith.constant 0 : i32
    %dma_start3A_160 = tpu.memref_slice %arg4[%dma_start3A_152, %dma_start3A_157, %add3A_151, %dma_start3A_158, %dma_start3A_159] : memref<50x8x128x8x128xf32, #tpu.memory_space<hbm>> -> memref<1x8x1x8x128xf32, #tpu.memory_space<hbm>>
    %dma_start3A_161 = tpu.memref_squeeze %dma_start3A_160 : memref<1x8x1x8x128xf32, #tpu.memory_space<hbm>> -> memref<8x8x128xf32, #tpu.memory_space<hbm>>
    %dma_start3A_162 = arith.constant 0 : i32
    %dma_start3A_163 = arith.constant 0 : i32
    %dma_start3A_164 = arith.constant 0 : i32
    %dma_start3A_165 = tpu.memref_slice %arg4[%dma_start3A_152, %dma_start3A_162, %add3A_151, %dma_start3A_163, %dma_start3A_164] : memref<50x8x128x8x128xf32, #tpu.memory_space<hbm>> -> memref<1x8x1x8x128xf32, #tpu.memory_space<hbm>>
    %dma_start3A_166 = tpu.memref_squeeze %dma_start3A_165 : memref<1x8x1x8x128xf32, #tpu.memory_space<hbm>> -> memref<8x8x128xf32, #tpu.memory_space<hbm>>
    %dma_start3A_167 = arith.constant 0 : i32
    %dma_start3A_168 = arith.constant 0 : i32
    %dma_start3A_169 = arith.constant 0 : i32
    %dma_start3A_170 = tpu.memref_slice %arg13[%dma_start3A_167, %dma_start3A_168, %dma_start3A_169] : memref<8x8x129xf32, #tpu.memory_space<vmem>> -> memref<8x8x128xf32, #tpu.memory_space<vmem>>
    tpu.enqueue_dma source(%dma_start3A_170 : memref<8x8x128xf32, #tpu.memory_space<vmem>>) target(%dma_start3A_166 : memref<8x8x128xf32, #tpu.memory_space<hbm>>) target_semaphore(%arg21 : memref<!tpu.dma_semaphore, #tpu.memory_space<semaphore_mem>>)
    %scan3A = arith.constant 0 : i32
    %scan3A_171 = arith.constant 0 : i32
    %scan3A_172 = arith.constant 50 : i32
    %scan3A_173 = arith.addi %scan3A_171, %scan3A_172 : i32
    %scan3A_174 = arith.constant 1 : i32
    scf.for %scan3A_267 = %scan3A_171 to %scan3A_173 step %scan3A_174  : i32 {
      %dma_wait3A_268 = arith.constant 0 : i32
      %dma_wait3A_269 = tpu.memref_slice %arg5[%scan3A_267, %dma_wait3A_268] : memref<50x512xi32, #tpu.memory_space<vmem>> -> memref<1x128xi32, #tpu.memory_space<vmem>>
      %dma_wait3A_270 = tpu.memref_squeeze %dma_wait3A_269 : memref<1x128xi32, #tpu.memory_space<vmem>> -> memref<128xi32, #tpu.memory_space<vmem>>
      %dma_wait3A_271 = arith.constant 0 : i32
      %dma_wait3A_272 = arith.constant 0 : i32
      %dma_wait3A_273 = tpu.memref_slice %arg3[%dma_wait3A_271, %dma_wait3A_272] : memref<100000x64xf32, #tpu.memory_space<hbm>> -> memref<100000x64xf32, #tpu.memory_space<hbm>>
      tpu.wait_indirect_dma semaphore(%arg14 : memref<!tpu.dma_semaphore, #tpu.memory_space<semaphore_mem>>) src(%dma_wait3A_273 : memref<100000x64xf32, #tpu.memory_space<hbm>>) dst(%arg6 : memref<128x64xf32, #tpu.memory_space<vmem>>)
      %mul3A_274 = arith.constant 4 : i32
      %mul3A_275 = arith.muli %add3A, %mul3A_274 : i32
      %add3A_276 = arith.constant 0 : i32
      %add3A_277 = arith.addi %mul3A_275, %add3A_276 : i32
      %dma_wait3A_278 = arith.constant 0 : i32
      %dma_wait3A_279 = arith.constant 0 : i32
      %dma_wait3A_280 = arith.constant 0 : i32
      %dma_wait3A_281 = tpu.memref_slice %arg10[%dma_wait3A_278, %dma_wait3A_279, %dma_wait3A_280] : memref<8x8x129xf32, #tpu.memory_space<vmem>> -> memref<8x8x128xf32, #tpu.memory_space<vmem>>
      %dma_wait3A_282 = arith.constant 0 : i32
      %dma_wait3A_283 = arith.constant 0 : i32
      %dma_wait3A_284 = arith.constant 0 : i32
      %dma_wait3A_285 = tpu.memref_slice %arg4[%scan3A_267, %dma_wait3A_282, %add3A_277, %dma_wait3A_283, %dma_wait3A_284] : memref<50x8x128x8x128xf32, #tpu.memory_space<hbm>> -> memref<1x8x1x8x128xf32, #tpu.memory_space<hbm>>
      %dma_wait3A_286 = tpu.memref_squeeze %dma_wait3A_285 : memref<1x8x1x8x128xf32, #tpu.memory_space<hbm>> -> memref<8x8x128xf32, #tpu.memory_space<hbm>>
      %dma_wait3A_287 = arith.constant 0 : i32
      %dma_wait3A_288 = arith.constant 0 : i32
      %dma_wait3A_289 = arith.constant 0 : i32
      %dma_wait3A_290 = tpu.memref_slice %arg4[%scan3A_267, %dma_wait3A_287, %add3A_277, %dma_wait3A_288, %dma_wait3A_289] : memref<50x8x128x8x128xf32, #tpu.memory_space<hbm>> -> memref<1x8x1x8x128xf32, #tpu.memory_space<hbm>>
      %dma_wait3A_291 = tpu.memref_squeeze %dma_wait3A_290 : memref<1x8x1x8x128xf32, #tpu.memory_space<hbm>> -> memref<8x8x128xf32, #tpu.memory_space<hbm>>
      %dma_wait3A_292 = arith.constant 0 : i32
      %dma_wait3A_293 = arith.constant 0 : i32
      %dma_wait3A_294 = arith.constant 0 : i32
      %dma_wait3A_295 = tpu.memref_slice %arg10[%dma_wait3A_292, %dma_wait3A_293, %dma_wait3A_294] : memref<8x8x129xf32, #tpu.memory_space<vmem>> -> memref<8x8x128xf32, #tpu.memory_space<vmem>>
      tpu.wait_dma2 semaphore(%arg18 : memref<!tpu.dma_semaphore, #tpu.memory_space<semaphore_mem>>) src(%dma_wait3A_295 : memref<8x8x128xf32, #tpu.memory_space<vmem>>) dst(%dma_wait3A_291 : memref<8x8x128xf32, #tpu.memory_space<hbm>>)
      %parallel_loop3A = arith.constant 0 : i32
      %parallel_loop3A_296 = arith.constant 128 : i32
      %parallel_loop3A_297 = arith.constant 1 : i32
      scf.for %parallel_loop3A_496 = %parallel_loop3A to %parallel_loop3A_296 step %parallel_loop3A_297  : i32 {
        %parallel_loop3A_497 = vector.broadcast %parallel_loop3A_496 : i32 to vector<16xi32>
        %parallel_loop3A_498 = arith.index_cast %parallel_loop3A_496 : i32 to index
        %parallel_loop3A_499 = arith.constant 0 : index
        %parallel_loop3A_500 = tpu.vector_load %arg6[%parallel_loop3A_498, %parallel_loop3A_499] {strides = array<i32>} : memref<128x64xf32, #tpu.memory_space<vmem>>, vector<16xf32>,
        %parallel_loop3A_501 = arith.index_cast %parallel_loop3A_496 : i32 to index
        %parallel_loop3A_502 = arith.constant 16 : index
        %parallel_loop3A_503 = tpu.vector_load %arg6[%parallel_loop3A_501, %parallel_loop3A_502] {strides = array<i32>} : memref<128x64xf32, #tpu.memory_space<vmem>>, vector<16xf32>,
        %parallel_loop3A_504 = arith.index_cast %parallel_loop3A_496 : i32 to index
        %parallel_loop3A_505 = arith.constant 32 : index
        %parallel_loop3A_506 = tpu.vector_load %arg6[%parallel_loop3A_504, %parallel_loop3A_505] {strides = array<i32>} : memref<128x64xf32, #tpu.memory_space<vmem>>, vector<16xf32>,
        %parallel_loop3A_507 = arith.index_cast %parallel_loop3A_496 : i32 to index
        %parallel_loop3A_508 = arith.constant 48 : index
        %parallel_loop3A_509 = tpu.vector_load %arg6[%parallel_loop3A_507, %parallel_loop3A_508] {strides = array<i32>} : memref<128x64xf32, #tpu.memory_space<vmem>>, vector<16xf32>,
        tpu.vector_store_idx %arg10[%shift_right_logical3A_9, %and3A_32, %parallel_loop3A_497], %parallel_loop3A_500 : memref<8x8x129xf32, #tpu.memory_space<vmem>>[vector<16xi32>, vector<16xi32>, vector<16xi32>], vector<16xf32>,
        tpu.vector_store_idx %arg10[%shift_right_logical3A_15, %and3A_38, %parallel_loop3A_497], %parallel_loop3A_503 : memref<8x8x129xf32, #tpu.memory_space<vmem>>[vector<16xi32>, vector<16xi32>, vector<16xi32>], vector<16xf32>,
        tpu.vector_store_idx %arg10[%shift_right_logical3A_21, %and3A_44, %parallel_loop3A_497], %parallel_loop3A_506 : memref<8x8x129xf32, #tpu.memory_space<vmem>>[vector<16xi32>, vector<16xi32>, vector<16xi32>], vector<16xf32>,
        tpu.vector_store_idx %arg10[%shift_right_logical3A_27, %and3A_50, %parallel_loop3A_497], %parallel_loop3A_509 : memref<8x8x129xf32, #tpu.memory_space<vmem>>[vector<16xi32>, vector<16xi32>, vector<16xi32>], vector<16xf32>,
      } {sc.loop_unroll_factor = 8 : i64, sc.parallel_access}
      %lt3A = arith.constant 49 : i32
      %lt3A_298 = arith.cmpi slt, %scan3A_267, %lt3A : i32
      %convert_element_type3A = arith.extui %lt3A_298 : i1 to i32
      %cond3A = arith.constant 0 : i32
      %cond3A_299 = arith.cmpi ne, %convert_element_type3A, %cond3A : i32
      scf.if %cond3A_299 {
        %add3A_496 = arith.constant 1 : i32
        %add3A_497 = arith.addi %scan3A_267, %add3A_496 : i32
        %dma_start3A_498 = arith.constant 0 : i32
        %dma_start3A_499 = tpu.memref_slice %arg5[%add3A_497, %dma_start3A_498] : memref<50x512xi32, #tpu.memory_space<vmem>> -> memref<1x128xi32, #tpu.memory_space<vmem>>
        %dma_start3A_500 = tpu.memref_squeeze %dma_start3A_499 : memref<1x128xi32, #tpu.memory_space<vmem>> -> memref<128xi32, #tpu.memory_space<vmem>>
        %dma_start3A_501 = arith.constant 0 : i32
        %dma_start3A_502 = arith.constant 0 : i32
        %dma_start3A_503 = tpu.memref_slice %arg3[%dma_start3A_501, %dma_start3A_502] : memref<100000x64xf32, #tpu.memory_space<hbm>> -> memref<100000x64xf32, #tpu.memory_space<hbm>>
        tpu.enqueue_indirect_dma source(%dma_start3A_503 : memref<100000x64xf32, #tpu.memory_space<hbm>>) target(%arg6 : memref<128x64xf32, #tpu.memory_space<vmem>>) offsets(%dma_start3A_500 : memref<128xi32, #tpu.memory_space<vmem>>) semaphore(%arg14 : memref<!tpu.dma_semaphore, #tpu.memory_space<semaphore_mem>>)
      } else {
      }
      %mul3A_300 = arith.constant 4 : i32
      %mul3A_301 = arith.muli %add3A, %mul3A_300 : i32
      %add3A_302 = arith.constant 0 : i32
      %add3A_303 = arith.addi %mul3A_301, %add3A_302 : i32
      %dma_start3A_304 = arith.constant 0 : i32
      %dma_start3A_305 = arith.constant 0 : i32
      %dma_start3A_306 = arith.constant 0 : i32
      %dma_start3A_307 = tpu.memref_slice %arg10[%dma_start3A_304, %dma_start3A_305, %dma_start3A_306] : memref<8x8x129xf32, #tpu.memory_space<vmem>> -> memref<8x8x128xf32, #tpu.memory_space<vmem>>
      %dma_start3A_308 = arith.constant 0 : i32
      %dma_start3A_309 = arith.constant 0 : i32
      %dma_start3A_310 = arith.constant 0 : i32
      %dma_start3A_311 = tpu.memref_slice %arg4[%scan3A_267, %dma_start3A_308, %add3A_303, %dma_start3A_309, %dma_start3A_310] : memref<50x8x128x8x128xf32, #tpu.memory_space<hbm>> -> memref<1x8x1x8x128xf32, #tpu.memory_space<hbm>>
      %dma_start3A_312 = tpu.memref_squeeze %dma_start3A_311 : memref<1x8x1x8x128xf32, #tpu.memory_space<hbm>> -> memref<8x8x128xf32, #tpu.memory_space<hbm>>
      %dma_start3A_313 = arith.constant 0 : i32
      %dma_start3A_314 = arith.constant 0 : i32
      %dma_start3A_315 = arith.constant 0 : i32
      %dma_start3A_316 = tpu.memref_slice %arg4[%scan3A_267, %dma_start3A_313, %add3A_303, %dma_start3A_314, %dma_start3A_315] : memref<50x8x128x8x128xf32, #tpu.memory_space<hbm>> -> memref<1x8x1x8x128xf32, #tpu.memory_space<hbm>>
      %dma_start3A_317 = tpu.memref_squeeze %dma_start3A_316 : memref<1x8x1x8x128xf32, #tpu.memory_space<hbm>> -> memref<8x8x128xf32, #tpu.memory_space<hbm>>
      %dma_start3A_318 = arith.constant 0 : i32
      %dma_start3A_319 = arith.constant 0 : i32
      %dma_start3A_320 = arith.constant 0 : i32
      %dma_start3A_321 = tpu.memref_slice %arg10[%dma_start3A_318, %dma_start3A_319, %dma_start3A_320] : memref<8x8x129xf32, #tpu.memory_space<vmem>> -> memref<8x8x128xf32, #tpu.memory_space<vmem>>
      tpu.enqueue_dma source(%dma_start3A_321 : memref<8x8x128xf32, #tpu.memory_space<vmem>>) target(%dma_start3A_317 : memref<8x8x128xf32, #tpu.memory_space<hbm>>) target_semaphore(%arg18 : memref<!tpu.dma_semaphore, #tpu.memory_space<semaphore_mem>>)
      %dma_wait3A_322 = arith.constant 128 : i32
      %dma_wait3A_323 = tpu.memref_slice %arg5[%scan3A_267, %dma_wait3A_322] : memref<50x512xi32, #tpu.memory_space<vmem>> -> memref<1x128xi32, #tpu.memory_space<vmem>>
      %dma_wait3A_324 = tpu.memref_squeeze %dma_wait3A_323 : memref<1x128xi32, #tpu.memory_space<vmem>> -> memref<128xi32, #tpu.memory_space<vmem>>
      %dma_wait3A_325 = arith.constant 0 : i32
      %dma_wait3A_326 = arith.constant 0 : i32
      %dma_wait3A_327 = tpu.memref_slice %arg3[%dma_wait3A_325, %dma_wait3A_326] : memref<100000x64xf32, #tpu.memory_space<hbm>> -> memref<100000x64xf32, #tpu.memory_space<hbm>>
      tpu.wait_indirect_dma semaphore(%arg15 : memref<!tpu.dma_semaphore, #tpu.memory_space<semaphore_mem>>) src(%dma_wait3A_327 : memref<100000x64xf32, #tpu.memory_space<hbm>>) dst(%arg7 : memref<128x64xf32, #tpu.memory_space<vmem>>)
      %mul3A_328 = arith.constant 4 : i32
      %mul3A_329 = arith.muli %add3A, %mul3A_328 : i32
      %add3A_330 = arith.constant 1 : i32
      %add3A_331 = arith.addi %mul3A_329, %add3A_330 : i32
      %dma_wait3A_332 = arith.constant 0 : i32
      %dma_wait3A_333 = arith.constant 0 : i32
      %dma_wait3A_334 = arith.constant 0 : i32
      %dma_wait3A_335 = tpu.memref_slice %arg11[%dma_wait3A_332, %dma_wait3A_333, %dma_wait3A_334] : memref<8x8x129xf32, #tpu.memory_space<vmem>> -> memref<8x8x128xf32, #tpu.memory_space<vmem>>
      %dma_wait3A_336 = arith.constant 0 : i32
      %dma_wait3A_337 = arith.constant 0 : i32
      %dma_wait3A_338 = arith.constant 0 : i32
      %dma_wait3A_339 = tpu.memref_slice %arg4[%scan3A_267, %dma_wait3A_336, %add3A_331, %dma_wait3A_337, %dma_wait3A_338] : memref<50x8x128x8x128xf32, #tpu.memory_space<hbm>> -> memref<1x8x1x8x128xf32, #tpu.memory_space<hbm>>
      %dma_wait3A_340 = tpu.memref_squeeze %dma_wait3A_339 : memref<1x8x1x8x128xf32, #tpu.memory_space<hbm>> -> memref<8x8x128xf32, #tpu.memory_space<hbm>>
      %dma_wait3A_341 = arith.constant 0 : i32
      %dma_wait3A_342 = arith.constant 0 : i32
      %dma_wait3A_343 = arith.constant 0 : i32
      %dma_wait3A_344 = tpu.memref_slice %arg4[%scan3A_267, %dma_wait3A_341, %add3A_331, %dma_wait3A_342, %dma_wait3A_343] : memref<50x8x128x8x128xf32, #tpu.memory_space<hbm>> -> memref<1x8x1x8x128xf32, #tpu.memory_space<hbm>>
      %dma_wait3A_345 = tpu.memref_squeeze %dma_wait3A_344 : memref<1x8x1x8x128xf32, #tpu.memory_space<hbm>> -> memref<8x8x128xf32, #tpu.memory_space<hbm>>
      %dma_wait3A_346 = arith.constant 0 : i32
      %dma_wait3A_347 = arith.constant 0 : i32
      %dma_wait3A_348 = arith.constant 0 : i32
      %dma_wait3A_349 = tpu.memref_slice %arg11[%dma_wait3A_346, %dma_wait3A_347, %dma_wait3A_348] : memref<8x8x129xf32, #tpu.memory_space<vmem>> -> memref<8x8x128xf32, #tpu.memory_space<vmem>>
      tpu.wait_dma2 semaphore(%arg19 : memref<!tpu.dma_semaphore, #tpu.memory_space<semaphore_mem>>) src(%dma_wait3A_349 : memref<8x8x128xf32, #tpu.memory_space<vmem>>) dst(%dma_wait3A_345 : memref<8x8x128xf32, #tpu.memory_space<hbm>>)
      %parallel_loop3A_350 = arith.constant 0 : i32
      %parallel_loop3A_351 = arith.constant 128 : i32
      %parallel_loop3A_352 = arith.constant 1 : i32
      scf.for %parallel_loop3A_496 = %parallel_loop3A_350 to %parallel_loop3A_351 step %parallel_loop3A_352  : i32 {
        %parallel_loop3A_497 = vector.broadcast %parallel_loop3A_496 : i32 to vector<16xi32>
        %parallel_loop3A_498 = arith.index_cast %parallel_loop3A_496 : i32 to index
        %parallel_loop3A_499 = arith.constant 0 : index
        %parallel_loop3A_500 = tpu.vector_load %arg7[%parallel_loop3A_498, %parallel_loop3A_499] {strides = array<i32>} : memref<128x64xf32, #tpu.memory_space<vmem>>, vector<16xf32>,
        %parallel_loop3A_501 = arith.index_cast %parallel_loop3A_496 : i32 to index
        %parallel_loop3A_502 = arith.constant 16 : index
        %parallel_loop3A_503 = tpu.vector_load %arg7[%parallel_loop3A_501, %parallel_loop3A_502] {strides = array<i32>} : memref<128x64xf32, #tpu.memory_space<vmem>>, vector<16xf32>,
        %parallel_loop3A_504 = arith.index_cast %parallel_loop3A_496 : i32 to index
        %parallel_loop3A_505 = arith.constant 32 : index
        %parallel_loop3A_506 = tpu.vector_load %arg7[%parallel_loop3A_504, %parallel_loop3A_505] {strides = array<i32>} : memref<128x64xf32, #tpu.memory_space<vmem>>, vector<16xf32>,
        %parallel_loop3A_507 = arith.index_cast %parallel_loop3A_496 : i32 to index
        %parallel_loop3A_508 = arith.constant 48 : index
        %parallel_loop3A_509 = tpu.vector_load %arg7[%parallel_loop3A_507, %parallel_loop3A_508] {strides = array<i32>} : memref<128x64xf32, #tpu.memory_space<vmem>>, vector<16xf32>,
        tpu.vector_store_idx %arg11[%shift_right_logical3A_9, %and3A_32, %parallel_loop3A_497], %parallel_loop3A_500 : memref<8x8x129xf32, #tpu.memory_space<vmem>>[vector<16xi32>, vector<16xi32>, vector<16xi32>], vector<16xf32>,
        tpu.vector_store_idx %arg11[%shift_right_logical3A_15, %and3A_38, %parallel_loop3A_497], %parallel_loop3A_503 : memref<8x8x129xf32, #tpu.memory_space<vmem>>[vector<16xi32>, vector<16xi32>, vector<16xi32>], vector<16xf32>,
        tpu.vector_store_idx %arg11[%shift_right_logical3A_21, %and3A_44, %parallel_loop3A_497], %parallel_loop3A_506 : memref<8x8x129xf32, #tpu.memory_space<vmem>>[vector<16xi32>, vector<16xi32>, vector<16xi32>], vector<16xf32>,
        tpu.vector_store_idx %arg11[%shift_right_logical3A_27, %and3A_50, %parallel_loop3A_497], %parallel_loop3A_509 : memref<8x8x129xf32, #tpu.memory_space<vmem>>[vector<16xi32>, vector<16xi32>, vector<16xi32>], vector<16xf32>,
      } {sc.loop_unroll_factor = 8 : i64, sc.parallel_access}
      %lt3A_353 = arith.constant 49 : i32
      %lt3A_354 = arith.cmpi slt, %scan3A_267, %lt3A_353 : i32
      %convert_element_type3A_355 = arith.extui %lt3A_354 : i1 to i32
      %cond3A_356 = arith.constant 0 : i32
      %cond3A_357 = arith.cmpi ne, %convert_element_type3A_355, %cond3A_356 : i32
      scf.if %cond3A_357 {
        %add3A_496 = arith.constant 1 : i32
        %add3A_497 = arith.addi %scan3A_267, %add3A_496 : i32
        %dma_start3A_498 = arith.constant 128 : i32
        %dma_start3A_499 = tpu.memref_slice %arg5[%add3A_497, %dma_start3A_498] : memref<50x512xi32, #tpu.memory_space<vmem>> -> memref<1x128xi32, #tpu.memory_space<vmem>>
        %dma_start3A_500 = tpu.memref_squeeze %dma_start3A_499 : memref<1x128xi32, #tpu.memory_space<vmem>> -> memref<128xi32, #tpu.memory_space<vmem>>
        %dma_start3A_501 = arith.constant 0 : i32
        %dma_start3A_502 = arith.constant 0 : i32
        %dma_start3A_503 = tpu.memref_slice %arg3[%dma_start3A_501, %dma_start3A_502] : memref<100000x64xf32, #tpu.memory_space<hbm>> -> memref<100000x64xf32, #tpu.memory_space<hbm>>
        tpu.enqueue_indirect_dma source(%dma_start3A_503 : memref<100000x64xf32, #tpu.memory_space<hbm>>) target(%arg7 : memref<128x64xf32, #tpu.memory_space<vmem>>) offsets(%dma_start3A_500 : memref<128xi32, #tpu.memory_space<vmem>>) semaphore(%arg15 : memref<!tpu.dma_semaphore, #tpu.memory_space<semaphore_mem>>)
      } else {
      }
      %mul3A_358 = arith.constant 4 : i32
      %mul3A_359 = arith.muli %add3A, %mul3A_358 : i32
      %add3A_360 = arith.constant 1 : i32
      %add3A_361 = arith.addi %mul3A_359, %add3A_360 : i32
      %dma_start3A_362 = arith.constant 0 : i32
      %dma_start3A_363 = arith.constant 0 : i32
      %dma_start3A_364 = arith.constant 0 : i32
      %dma_start3A_365 = tpu.memref_slice %arg11[%dma_start3A_362, %dma_start3A_363, %dma_start3A_364] : memref<8x8x129xf32, #tpu.memory_space<vmem>> -> memref<8x8x128xf32, #tpu.memory_space<vmem>>
      %dma_start3A_366 = arith.constant 0 : i32
      %dma_start3A_367 = arith.constant 0 : i32
      %dma_start3A_368 = arith.constant 0 : i32
      %dma_start3A_369 = tpu.memref_slice %arg4[%scan3A_267, %dma_start3A_366, %add3A_361, %dma_start3A_367, %dma_start3A_368] : memref<50x8x128x8x128xf32, #tpu.memory_space<hbm>> -> memref<1x8x1x8x128xf32, #tpu.memory_space<hbm>>
      %dma_start3A_370 = tpu.memref_squeeze %dma_start3A_369 : memref<1x8x1x8x128xf32, #tpu.memory_space<hbm>> -> memref<8x8x128xf32, #tpu.memory_space<hbm>>
      %dma_start3A_371 = arith.constant 0 : i32
      %dma_start3A_372 = arith.constant 0 : i32
      %dma_start3A_373 = arith.constant 0 : i32
      %dma_start3A_374 = tpu.memref_slice %arg4[%scan3A_267, %dma_start3A_371, %add3A_361, %dma_start3A_372, %dma_start3A_373] : memref<50x8x128x8x128xf32, #tpu.memory_space<hbm>> -> memref<1x8x1x8x128xf32, #tpu.memory_space<hbm>>
      %dma_start3A_375 = tpu.memref_squeeze %dma_start3A_374 : memref<1x8x1x8x128xf32, #tpu.memory_space<hbm>> -> memref<8x8x128xf32, #tpu.memory_space<hbm>>
      %dma_start3A_376 = arith.constant 0 : i32
      %dma_start3A_377 = arith.constant 0 : i32
      %dma_start3A_378 = arith.constant 0 : i32
      %dma_start3A_379 = tpu.memref_slice %arg11[%dma_start3A_376, %dma_start3A_377, %dma_start3A_378] : memref<8x8x129xf32, #tpu.memory_space<vmem>> -> memref<8x8x128xf32, #tpu.memory_space<vmem>>
      tpu.enqueue_dma source(%dma_start3A_379 : memref<8x8x128xf32, #tpu.memory_space<vmem>>) target(%dma_start3A_375 : memref<8x8x128xf32, #tpu.memory_space<hbm>>) target_semaphore(%arg19 : memref<!tpu.dma_semaphore, #tpu.memory_space<semaphore_mem>>)
      %dma_wait3A_380 = arith.constant 256 : i32
      %dma_wait3A_381 = tpu.memref_slice %arg5[%scan3A_267, %dma_wait3A_380] : memref<50x512xi32, #tpu.memory_space<vmem>> -> memref<1x128xi32, #tpu.memory_space<vmem>>
      %dma_wait3A_382 = tpu.memref_squeeze %dma_wait3A_381 : memref<1x128xi32, #tpu.memory_space<vmem>> -> memref<128xi32, #tpu.memory_space<vmem>>
      %dma_wait3A_383 = arith.constant 0 : i32
      %dma_wait3A_384 = arith.constant 0 : i32
      %dma_wait3A_385 = tpu.memref_slice %arg3[%dma_wait3A_383, %dma_wait3A_384] : memref<100000x64xf32, #tpu.memory_space<hbm>> -> memref<100000x64xf32, #tpu.memory_space<hbm>>
      tpu.wait_indirect_dma semaphore(%arg16 : memref<!tpu.dma_semaphore, #tpu.memory_space<semaphore_mem>>) src(%dma_wait3A_385 : memref<100000x64xf32, #tpu.memory_space<hbm>>) dst(%arg8 : memref<128x64xf32, #tpu.memory_space<vmem>>)
      %mul3A_386 = arith.constant 4 : i32
      %mul3A_387 = arith.muli %add3A, %mul3A_386 : i32
      %add3A_388 = arith.constant 2 : i32
      %add3A_389 = arith.addi %mul3A_387, %add3A_388 : i32
      %dma_wait3A_390 = arith.constant 0 : i32
      %dma_wait3A_391 = arith.constant 0 : i32
      %dma_wait3A_392 = arith.constant 0 : i32
      %dma_wait3A_393 = tpu.memref_slice %arg12[%dma_wait3A_390, %dma_wait3A_391, %dma_wait3A_392] : memref<8x8x129xf32, #tpu.memory_space<vmem>> -> memref<8x8x128xf32, #tpu.memory_space<vmem>>
      %dma_wait3A_394 = arith.constant 0 : i32
      %dma_wait3A_395 = arith.constant 0 : i32
      %dma_wait3A_396 = arith.constant 0 : i32
      %dma_wait3A_397 = tpu.memref_slice %arg4[%scan3A_267, %dma_wait3A_394, %add3A_389, %dma_wait3A_395, %dma_wait3A_396] : memref<50x8x128x8x128xf32, #tpu.memory_space<hbm>> -> memref<1x8x1x8x128xf32, #tpu.memory_space<hbm>>
      %dma_wait3A_398 = tpu.memref_squeeze %dma_wait3A_397 : memref<1x8x1x8x128xf32, #tpu.memory_space<hbm>> -> memref<8x8x128xf32, #tpu.memory_space<hbm>>
      %dma_wait3A_399 = arith.constant 0 : i32
      %dma_wait3A_400 = arith.constant 0 : i32
      %dma_wait3A_401 = arith.constant 0 : i32
      %dma_wait3A_402 = tpu.memref_slice %arg4[%scan3A_267, %dma_wait3A_399, %add3A_389, %dma_wait3A_400, %dma_wait3A_401] : memref<50x8x128x8x128xf32, #tpu.memory_space<hbm>> -> memref<1x8x1x8x128xf32, #tpu.memory_space<hbm>>
      %dma_wait3A_403 = tpu.memref_squeeze %dma_wait3A_402 : memref<1x8x1x8x128xf32, #tpu.memory_space<hbm>> -> memref<8x8x128xf32, #tpu.memory_space<hbm>>
      %dma_wait3A_404 = arith.constant 0 : i32
      %dma_wait3A_405 = arith.constant 0 : i32
      %dma_wait3A_406 = arith.constant 0 : i32
      %dma_wait3A_407 = tpu.memref_slice %arg12[%dma_wait3A_404, %dma_wait3A_405, %dma_wait3A_406] : memref<8x8x129xf32, #tpu.memory_space<vmem>> -> memref<8x8x128xf32, #tpu.memory_space<vmem>>
      tpu.wait_dma2 semaphore(%arg20 : memref<!tpu.dma_semaphore, #tpu.memory_space<semaphore_mem>>) src(%dma_wait3A_407 : memref<8x8x128xf32, #tpu.memory_space<vmem>>) dst(%dma_wait3A_403 : memref<8x8x128xf32, #tpu.memory_space<hbm>>)
      %parallel_loop3A_408 = arith.constant 0 : i32
      %parallel_loop3A_409 = arith.constant 128 : i32
      %parallel_loop3A_410 = arith.constant 1 : i32
      scf.for %parallel_loop3A_496 = %parallel_loop3A_408 to %parallel_loop3A_409 step %parallel_loop3A_410  : i32 {
        %parallel_loop3A_497 = vector.broadcast %parallel_loop3A_496 : i32 to vector<16xi32>
        %parallel_loop3A_498 = arith.index_cast %parallel_loop3A_496 : i32 to index
        %parallel_loop3A_499 = arith.constant 0 : index
        %parallel_loop3A_500 = tpu.vector_load %arg8[%parallel_loop3A_498, %parallel_loop3A_499] {strides = array<i32>} : memref<128x64xf32, #tpu.memory_space<vmem>>, vector<16xf32>,
        %parallel_loop3A_501 = arith.index_cast %parallel_loop3A_496 : i32 to index
        %parallel_loop3A_502 = arith.constant 16 : index
        %parallel_loop3A_503 = tpu.vector_load %arg8[%parallel_loop3A_501, %parallel_loop3A_502] {strides = array<i32>} : memref<128x64xf32, #tpu.memory_space<vmem>>, vector<16xf32>,
        %parallel_loop3A_504 = arith.index_cast %parallel_loop3A_496 : i32 to index
        %parallel_loop3A_505 = arith.constant 32 : index
        %parallel_loop3A_506 = tpu.vector_load %arg8[%parallel_loop3A_504, %parallel_loop3A_505] {strides = array<i32>} : memref<128x64xf32, #tpu.memory_space<vmem>>, vector<16xf32>,
        %parallel_loop3A_507 = arith.index_cast %parallel_loop3A_496 : i32 to index
        %parallel_loop3A_508 = arith.constant 48 : index
        %parallel_loop3A_509 = tpu.vector_load %arg8[%parallel_loop3A_507, %parallel_loop3A_508] {strides = array<i32>} : memref<128x64xf32, #tpu.memory_space<vmem>>, vector<16xf32>,
        tpu.vector_store_idx %arg12[%shift_right_logical3A_9, %and3A_32, %parallel_loop3A_497], %parallel_loop3A_500 : memref<8x8x129xf32, #tpu.memory_space<vmem>>[vector<16xi32>, vector<16xi32>, vector<16xi32>], vector<16xf32>,
        tpu.vector_store_idx %arg12[%shift_right_logical3A_15, %and3A_38, %parallel_loop3A_497], %parallel_loop3A_503 : memref<8x8x129xf32, #tpu.memory_space<vmem>>[vector<16xi32>, vector<16xi32>, vector<16xi32>], vector<16xf32>,
        tpu.vector_store_idx %arg12[%shift_right_logical3A_21, %and3A_44, %parallel_loop3A_497], %parallel_loop3A_506 : memref<8x8x129xf32, #tpu.memory_space<vmem>>[vector<16xi32>, vector<16xi32>, vector<16xi32>], vector<16xf32>,
        tpu.vector_store_idx %arg12[%shift_right_logical3A_27, %and3A_50, %parallel_loop3A_497], %parallel_loop3A_509 : memref<8x8x129xf32, #tpu.memory_space<vmem>>[vector<16xi32>, vector<16xi32>, vector<16xi32>], vector<16xf32>,
      } {sc.loop_unroll_factor = 8 : i64, sc.parallel_access}
      %lt3A_411 = arith.constant 49 : i32
      %lt3A_412 = arith.cmpi slt, %scan3A_267, %lt3A_411 : i32
      %convert_element_type3A_413 = arith.extui %lt3A_412 : i1 to i32
      %cond3A_414 = arith.constant 0 : i32
      %cond3A_415 = arith.cmpi ne, %convert_element_type3A_413, %cond3A_414 : i32
      scf.if %cond3A_415 {
        %add3A_496 = arith.constant 1 : i32
        %add3A_497 = arith.addi %scan3A_267, %add3A_496 : i32
        %dma_start3A_498 = arith.constant 256 : i32
        %dma_start3A_499 = tpu.memref_slice %arg5[%add3A_497, %dma_start3A_498] : memref<50x512xi32, #tpu.memory_space<vmem>> -> memref<1x128xi32, #tpu.memory_space<vmem>>
        %dma_start3A_500 = tpu.memref_squeeze %dma_start3A_499 : memref<1x128xi32, #tpu.memory_space<vmem>> -> memref<128xi32, #tpu.memory_space<vmem>>
        %dma_start3A_501 = arith.constant 0 : i32
        %dma_start3A_502 = arith.constant 0 : i32
        %dma_start3A_503 = tpu.memref_slice %arg3[%dma_start3A_501, %dma_start3A_502] : memref<100000x64xf32, #tpu.memory_space<hbm>> -> memref<100000x64xf32, #tpu.memory_space<hbm>>
        tpu.enqueue_indirect_dma source(%dma_start3A_503 : memref<100000x64xf32, #tpu.memory_space<hbm>>) target(%arg8 : memref<128x64xf32, #tpu.memory_space<vmem>>) offsets(%dma_start3A_500 : memref<128xi32, #tpu.memory_space<vmem>>) semaphore(%arg16 : memref<!tpu.dma_semaphore, #tpu.memory_space<semaphore_mem>>)
      } else {
      }
      %mul3A_416 = arith.constant 4 : i32
      %mul3A_417 = arith.muli %add3A, %mul3A_416 : i32
      %add3A_418 = arith.constant 2 : i32
      %add3A_419 = arith.addi %mul3A_417, %add3A_418 : i32
      %dma_start3A_420 = arith.constant 0 : i32
      %dma_start3A_421 = arith.constant 0 : i32
      %dma_start3A_422 = arith.constant 0 : i32
      %dma_start3A_423 = tpu.memref_slice %arg12[%dma_start3A_420, %dma_start3A_421, %dma_start3A_422] : memref<8x8x129xf32, #tpu.memory_space<vmem>> -> memref<8x8x128xf32, #tpu.memory_space<vmem>>
      %dma_start3A_424 = arith.constant 0 : i32
      %dma_start3A_425 = arith.constant 0 : i32
      %dma_start3A_426 = arith.constant 0 : i32
      %dma_start3A_427 = tpu.memref_slice %arg4[%scan3A_267, %dma_start3A_424, %add3A_419, %dma_start3A_425, %dma_start3A_426] : memref<50x8x128x8x128xf32, #tpu.memory_space<hbm>> -> memref<1x8x1x8x128xf32, #tpu.memory_space<hbm>>
      %dma_start3A_428 = tpu.memref_squeeze %dma_start3A_427 : memref<1x8x1x8x128xf32, #tpu.memory_space<hbm>> -> memref<8x8x128xf32, #tpu.memory_space<hbm>>
      %dma_start3A_429 = arith.constant 0 : i32
      %dma_start3A_430 = arith.constant 0 : i32
      %dma_start3A_431 = arith.constant 0 : i32
      %dma_start3A_432 = tpu.memref_slice %arg4[%scan3A_267, %dma_start3A_429, %add3A_419, %dma_start3A_430, %dma_start3A_431] : memref<50x8x128x8x128xf32, #tpu.memory_space<hbm>> -> memref<1x8x1x8x128xf32, #tpu.memory_space<hbm>>
      %dma_start3A_433 = tpu.memref_squeeze %dma_start3A_432 : memref<1x8x1x8x128xf32, #tpu.memory_space<hbm>> -> memref<8x8x128xf32, #tpu.memory_space<hbm>>
      %dma_start3A_434 = arith.constant 0 : i32
      %dma_start3A_435 = arith.constant 0 : i32
      %dma_start3A_436 = arith.constant 0 : i32
      %dma_start3A_437 = tpu.memref_slice %arg12[%dma_start3A_434, %dma_start3A_435, %dma_start3A_436] : memref<8x8x129xf32, #tpu.memory_space<vmem>> -> memref<8x8x128xf32, #tpu.memory_space<vmem>>
      tpu.enqueue_dma source(%dma_start3A_437 : memref<8x8x128xf32, #tpu.memory_space<vmem>>) target(%dma_start3A_433 : memref<8x8x128xf32, #tpu.memory_space<hbm>>) target_semaphore(%arg20 : memref<!tpu.dma_semaphore, #tpu.memory_space<semaphore_mem>>)
      %dma_wait3A_438 = arith.constant 384 : i32
      %dma_wait3A_439 = tpu.memref_slice %arg5[%scan3A_267, %dma_wait3A_438] : memref<50x512xi32, #tpu.memory_space<vmem>> -> memref<1x128xi32, #tpu.memory_space<vmem>>
      %dma_wait3A_440 = tpu.memref_squeeze %dma_wait3A_439 : memref<1x128xi32, #tpu.memory_space<vmem>> -> memref<128xi32, #tpu.memory_space<vmem>>
      %dma_wait3A_441 = arith.constant 0 : i32
      %dma_wait3A_442 = arith.constant 0 : i32
      %dma_wait3A_443 = tpu.memref_slice %arg3[%dma_wait3A_441, %dma_wait3A_442] : memref<100000x64xf32, #tpu.memory_space<hbm>> -> memref<100000x64xf32, #tpu.memory_space<hbm>>
      tpu.wait_indirect_dma semaphore(%arg17 : memref<!tpu.dma_semaphore, #tpu.memory_space<semaphore_mem>>) src(%dma_wait3A_443 : memref<100000x64xf32, #tpu.memory_space<hbm>>) dst(%arg9 : memref<128x64xf32, #tpu.memory_space<vmem>>)
      %mul3A_444 = arith.constant 4 : i32
      %mul3A_445 = arith.muli %add3A, %mul3A_444 : i32
      %add3A_446 = arith.constant 3 : i32
      %add3A_447 = arith.addi %mul3A_445, %add3A_446 : i32
      %dma_wait3A_448 = arith.constant 0 : i32
      %dma_wait3A_449 = arith.constant 0 : i32
      %dma_wait3A_450 = arith.constant 0 : i32
      %dma_wait3A_451 = tpu.memref_slice %arg13[%dma_wait3A_448, %dma_wait3A_449, %dma_wait3A_450] : memref<8x8x129xf32, #tpu.memory_space<vmem>> -> memref<8x8x128xf32, #tpu.memory_space<vmem>>
      %dma_wait3A_452 = arith.constant 0 : i32
      %dma_wait3A_453 = arith.constant 0 : i32
      %dma_wait3A_454 = arith.constant 0 : i32
      %dma_wait3A_455 = tpu.memref_slice %arg4[%scan3A_267, %dma_wait3A_452, %add3A_447, %dma_wait3A_453, %dma_wait3A_454] : memref<50x8x128x8x128xf32, #tpu.memory_space<hbm>> -> memref<1x8x1x8x128xf32, #tpu.memory_space<hbm>>
      %dma_wait3A_456 = tpu.memref_squeeze %dma_wait3A_455 : memref<1x8x1x8x128xf32, #tpu.memory_space<hbm>> -> memref<8x8x128xf32, #tpu.memory_space<hbm>>
      %dma_wait3A_457 = arith.constant 0 : i32
      %dma_wait3A_458 = arith.constant 0 : i32
      %dma_wait3A_459 = arith.constant 0 : i32
      %dma_wait3A_460 = tpu.memref_slice %arg4[%scan3A_267, %dma_wait3A_457, %add3A_447, %dma_wait3A_458, %dma_wait3A_459] : memref<50x8x128x8x128xf32, #tpu.memory_space<hbm>> -> memref<1x8x1x8x128xf32, #tpu.memory_space<hbm>>
      %dma_wait3A_461 = tpu.memref_squeeze %dma_wait3A_460 : memref<1x8x1x8x128xf32, #tpu.memory_space<hbm>> -> memref<8x8x128xf32, #tpu.memory_space<hbm>>
      %dma_wait3A_462 = arith.constant 0 : i32
      %dma_wait3A_463 = arith.constant 0 : i32
      %dma_wait3A_464 = arith.constant 0 : i32
      %dma_wait3A_465 = tpu.memref_slice %arg13[%dma_wait3A_462, %dma_wait3A_463, %dma_wait3A_464] : memref<8x8x129xf32, #tpu.memory_space<vmem>> -> memref<8x8x128xf32, #tpu.memory_space<vmem>>
      tpu.wait_dma2 semaphore(%arg21 : memref<!tpu.dma_semaphore, #tpu.memory_space<semaphore_mem>>) src(%dma_wait3A_465 : memref<8x8x128xf32, #tpu.memory_space<vmem>>) dst(%dma_wait3A_461 : memref<8x8x128xf32, #tpu.memory_space<hbm>>)
      %parallel_loop3A_466 = arith.constant 0 : i32
      %parallel_loop3A_467 = arith.constant 128 : i32
      %parallel_loop3A_468 = arith.constant 1 : i32
      scf.for %parallel_loop3A_496 = %parallel_loop3A_466 to %parallel_loop3A_467 step %parallel_loop3A_468  : i32 {
        %parallel_loop3A_497 = vector.broadcast %parallel_loop3A_496 : i32 to vector<16xi32>
        %parallel_loop3A_498 = arith.index_cast %parallel_loop3A_496 : i32 to index
        %parallel_loop3A_499 = arith.constant 0 : index
        %parallel_loop3A_500 = tpu.vector_load %arg9[%parallel_loop3A_498, %parallel_loop3A_499] {strides = array<i32>} : memref<128x64xf32, #tpu.memory_space<vmem>>, vector<16xf32>,
        %parallel_loop3A_501 = arith.index_cast %parallel_loop3A_496 : i32 to index
        %parallel_loop3A_502 = arith.constant 16 : index
        %parallel_loop3A_503 = tpu.vector_load %arg9[%parallel_loop3A_501, %parallel_loop3A_502] {strides = array<i32>} : memref<128x64xf32, #tpu.memory_space<vmem>>, vector<16xf32>,
        %parallel_loop3A_504 = arith.index_cast %parallel_loop3A_496 : i32 to index
        %parallel_loop3A_505 = arith.constant 32 : index
        %parallel_loop3A_506 = tpu.vector_load %arg9[%parallel_loop3A_504, %parallel_loop3A_505] {strides = array<i32>} : memref<128x64xf32, #tpu.memory_space<vmem>>, vector<16xf32>,
        %parallel_loop3A_507 = arith.index_cast %parallel_loop3A_496 : i32 to index
        %parallel_loop3A_508 = arith.constant 48 : index
        %parallel_loop3A_509 = tpu.vector_load %arg9[%parallel_loop3A_507, %parallel_loop3A_508] {strides = array<i32>} : memref<128x64xf32, #tpu.memory_space<vmem>>, vector<16xf32>,
        tpu.vector_store_idx %arg13[%shift_right_logical3A_9, %and3A_32, %parallel_loop3A_497], %parallel_loop3A_500 : memref<8x8x129xf32, #tpu.memory_space<vmem>>[vector<16xi32>, vector<16xi32>, vector<16xi32>], vector<16xf32>,
        tpu.vector_store_idx %arg13[%shift_right_logical3A_15, %and3A_38, %parallel_loop3A_497], %parallel_loop3A_503 : memref<8x8x129xf32, #tpu.memory_space<vmem>>[vector<16xi32>, vector<16xi32>, vector<16xi32>], vector<16xf32>,
        tpu.vector_store_idx %arg13[%shift_right_logical3A_21, %and3A_44, %parallel_loop3A_497], %parallel_loop3A_506 : memref<8x8x129xf32, #tpu.memory_space<vmem>>[vector<16xi32>, vector<16xi32>, vector<16xi32>], vector<16xf32>,
        tpu.vector_store_idx %arg13[%shift_right_logical3A_27, %and3A_50, %parallel_loop3A_497], %parallel_loop3A_509 : memref<8x8x129xf32, #tpu.memory_space<vmem>>[vector<16xi32>, vector<16xi32>, vector<16xi32>], vector<16xf32>,
      } {sc.loop_unroll_factor = 8 : i64, sc.parallel_access}
      %lt3A_469 = arith.constant 49 : i32
      %lt3A_470 = arith.cmpi slt, %scan3A_267, %lt3A_469 : i32
      %convert_element_type3A_471 = arith.extui %lt3A_470 : i1 to i32
      %cond3A_472 = arith.constant 0 : i32
      %cond3A_473 = arith.cmpi ne, %convert_element_type3A_471, %cond3A_472 : i32
      scf.if %cond3A_473 {
        %add3A_496 = arith.constant 1 : i32
        %add3A_497 = arith.addi %scan3A_267, %add3A_496 : i32
        %dma_start3A_498 = arith.constant 384 : i32
        %dma_start3A_499 = tpu.memref_slice %arg5[%add3A_497, %dma_start3A_498] : memref<50x512xi32, #tpu.memory_space<vmem>> -> memref<1x128xi32, #tpu.memory_space<vmem>>
        %dma_start3A_500 = tpu.memref_squeeze %dma_start3A_499 : memref<1x128xi32, #tpu.memory_space<vmem>> -> memref<128xi32, #tpu.memory_space<vmem>>
        %dma_start3A_501 = arith.constant 0 : i32
        %dma_start3A_502 = arith.constant 0 : i32
        %dma_start3A_503 = tpu.memref_slice %arg3[%dma_start3A_501, %dma_start3A_502] : memref<100000x64xf32, #tpu.memory_space<hbm>> -> memref<100000x64xf32, #tpu.memory_space<hbm>>
        tpu.enqueue_indirect_dma source(%dma_start3A_503 : memref<100000x64xf32, #tpu.memory_space<hbm>>) target(%arg9 : memref<128x64xf32, #tpu.memory_space<vmem>>) offsets(%dma_start3A_500 : memref<128xi32, #tpu.memory_space<vmem>>) semaphore(%arg17 : memref<!tpu.dma_semaphore, #tpu.memory_space<semaphore_mem>>)
      } else {
      }
      %mul3A_474 = arith.constant 4 : i32
      %mul3A_475 = arith.muli %add3A, %mul3A_474 : i32
      %add3A_476 = arith.constant 3 : i32
      %add3A_477 = arith.addi %mul3A_475, %add3A_476 : i32
      %dma_start3A_478 = arith.constant 0 : i32
      %dma_start3A_479 = arith.constant 0 : i32
      %dma_start3A_480 = arith.constant 0 : i32
      %dma_start3A_481 = tpu.memref_slice %arg13[%dma_start3A_478, %dma_start3A_479, %dma_start3A_480] : memref<8x8x129xf32, #tpu.memory_space<vmem>> -> memref<8x8x128xf32, #tpu.memory_space<vmem>>
      %dma_start3A_482 = arith.constant 0 : i32
      %dma_start3A_483 = arith.constant 0 : i32
      %dma_start3A_484 = arith.constant 0 : i32
      %dma_start3A_485 = tpu.memref_slice %arg4[%scan3A_267, %dma_start3A_482, %add3A_477, %dma_start3A_483, %dma_start3A_484] : memref<50x8x128x8x128xf32, #tpu.memory_space<hbm>> -> memref<1x8x1x8x128xf32, #tpu.memory_space<hbm>>
      %dma_start3A_486 = tpu.memref_squeeze %dma_start3A_485 : memref<1x8x1x8x128xf32, #tpu.memory_space<hbm>> -> memref<8x8x128xf32, #tpu.memory_space<hbm>>
      %dma_start3A_487 = arith.constant 0 : i32
      %dma_start3A_488 = arith.constant 0 : i32
      %dma_start3A_489 = arith.constant 0 : i32
      %dma_start3A_490 = tpu.memref_slice %arg4[%scan3A_267, %dma_start3A_487, %add3A_477, %dma_start3A_488, %dma_start3A_489] : memref<50x8x128x8x128xf32, #tpu.memory_space<hbm>> -> memref<1x8x1x8x128xf32, #tpu.memory_space<hbm>>
      %dma_start3A_491 = tpu.memref_squeeze %dma_start3A_490 : memref<1x8x1x8x128xf32, #tpu.memory_space<hbm>> -> memref<8x8x128xf32, #tpu.memory_space<hbm>>
      %dma_start3A_492 = arith.constant 0 : i32
      %dma_start3A_493 = arith.constant 0 : i32
      %dma_start3A_494 = arith.constant 0 : i32
      %dma_start3A_495 = tpu.memref_slice %arg13[%dma_start3A_492, %dma_start3A_493, %dma_start3A_494] : memref<8x8x129xf32, #tpu.memory_space<vmem>> -> memref<8x8x128xf32, #tpu.memory_space<vmem>>
      tpu.enqueue_dma source(%dma_start3A_495 : memref<8x8x128xf32, #tpu.memory_space<vmem>>) target(%dma_start3A_491 : memref<8x8x128xf32, #tpu.memory_space<hbm>>) target_semaphore(%arg21 : memref<!tpu.dma_semaphore, #tpu.memory_space<semaphore_mem>>)
    }
    %scan3A_175 = arith.constant 50 : i32
    %mul3A_176 = arith.constant 4 : i32
    %mul3A_177 = arith.muli %add3A, %mul3A_176 : i32
    %add3A_178 = arith.constant 0 : i32
    %add3A_179 = arith.addi %mul3A_177, %add3A_178 : i32
    %dma_wait3A = arith.constant 49 : i32
    %dma_wait3A_180 = arith.constant 0 : i32
    %dma_wait3A_181 = arith.constant 0 : i32
    %dma_wait3A_182 = arith.constant 0 : i32
    %dma_wait3A_183 = tpu.memref_slice %arg10[%dma_wait3A_180, %dma_wait3A_181, %dma_wait3A_182] : memref<8x8x129xf32, #tpu.memory_space<vmem>> -> memref<8x8x128xf32, #tpu.memory_space<vmem>>
    %dma_wait3A_184 = arith.constant 0 : i32
    %dma_wait3A_185 = arith.constant 0 : i32
    %dma_wait3A_186 = arith.constant 0 : i32
    %dma_wait3A_187 = tpu.memref_slice %arg4[%dma_wait3A, %dma_wait3A_184, %add3A_179, %dma_wait3A_185, %dma_wait3A_186] : memref<50x8x128x8x128xf32, #tpu.memory_space<hbm>> -> memref<1x8x1x8x128xf32, #tpu.memory_space<hbm>>
    %dma_wait3A_188 = tpu.memref_squeeze %dma_wait3A_187 : memref<1x8x1x8x128xf32, #tpu.memory_space<hbm>> -> memref<8x8x128xf32, #tpu.memory_space<hbm>>
    %dma_wait3A_189 = arith.constant 0 : i32
    %dma_wait3A_190 = arith.constant 0 : i32
    %dma_wait3A_191 = arith.constant 0 : i32
    %dma_wait3A_192 = tpu.memref_slice %arg4[%dma_wait3A, %dma_wait3A_189, %add3A_179, %dma_wait3A_190, %dma_wait3A_191] : memref<50x8x128x8x128xf32, #tpu.memory_space<hbm>> -> memref<1x8x1x8x128xf32, #tpu.memory_space<hbm>>
    %dma_wait3A_193 = tpu.memref_squeeze %dma_wait3A_192 : memref<1x8x1x8x128xf32, #tpu.memory_space<hbm>> -> memref<8x8x128xf32, #tpu.memory_space<hbm>>
    %dma_wait3A_194 = arith.constant 0 : i32
    %dma_wait3A_195 = arith.constant 0 : i32
    %dma_wait3A_196 = arith.constant 0 : i32
    %dma_wait3A_197 = tpu.memref_slice %arg10[%dma_wait3A_194, %dma_wait3A_195, %dma_wait3A_196] : memref<8x8x129xf32, #tpu.memory_space<vmem>> -> memref<8x8x128xf32, #tpu.memory_space<vmem>>
    tpu.wait_dma2 semaphore(%arg18 : memref<!tpu.dma_semaphore, #tpu.memory_space<semaphore_mem>>) src(%dma_wait3A_197 : memref<8x8x128xf32, #tpu.memory_space<vmem>>) dst(%dma_wait3A_193 : memref<8x8x128xf32, #tpu.memory_space<hbm>>)
    %mul3A_198 = arith.constant 4 : i32
    %mul3A_199 = arith.muli %add3A, %mul3A_198 : i32
    %add3A_200 = arith.constant 1 : i32
    %add3A_201 = arith.addi %mul3A_199, %add3A_200 : i32
    %dma_wait3A_202 = arith.constant 49 : i32
    %dma_wait3A_203 = arith.constant 0 : i32
    %dma_wait3A_204 = arith.constant 0 : i32
    %dma_wait3A_205 = arith.constant 0 : i32
    %dma_wait3A_206 = tpu.memref_slice %arg11[%dma_wait3A_203, %dma_wait3A_204, %dma_wait3A_205] : memref<8x8x129xf32, #tpu.memory_space<vmem>> -> memref<8x8x128xf32, #tpu.memory_space<vmem>>
    %dma_wait3A_207 = arith.constant 0 : i32
    %dma_wait3A_208 = arith.constant 0 : i32
    %dma_wait3A_209 = arith.constant 0 : i32
    %dma_wait3A_210 = tpu.memref_slice %arg4[%dma_wait3A_202, %dma_wait3A_207, %add3A_201, %dma_wait3A_208, %dma_wait3A_209] : memref<50x8x128x8x128xf32, #tpu.memory_space<hbm>> -> memref<1x8x1x8x128xf32, #tpu.memory_space<hbm>>
    %dma_wait3A_211 = tpu.memref_squeeze %dma_wait3A_210 : memref<1x8x1x8x128xf32, #tpu.memory_space<hbm>> -> memref<8x8x128xf32, #tpu.memory_space<hbm>>
    %dma_wait3A_212 = arith.constant 0 : i32
    %dma_wait3A_213 = arith.constant 0 : i32
    %dma_wait3A_214 = arith.constant 0 : i32
    %dma_wait3A_215 = tpu.memref_slice %arg4[%dma_wait3A_202, %dma_wait3A_212, %add3A_201, %dma_wait3A_213, %dma_wait3A_214] : memref<50x8x128x8x128xf32, #tpu.memory_space<hbm>> -> memref<1x8x1x8x128xf32, #tpu.memory_space<hbm>>
    %dma_wait3A_216 = tpu.memref_squeeze %dma_wait3A_215 : memref<1x8x1x8x128xf32, #tpu.memory_space<hbm>> -> memref<8x8x128xf32, #tpu.memory_space<hbm>>
    %dma_wait3A_217 = arith.constant 0 : i32
    %dma_wait3A_218 = arith.constant 0 : i32
    %dma_wait3A_219 = arith.constant 0 : i32
    %dma_wait3A_220 = tpu.memref_slice %arg11[%dma_wait3A_217, %dma_wait3A_218, %dma_wait3A_219] : memref<8x8x129xf32, #tpu.memory_space<vmem>> -> memref<8x8x128xf32, #tpu.memory_space<vmem>>
    tpu.wait_dma2 semaphore(%arg19 : memref<!tpu.dma_semaphore, #tpu.memory_space<semaphore_mem>>) src(%dma_wait3A_220 : memref<8x8x128xf32, #tpu.memory_space<vmem>>) dst(%dma_wait3A_216 : memref<8x8x128xf32, #tpu.memory_space<hbm>>)
    %mul3A_221 = arith.constant 4 : i32
    %mul3A_222 = arith.muli %add3A, %mul3A_221 : i32
    %add3A_223 = arith.constant 2 : i32
    %add3A_224 = arith.addi %mul3A_222, %add3A_223 : i32
    %dma_wait3A_225 = arith.constant 49 : i32
    %dma_wait3A_226 = arith.constant 0 : i32
    %dma_wait3A_227 = arith.constant 0 : i32
    %dma_wait3A_228 = arith.constant 0 : i32
    %dma_wait3A_229 = tpu.memref_slice %arg12[%dma_wait3A_226, %dma_wait3A_227, %dma_wait3A_228] : memref<8x8x129xf32, #tpu.memory_space<vmem>> -> memref<8x8x128xf32, #tpu.memory_space<vmem>>
    %dma_wait3A_230 = arith.constant 0 : i32
    %dma_wait3A_231 = arith.constant 0 : i32
    %dma_wait3A_232 = arith.constant 0 : i32
    %dma_wait3A_233 = tpu.memref_slice %arg4[%dma_wait3A_225, %dma_wait3A_230, %add3A_224, %dma_wait3A_231, %dma_wait3A_232] : memref<50x8x128x8x128xf32, #tpu.memory_space<hbm>> -> memref<1x8x1x8x128xf32, #tpu.memory_space<hbm>>
    %dma_wait3A_234 = tpu.memref_squeeze %dma_wait3A_233 : memref<1x8x1x8x128xf32, #tpu.memory_space<hbm>> -> memref<8x8x128xf32, #tpu.memory_space<hbm>>
    %dma_wait3A_235 = arith.constant 0 : i32
    %dma_wait3A_236 = arith.constant 0 : i32
    %dma_wait3A_237 = arith.constant 0 : i32
    %dma_wait3A_238 = tpu.memref_slice %arg4[%dma_wait3A_225, %dma_wait3A_235, %add3A_224, %dma_wait3A_236, %dma_wait3A_237] : memref<50x8x128x8x128xf32, #tpu.memory_space<hbm>> -> memref<1x8x1x8x128xf32, #tpu.memory_space<hbm>>
    %dma_wait3A_239 = tpu.memref_squeeze %dma_wait3A_238 : memref<1x8x1x8x128xf32, #tpu.memory_space<hbm>> -> memref<8x8x128xf32, #tpu.memory_space<hbm>>
    %dma_wait3A_240 = arith.constant 0 : i32
    %dma_wait3A_241 = arith.constant 0 : i32
    %dma_wait3A_242 = arith.constant 0 : i32
    %dma_wait3A_243 = tpu.memref_slice %arg12[%dma_wait3A_240, %dma_wait3A_241, %dma_wait3A_242] : memref<8x8x129xf32, #tpu.memory_space<vmem>> -> memref<8x8x128xf32, #tpu.memory_space<vmem>>
    tpu.wait_dma2 semaphore(%arg20 : memref<!tpu.dma_semaphore, #tpu.memory_space<semaphore_mem>>) src(%dma_wait3A_243 : memref<8x8x128xf32, #tpu.memory_space<vmem>>) dst(%dma_wait3A_239 : memref<8x8x128xf32, #tpu.memory_space<hbm>>)
    %mul3A_244 = arith.constant 4 : i32
    %mul3A_245 = arith.muli %add3A, %mul3A_244 : i32
    %add3A_246 = arith.constant 3 : i32
    %add3A_247 = arith.addi %mul3A_245, %add3A_246 : i32
    %dma_wait3A_248 = arith.constant 49 : i32
    %dma_wait3A_249 = arith.constant 0 : i32
    %dma_wait3A_250 = arith.constant 0 : i32
    %dma_wait3A_251 = arith.constant 0 : i32
    %dma_wait3A_252 = tpu.memref_slice %arg13[%dma_wait3A_249, %dma_wait3A_250, %dma_wait3A_251] : memref<8x8x129xf32, #tpu.memory_space<vmem>> -> memref<8x8x128xf32, #tpu.memory_space<vmem>>
    %dma_wait3A_253 = arith.constant 0 : i32
    %dma_wait3A_254 = arith.constant 0 : i32
    %dma_wait3A_255 = arith.constant 0 : i32
    %dma_wait3A_256 = tpu.memref_slice %arg4[%dma_wait3A_248, %dma_wait3A_253, %add3A_247, %dma_wait3A_254, %dma_wait3A_255] : memref<50x8x128x8x128xf32, #tpu.memory_space<hbm>> -> memref<1x8x1x8x128xf32, #tpu.memory_space<hbm>>
    %dma_wait3A_257 = tpu.memref_squeeze %dma_wait3A_256 : memref<1x8x1x8x128xf32, #tpu.memory_space<hbm>> -> memref<8x8x128xf32, #tpu.memory_space<hbm>>
    %dma_wait3A_258 = arith.constant 0 : i32
    %dma_wait3A_259 = arith.constant 0 : i32
    %dma_wait3A_260 = arith.constant 0 : i32
    %dma_wait3A_261 = tpu.memref_slice %arg4[%dma_wait3A_248, %dma_wait3A_258, %add3A_247, %dma_wait3A_259, %dma_wait3A_260] : memref<50x8x128x8x128xf32, #tpu.memory_space<hbm>> -> memref<1x8x1x8x128xf32, #tpu.memory_space<hbm>>
    %dma_wait3A_262 = tpu.memref_squeeze %dma_wait3A_261 : memref<1x8x1x8x128xf32, #tpu.memory_space<hbm>> -> memref<8x8x128xf32, #tpu.memory_space<hbm>>
    %dma_wait3A_263 = arith.constant 0 : i32
    %dma_wait3A_264 = arith.constant 0 : i32
    %dma_wait3A_265 = arith.constant 0 : i32
    %dma_wait3A_266 = tpu.memref_slice %arg13[%dma_wait3A_263, %dma_wait3A_264, %dma_wait3A_265] : memref<8x8x129xf32, #tpu.memory_space<vmem>> -> memref<8x8x128xf32, #tpu.memory_space<vmem>>
    tpu.wait_dma2 semaphore(%arg21 : memref<!tpu.dma_semaphore, #tpu.memory_space<semaphore_mem>>) src(%dma_wait3A_266 : memref<8x8x128xf32, #tpu.memory_space<vmem>>) dst(%dma_wait3A_262 : memref<8x8x128xf32, #tpu.memory_space<hbm>>)
    return
  }
}

</mosaic_0001>

<sc_bundles>
// kernel: kernel.3.cloned.1.call-start
scs
__scs_entry_jumppad:
0x0: {  	(pc) =	sbr.rel $0x88, $3  }
0x1: {  	(tag) =	ssettag $0x0;
	lr =	simm.s32 $0x1  }
0x2: {  	[smem:$0x3F9F] =	sst lr;
	_ =	strace $0xD0000000  }
0x3: {  	_ = 	snop  }
0x4: {  	_ = 	snop  }
0x5: {  	_ = 	snop  }
0x6: {  	_ = 	snop  }
0x7: {  	_ = 	snop  }
__scs_overlays_trampoline_lowered:
0x8: {  	[smem:$0x3FAE] =	sst s0  }
0x9: {  	[smem:$0x3FAF] =	sst s1  }
0xa: {  	[smem:$0x3FB0] =	sst s2  }
0xb: {  	[smem:$0x3FB1] =	sst s3  }
0xc: {  	[smem:$0x3FB2] =	sst s4  }
0xd: {  	[smem:$0x3FB3] =	sst s5  }
0xe: {  	[smem:$0x3FB4] =	sst s6  }
0xf: {  	[smem:$0x3FB5] =	sst s7  }
0x10: {  	[smem:$0x3FB6] =	sst s8  }
0x11: {  	[smem:$0x3FB7] =	sst s9;
	s0 =	simm.s32 @!p0 $0x0  }
0x12: {  	s1 =	sld [smem:$0x3F9D];
	s0 =	simm.s32 @p0 $0x1  }
0x13: {  	[smem:$0x3FB8] =	sst s0;
	s0 =	simm.s32 @!p1 $0x0  }
0x14: {  	s2 =	sld [smem:$0x3F9C];
	s0 =	simm.s32 @p1 $0x1  }
0x15: {  	[smem:$0x3FB9] =	sst s0;
	s0 =	simm.s32 @!p2 $0x0  }
0x16: {  	s3 =	sld [smem:$0x3FDB];
	s0 =	simm.s32 @p2 $0x1  }
0x17: {  	s4 =	simm.s32 $0x1BF5;
	[smem:$0x3FBB] =	sst s0  }
0x18: {  	s0 =	sld [smem:$0x3F9E];
	_ =	swait.ge [sflag:s4], $0x0  }
0x19: {  	s7 =	sld [smem:$0x3F9F]  }
0x1a: {  	s8 =	sadd.s32 $0xFFFFE003, lr  }
0x1b: {  	s9 =	sadd.s32 $0xFFFFFEF7, lr;
	s5 =	simm.s32 $0xFFFFFFFF;
	p2 =	slt.u32 s8, $0xFFFFF086  }
0x1c: {  	p1 =	slt.u32 s9, $0xF7A;
	s5 =	simm.s32 @!p2 $0x0  }
0x1d: {  	s5 =	simm.s32 @p1 $0x1;
	p0 =	seq.s32 s7, s2  }
0x1e: {  	s7 =	smul.u32 @!p0 $0xF7A, s2;
	p2 =	seq.s32 @!p0 s5, $0x0  }
0x1f: {  	s9 =	smul.u32 $0xF7A, s1;
	s8 =	simm.s32 @!p0 $0x1BF5;
	p2 =	por !p2, p0  }
0x20: {  	[sflag:s8] =	ssyncset.s32 @!p0 $0xFFFFF086;
	s6 =	sadd.s32 @!p0 s3, s7;
	s7 =	simm.s32 @!p0 $0x108  }
0x21: {  	s3 =	sadd.s32 s3, s9;
	s6 =	sadd.s32 @!p0 $0x88, s6;
	s7 =	simm.s32 @p2 $0x1082  }
0x22: {  	[simem:s7], [sflag:s8] =	dma.local @!p0 [hbm:s6], $0xF7A  }
0x23: {  	s9 =	sor.u32 $0xD0000000, s2;
	s6 =	simm.s32 $0x108;
	_ =	swait.ge @!p0 [sflag:s8], $0x0  }
0x24: {  	s3 =	sadd.s32 $0x88, s3;
	s6 =	simm.s32 @!p1 $0x1082;
	[sflag:s4] =	ssyncset.s32 $0xFFFFF086  }
0x25: {  	[simem:s6], [sflag:s4] =	dma.local [hbm:s3], $0xF7A  }
0x26: {  	[smem:$0x3F9F] =	sst s1;
	(tag) =	ssettag s2;
	_ =	strace s9  }
0x27: {  	s1 =	sld [smem:$0x3FAF]  }
0x28: {  	s2 =	sld [smem:$0x3FB0]  }
0x29: {  	s4 =	sld [smem:$0x3FB2]  }
0x2a: {  	p0 =	seq.s32 s5, $0x0;
	s5 =	sld [smem:$0x3FB3]  }
0x2b: {  	s6 =	sld [smem:$0x3FB4]  }
0x2c: {  	s7 =	sld [smem:$0x3FB5]  }
0x2d: {  	s3 =	simm.s32 $0x108;
	s8 =	sld [smem:$0x3FB6]  }
0x2e: {  	s3 =	simm.s32 @!p0 $0x1082;
	s9 =	sld [smem:$0x3FB7]  }
0x2f: {  	lr =	sadd.s32 s0, s3;
	s0 =	sld [smem:$0x3FAE]  }
0x30: {  	s3 =	sld [smem:$0x3FB1]  }
0x31: {  	[smem:$0x3FBA] =	sst s10  }
0x32: {  	s10 =	sld [smem:$0x3FB8];
	_ =	sdelay $0x3  }
0x33: {  	p0 =	seq.s32 s10, $0x1;
	s10 =	sld [smem:$0x3FBA];
	_ =	sdelay $0x3  }
0x34: {  	[smem:$0x3FBA] =	sst s10  }
0x35: {  	s10 =	sld [smem:$0x3FB9];
	_ =	sdelay $0x3  }
0x36: {  	p1 =	seq.s32 s10, $0x1;
	s10 =	sld [smem:$0x3FBA];
	_ =	sdelay $0x3  }
0x37: {  	[smem:$0x3FBA] =	sst s10  }
0x38: {  	s10 =	sld [smem:$0x3FBB]  }
0x39: {  	_ = 	snop;
	(pc) =	sbr.ind lr, $3  }
0x3a: {  	_ = 	snop  }
0x3b: {  	_ = 	snop  }
0x3c: {  	p2 =	seq.s32 s10, $0x1;
	s10 =	sld [smem:$0x3FBA]  }
0x3d: {  	_ =	shalt  }
0x3e: {  	_ =	shalt  }
0x3f: {  	_ =	shalt  }
0x40: {  	_ =	shalt  }
0x41: {  	_ =	shalt  }
0x42: {  	_ =	shalt  }
0x43: {  	_ =	shalt  }
0x44: {  	_ =	shalt  }
0x45: {  	_ =	shalt  }
0x46: {  	_ =	shalt  }
0x47: {  	_ =	shalt  }
0x48: {  	_ =	shalt  }
0x49: {  	_ =	shalt  }
0x4a: {  	_ =	shalt  }
0x4b: {  	_ =	shalt  }
0x4c: {  	_ =	shalt  }
0x4d: {  	_ =	shalt  }
0x4e: {  	_ =	shalt  }
0x4f: {  	_ =	shalt  }
0x50: {  	_ =	shalt  }
0x51: {  	_ =	shalt  }
0x52: {  	_ =	shalt  }
0x53: {  	_ =	shalt  }
0x54: {  	_ =	shalt  }
0x55: {  	_ =	shalt  }
0x56: {  	_ =	shalt  }
0x57: {  	_ =	shalt  }
0x58: {  	_ =	shalt  }
0x59: {  	_ =	shalt  }
0x5a: {  	_ =	shalt  }
0x5b: {  	_ =	shalt  }
0x5c: {  	_ =	shalt  }
0x5d: {  	_ =	shalt  }
0x5e: {  	_ =	shalt  }
0x5f: {  	_ =	shalt  }
0x60: {  	_ =	shalt  }
0x61: {  	_ =	shalt  }
0x62: {  	_ =	shalt  }
0x63: {  	_ =	shalt  }
0x64: {  	_ =	shalt  }
0x65: {  	_ =	shalt  }
0x66: {  	_ =	shalt  }
0x67: {  	_ =	shalt  }
0x68: {  	_ =	shalt  }
0x69: {  	_ =	shalt  }
0x6a: {  	_ =	shalt  }
0x6b: {  	_ =	shalt  }
0x6c: {  	_ =	shalt  }
0x6d: {  	_ =	shalt  }
0x6e: {  	_ =	shalt  }
0x6f: {  	_ =	shalt  }
0x70: {  	_ =	shalt  }
0x71: {  	_ =	shalt  }
0x72: {  	_ =	shalt  }
0x73: {  	_ =	shalt  }
0x74: {  	_ =	shalt  }
0x75: {  	_ =	shalt  }
0x76: {  	_ =	shalt  }
0x77: {  	_ =	shalt  }
0x78: {  	_ =	shalt  }
0x79: {  	_ =	shalt  }
0x7a: {  	_ =	shalt  }
0x7b: {  	_ =	shalt  }
0x7c: {  	_ =	shalt  }
0x7d: {  	_ =	shalt  }
0x7e: {  	_ =	shalt  }
0x7f: {  	_ =	shalt  }
0x80: {  	_ =	shalt  }
0x81: {  	_ =	shalt  }
0x82: {  	_ =	shalt  }
0x83: {  	_ =	shalt  }
0x84: {  	_ =	shalt  }
0x85: {  	_ =	shalt  }
0x86: {  	_ =	shalt  }
0x87: {  	_ =	shalt  }
.Lfunc_end0:
.L_simem_size_0:
called_computation_lowered:
.L_overlay_start_0:
0x88: {  	s2 =	sld [smem:$0x3FD9]  }
0x89: {  	s3 =	sld [smem:$0x3FFE];
	_ =	sdelay $0x1  }
0x8a: {  	s1 =	srdreg.scid  }
0x8b: {  	s0 =	sand.u32 $0x1, s1  }
0x8c: {  	s17 =	sshll.u32 s0, $0xA;
	s2 =	sadd.s32 s3, s2  }
0x8d: {  	s2 =	sadd.s32 s2, s17  }
0x8e: {  	[smem:$0x3FC6] =	sst s2  }
0x8f: {  	_ = 	snop  }
0x90: {  	s2 =	sld [smem:$0x3FD0];
	(tm) =	ssettm $0x1  }
0x91: {  	s18 =	sld [smem:$0x3FFB];
	_ =	sdelay $0x3  }
0x92: {  	_ =	strace s18  }
0x93: {  	s3 =	sld [smem:$0x3FFC];
	_ =	sdelay $0x3  }
0x94: {  	_ =	strace s3  }
0x95: {  	s3 =	sld [smem:$0x3FFD];
	_ =	sdelay $0x3  }
0x96: {  	_ =	strace s3  }
0x97: {  	_ =	strace $0x8FFFFFFF  }
0x98: {  	s19 =	sld [smem:$0x3FDB];
	_ =	sdelay $0x1  }
0x99: {  	s4 =	simm.s32 $_scs_section_size  }
0x9a: {  	s5 =	simm.s32 $_size__tile_overlayer_lowered;
	s6 =	simm.s32 $_tile_overlayer_lowered  }
0x9b: {  	s22 =	simm.s32 $0x1BFF;
	s21 =	sshll.u32 s6, $0x1;
	s3 =	sadd.s32 s4, s19  }
0x9c: {  	s7 =	simm.s32 $0x0;
	s20 =	sshll.u32 s5, $0x1;
	s5 =	sadd.s32 s21, s3  }
0x9d: {  	[timem:s7], [sflag:s22] =	dma.local [hbm:s5], s20  }
0x9e: {  	_ =	swait.ge [sflag:s22], s20  }
0x9f: {  	s4 =	ssub.s32 $0x0, s20;
	[sflag:s22] =	ssyncset.done $0x0  }
0xa0: {  	[sflag:s22] =	ssyncadd.s32 s4;
	_ =	sdelay $0x1  }
0xa1: {  	s23 =	simm.s32 $0x1B8B  }
0xa2: {  	_ =	swait.ge [sflag:s23], $0x1  }
0xa3: {  	[sflag:s23] =	ssyncset.done $0x0  }
0xa4: {  	s25 =	simm.s32 $0x1B8E;
	s24 =	sld [smem:$0x3FFE];
	[sflag:s23] =	ssyncadd.s32 $0xFFFFFFFF  }
0xa5: {  	s26 =	simm.s32 $execute0_lowered;
	[smem:$0x3FD2] =	sst s25  }
0xa6: {  	s5 =	sshll.u32 s26, $0x1;
	_ =	strace $0x80000046;
	[dreg:$0x1] =	wrdreg $0xFFFFFFFF  }
0xa7: {  	s28 =	simm.s32 $_size_execute0_lowered;
	s3 =	sadd.s32 s3, s5;
	[dreg:$0x0] =	wrdreg $0x0  }
0xa8: {  	s5 =	sshll.u32 s28, $0x1;
	[dreg:$0x2] =	wrdreg s3  }
0xa9: {  	[dreg:$0x3] =	wrdreg s5  }
0xaa: {  	[dreg:$0x4] =	wrdreg $0xC0  }
0xab: {  	_ =	task [dreg:s7], $0x5FFFF  }
0xac: {  	[dreg:$0x1] =	wrdreg $0xFFFFFFFF  }
0xad: {  	[dreg:$0x0] =	wrdreg $0x60  }
0xae: {  	[dreg:$0x2] =	wrdreg s24  }
0xaf: {  	[dreg:$0x3] =	wrdreg s2  }
0xb0: {  	[dreg:$0x4] =	wrdreg $0x9  }
0xb1: {  	_ =	task.clear_ibuf [dreg:s7], $0x5FFFF;
	_ =	strace $0x90000046  }
0xb2: {  	s29 =	simm.s32 $0x9;
	_ =	strace $0x80000048  }
0xb3: {  	_ =	swait.ge [sflag:s29], $0x1  }
0xb4: {  	[sflag:s29] =	ssyncadd.s32 $0xFFFFFFFF  }
0xb5: {  	_ =	strace $0x90000048  }
0xb6: {  	_ =	sfence  }
0xb7: {  	s30 =	sld [smem:$0x0];
	_ =	sdelay $0x2  }
0xb8: {  	s31 =	sshll.u32 s1, $0xD;
	s1 =	sshrl.u32 s1, $0x2  }
0xb9: {  	s3 =	sand.u32 $0x4000, s31;
	s1 =	sadd.s32 s1, s30  }
0xba: {  	s0 =	sor.u32 s3, s0;
	s1 =	sshll.u32 s1, $0x11  }
0xbb: {  	s0 =	sor.u32 s1, s0  }
0xbc: {  	s0 =	sadd.s32 $0x8F2B, s0  }
0xbd: {  	[sflag:s0] =	ssyncadd.remote.s32 $0x1  }
0xbe: {  	_ =	sfence.sel $0xFFFF  }
0xbf: {  	[dreg:$0x0] =	wrdreg $0xFFFFFFFF;
	(pc) =	sbr.abs _section_cstart, $3  }
0xc0: {  	[dreg:$0x1] =	wrdreg $0xFFFFFFFF  }
0xc1: {  	_ =	task.clear_ibuf [dreg:s7], $0x2FFFF;
	_ =	strace $0x9FFFFFFF  }
0xc2: {  	(tm) =	ssettm $0x7FFFFFFF  }
0xc3: {  	_ =	shalt  }
tec
execute0_lowered:
.L_overlay_start_1:
0x0: {  	(tag) =	ssettag $0x1  }
0x1: {  	s0 =	rddreg [dreg:$0x0]  }
0x2: {  	s1 =	srdreg.scid;
	s3 =	stileid.u32  }
0x3: {  	s2 =	rddreg [dreg:$0x1];
	s28 =	simm.s32 $0xE400;
	s29 =	simm.s32 $0x2  }
0x4: {  	v0 =	vlaneseq.u32;
	s30 =	simm.s32 $0x6;
	s31 =	simm.s32 $0x10600;
	s15 =	simm.s32 $0x12800  }
0x5: {  	s16 =	simm.s32 $0x4;
	s19 =	simm.s32 $0x8;
	s20 =	simm.s32 $0x14A00;
	v0 =	vmul.u32 $0x88, v0  }
0x6: {  	v1 =	vimm.s32 $0x0;
	vm0 =	vcmask $0x300;
	s1 =	sand.u32 $0x1, s1;
	s4 =	sshll.u32 s3, $0x1;
	s3 =	simm.s32 $0x0  }
0x7: {  	v1 =	vsel vm0, $0x3, v1;
	s5 =	sor.u32 s1, s4;
	[smem:$0x7FF] =	sst s3;
	s1 =	ssub.s32 $0x2, s1;
	v2 =	vadd.s32 $0x880, v0  }
0x8: {  	s4 =	sshll.u32 s5, $0x6;
	_ =	strace $0x80000047;
	s7 =	sshrl.u32 s1, $0x1;
	v3 =	vadd.s32 $0x1100, v0;
	v4 =	vadd.s32 $0x1980, v0;
	v5 =	vor.u32 $0x1, v0  }
0x9: {  	s24 =	sshll.u32 s5, $0x9;
	v6 =	vadd.s32 $0x881, v0;
	v7 =	vadd.s32 $0x1101, v0;
	v8 =	vadd.s32 $0x1981, v0;
	s6 =	sadd.s32 s4, s0;
	s4 =	sadd.s32 $0x19400, s0  }
0xa: {  	v9 =	vor.u32 $0x2, v0;
	v10 =	vadd.s32 $0x882, v0;
	v11 =	vadd.s32 $0x1102, v0;
	s23 =	ssub.s32 s1, s7;
	s1 =	sadd.s32 s2, s24;
	s7 =	simm.s32 $0x0  }
0xb: {  	v12 =	vadd.s32 $0x1982, v0;
	v13 =	vor.u32 $0x3, v0;
	v14 =	vadd.s32 $0x883, v0;
	s6 =	sadd.s32 $0x400, s6;
	[dreg:$0x4] =	wrdreg s1;
	s0 =	smax.u32 s23, $0x1  }
0xc: {  	v15 =	vadd.s32 $0x1103, v0;
	v16 =	vadd.s32 $0x1983, v0;
	v17 =	vor.u32 $0x4, v0;
	s23 =	simm.s32 $0x80;
	[dreg:$0x3] =	wrdreg s6;
	s6 =	sshll.u32 s5, $0xC  }
0xd: {  	v18 =	vadd.s32 $0x884, v0;
	v19 =	vadd.s32 $0x1104, v0;
	v20 =	vadd.s32 $0x1984, v0;
	[dreg:$0x6] =	wrdreg s0;
	s0 =	simm.s32 $0x7;
	s8 =	sor.u32 $0x400, s6  }
0xe: {  	v21 =	vor.u32 $0x5, v0;
	v22 =	vadd.s32 $0x885, v0;
	v23 =	vadd.s32 $0x1105, v0;
	s9 =	sor.u32 $0x800, s6;
	s10 =	sor.u32 $0xC00, s6;
	s25 =	sshrl.u32 s8, $0x3  }
0xf: {  	v24 =	vadd.s32 $0x1985, v0;
	v25 =	vor.u32 $0x6, v0;
	v26 =	vadd.s32 $0x886, v0;
	s26 =	sshrl.u32 s9, $0x3;
	s13 =	sshrl.u32 s10, $0x3;
	s1 =	sadd.s32 s2, s25  }
0x10: {  	v27 =	vadd.s32 $0x1106, v0;
	v28 =	vadd.s32 $0x1986, v0;
	v29 =	vor.u32 $0x7, v0;
	s12 =	sadd.s32 s2, s26;
	s13 =	sadd.s32 s2, s13;
	s25 =	simm.s32 $0x1  }
0x11: {  	v30 =	vadd.s32 $0x887, v0;
	v31 =	vadd.s32 $0x1107, v0;
	v32 =	vadd.s32 $0x1987, v0;
	s26 =	simm.s32 $0x5;
	[dreg:$0x5] =	wrdreg s1;
	s1 =	simm.s32 $0x3  }
.LBB2_1:
0x12: {  	s5 =	rddreg [dreg:$0x3];
	s24 =	simm.s32 $0x200;
	s11 =	simm.s32 $0x4000  }
0x13: {  	[tilespmem:s3], [sflag:$0x9] =	stream.strided.gather [hbm4b:s5+s24], $0x6400, s11, s24, $0x38;
	[tilespmem:$0x16C00] =	vst v63  }
0x14: {  	[dreg:$0x7] =	wrdreg s7;
	s11 =	simm.s32 $0x9  }
0x15: {  	_ =	swait.ge [sflag:s11], $0x6400  }
0x16: {  	[sflag:s11] =	ssyncset.done $0x0  }
0x17: {  	s14 =	simm.s32 $0x6400;
	[sflag:s11] =	ssyncadd.s32 $0xFFFF9C00  }
0x18: {  	[tilespmem:s14], [sflag:$0x1] =	stream.indirect.gather [hbm4b:s4+s23], $0x40, s3, s23, $0xb8;
	[tilespmem:$0x16C00] =	vst v63  }
0x19: {  	s17 =	simm.s32 $0xE400;
	s7 =	rddreg [dreg:$0x4]  }
0x1a: {  	[hbm4b:s7+s3] =	stream.linear.scatter [tilespmem:s17], [sflag:$0x5], $0x80, $0x38;
	[tilespmem:$0x16C00] =	vst v63  }
0x1b: {  	s18 =	simm.s32 $0xE488;
	s14 =	sadd.s32 $0x10, s7  }
0x1c: {  	[hbm4b:s14+s3] =	stream.linear.scatter [tilespmem:s18], [sflag:$0x5], $0x80, $0x38;
	[tilespmem:$0x16C00] =	vst v63  }
0x1d: {  	s21 =	simm.s32 $0xE510;
	s22 =	sadd.s32 $0x20, s7  }
0x1e: {  	[hbm4b:s22+s3] =	stream.linear.scatter [tilespmem:s21], [sflag:$0x5], $0x80, $0x38;
	[tilespmem:$0x16C00] =	vst v63  }
0x1f: {  	s24 =	simm.s32 $0xE598;
	s11 =	sadd.s32 $0x30, s7  }
0x20: {  	[hbm4b:s11+s3] =	stream.linear.scatter [tilespmem:s24], [sflag:$0x5], $0x80, $0x38;
	[tilespmem:$0x16C00] =	vst v63  }
0x21: {  	s17 =	sadd.s32 $0x40, s7;
	s14 =	simm.s32 $0xE620  }
0x22: {  	[hbm4b:s17+s3] =	stream.linear.scatter [tilespmem:s14], [sflag:$0x5], $0x80, $0x38;
	[tilespmem:$0x16C00] =	vst v63  }
0x23: {  	s5 =	simm.s32 $0x440;
	s18 =	simm.s32 $0xE6A8;
	s21 =	sadd.s32 $0x50, s7  }
0x24: {  	[hbm4b:s21+s3] =	stream.linear.scatter [tilespmem:s18], [sflag:$0x5], $0x80, $0x38;
	[tilespmem:$0x16C00] =	vst v63  }
0x25: {  	s22 =	simm.s32 $0xE730;
	s24 =	sadd.s32 $0x60, s7;
	s17 =	simm.s32 $0x2200  }
0x26: {  	[hbm4b:s24+s3] =	stream.linear.scatter [tilespmem:s22], [sflag:$0x5], $0x80, $0x38;
	[tilespmem:$0x16C00] =	vst v63  }
0x27: {  	s14 =	sadd.s32 $0x4000, s7;
	s18 =	simm.s32 $0xE7B8;
	s22 =	sadd.s32 $0x70, s7  }
.LBB2_2:
0x28: {  	[hbm4b:s22+s3] =	stream.linear.scatter [tilespmem:s18], [sflag:$0x5], $0x80, $0x38;
	[tilespmem:$0x16C00] =	vst v63  }
0x29: {  	s18 =	smov.u32 s5;
	s5 =	smov.u32 s17  }
0x2a: {  	s21 =	sadd.s32 $0x1100, s17;
	s5 =	sshra.s32 s5, $0x2;
	s22 =	sadd.s32 $0xE400, s18  }
0x2b: {  	[hbm4b:s14+s3] =	stream.linear.scatter [tilespmem:s22], [sflag:$0x5], $0x80, $0x38;
	[tilespmem:$0x16C00] =	vst v63  }
0x2c: {  	p0 =	sne.s32 s17, $0x7700;
	s17 =	sadd.s32 $0xE488, s18;
	s22 =	sadd.s32 $0x10, s14  }
0x2d: {  	[hbm4b:s22+s3] =	stream.linear.scatter [tilespmem:s17], [sflag:$0x5], $0x80, $0x38;
	[tilespmem:$0x16C00] =	vst v63  }
0x2e: {  	s17 =	sadd.s32 $0xE510, s18;
	s22 =	sadd.s32 $0x20, s14  }
0x2f: {  	[hbm4b:s22+s3] =	stream.linear.scatter [tilespmem:s17], [sflag:$0x5], $0x80, $0x38;
	[tilespmem:$0x16C00] =	vst v63  }
0x30: {  	s17 =	sadd.s32 $0xE598, s18;
	s22 =	sadd.s32 $0x30, s14  }
0x31: {  	[hbm4b:s22+s3] =	stream.linear.scatter [tilespmem:s17], [sflag:$0x5], $0x80, $0x38;
	[tilespmem:$0x16C00] =	vst v63  }
0x32: {  	s17 =	sadd.s32 $0xE620, s18;
	s22 =	sadd.s32 $0x40, s14  }
0x33: {  	[hbm4b:s22+s3] =	stream.linear.scatter [tilespmem:s17], [sflag:$0x5], $0x80, $0x38;
	[tilespmem:$0x16C00] =	vst v63  }
.Ltmp0:
0x34: {  	s17 =	sadd.s32 $0xE6A8, s18;
	s22 =	sadd.s32 $0x50, s14;
	(pc) =	sbr.rel @p0 .LBB2_2-.Ltmp0, $4  }
0x35: {  	[hbm4b:s22+s3] =	stream.linear.scatter [tilespmem:s17], [sflag:$0x5], $0x80, $0x38;
	[tilespmem:$0x16C00] =	vst v63  }
0x36: {  	s17 =	sadd.s32 $0xE730, s18;
	s22 =	sadd.s32 $0x60, s14;
	s18 =	sadd.s32 $0xE7B8, s18  }
0x37: {  	[hbm4b:s22+s3] =	stream.linear.scatter [tilespmem:s17], [sflag:$0x5], $0x80, $0x38;
	[tilespmem:$0x16C00] =	vst v63  }
0x38: {  	s22 =	sadd.s32 $0x70, s14;
	s14 =	sadd.s32 $0x4000, s14;
	s17 =	smov.u32 s21  }
0x39: {  	[hbm4b:s22+s3] =	stream.linear.scatter [tilespmem:s18], [sflag:$0x5], $0x80, $0x38;
	[tilespmem:$0x16C00] =	vst v63  }
0x3a: {  	s17 =	sadd.s32 $0xE400, s5  }
0x3b: {  	[hbm4b:s14+s3] =	stream.linear.scatter [tilespmem:s17], [sflag:$0x5], $0x80, $0x38;
	[tilespmem:$0x16C00] =	vst v63  }
0x3c: {  	s22 =	sadd.s32 $0xE488, s5;
	s24 =	sadd.s32 $0x10, s14  }
0x3d: {  	[hbm4b:s24+s3] =	stream.linear.scatter [tilespmem:s22], [sflag:$0x5], $0x80, $0x38;
	[tilespmem:$0x16C00] =	vst v63  }
0x3e: {  	s7 =	sadd.s32 $0xE510, s5;
	s11 =	sadd.s32 $0x20, s14  }
0x3f: {  	[hbm4b:s11+s3] =	stream.linear.scatter [tilespmem:s7], [sflag:$0x5], $0x80, $0x38;
	[tilespmem:$0x16C00] =	vst v63  }
0x40: {  	s18 =	sadd.s32 $0xE598, s5;
	s21 =	sadd.s32 $0x30, s14  }
0x41: {  	[hbm4b:s21+s3] =	stream.linear.scatter [tilespmem:s18], [sflag:$0x5], $0x80, $0x38;
	[tilespmem:$0x16C00] =	vst v63  }
0x42: {  	s22 =	sadd.s32 $0xE620, s5;
	s24 =	sadd.s32 $0x40, s14  }
0x43: {  	[hbm4b:s24+s3] =	stream.linear.scatter [tilespmem:s22], [sflag:$0x5], $0x80, $0x38;
	[tilespmem:$0x16C00] =	vst v63  }
0x44: {  	s7 =	sadd.s32 $0xE6A8, s5;
	s11 =	sadd.s32 $0x50, s14  }
0x45: {  	[hbm4b:s11+s3] =	stream.linear.scatter [tilespmem:s7], [sflag:$0x5], $0x80, $0x38;
	[tilespmem:$0x16C00] =	vst v63  }
0x46: {  	s21 =	sadd.s32 $0xE730, s5;
	s22 =	sadd.s32 $0x60, s14  }
0x47: {  	[hbm4b:s22+s3] =	stream.linear.scatter [tilespmem:s21], [sflag:$0x5], $0x80, $0x38;
	[tilespmem:$0x16C00] =	vst v63  }
0x48: {  	s24 =	sadd.s32 $0xE7B8, s5;
	s7 =	sadd.s32 $0x70, s14  }
0x49: {  	[hbm4b:s7+s3] =	stream.linear.scatter [tilespmem:s24], [sflag:$0x5], $0x80, $0x38;
	[tilespmem:$0x16C00] =	vst v63  }
0x4a: {  	s11 =	simm.s32 $0x8400  }
0x4b: {  	[tilespmem:s11], [sflag:$0x2] =	stream.indirect.gather [hbm4b:s4+s23], $0x40, s23, s23, $0xb8;
	[tilespmem:$0x16C00] =	vst v63  }
0x4c: {  	s14 =	simm.s32 $0x10600;
	s7 =	rddreg [dreg:$0x5]  }
0x4d: {  	[hbm4b:s7+s3] =	stream.linear.scatter [tilespmem:s14], [sflag:$0x6], $0x80, $0x38;
	[tilespmem:$0x16C00] =	vst v63  }
0x4e: {  	s17 =	simm.s32 $0x10688;
	s18 =	sadd.s32 $0x10, s7  }
0x4f: {  	[hbm4b:s18+s3] =	stream.linear.scatter [tilespmem:s17], [sflag:$0x6], $0x80, $0x38;
	[tilespmem:$0x16C00] =	vst v63  }
0x50: {  	s21 =	simm.s32 $0x10710;
	s22 =	sadd.s32 $0x20, s7  }
0x51: {  	[hbm4b:s22+s3] =	stream.linear.scatter [tilespmem:s21], [sflag:$0x6], $0x80, $0x38;
	[tilespmem:$0x16C00] =	vst v63  }
0x52: {  	s24 =	simm.s32 $0x10798;
	s11 =	sadd.s32 $0x30, s7  }
0x53: {  	[hbm4b:s11+s3] =	stream.linear.scatter [tilespmem:s24], [sflag:$0x6], $0x80, $0x38;
	[tilespmem:$0x16C00] =	vst v63  }
0x54: {  	s14 =	simm.s32 $0x10820;
	s17 =	sadd.s32 $0x40, s7  }
0x55: {  	[hbm4b:s17+s3] =	stream.linear.scatter [tilespmem:s14], [sflag:$0x6], $0x80, $0x38;
	[tilespmem:$0x16C00] =	vst v63  }
0x56: {  	s5 =	simm.s32 $0x440;
	s18 =	simm.s32 $0x108A8;
	s21 =	sadd.s32 $0x50, s7  }
0x57: {  	[hbm4b:s21+s3] =	stream.linear.scatter [tilespmem:s18], [sflag:$0x6], $0x80, $0x38;
	[tilespmem:$0x16C00] =	vst v63  }
0x58: {  	s22 =	simm.s32 $0x10930;
	s24 =	sadd.s32 $0x60, s7;
	s17 =	simm.s32 $0x2200  }
0x59: {  	[hbm4b:s24+s3] =	stream.linear.scatter [tilespmem:s22], [sflag:$0x6], $0x80, $0x38;
	[tilespmem:$0x16C00] =	vst v63  }
0x5a: {  	s14 =	sadd.s32 $0x4000, s7;
	s18 =	simm.s32 $0x109B8;
	s22 =	sadd.s32 $0x70, s7  }
.LBB2_4:
0x5b: {  	[hbm4b:s22+s3] =	stream.linear.scatter [tilespmem:s18], [sflag:$0x6], $0x80, $0x38;
	[tilespmem:$0x16C00] =	vst v63  }
0x5c: {  	s18 =	smov.u32 s5;
	s5 =	smov.u32 s17  }
0x5d: {  	s21 =	sadd.s32 $0x1100, s17;
	s5 =	sshra.s32 s5, $0x2;
	s22 =	sadd.s32 $0x10600, s18  }
0x5e: {  	[hbm4b:s14+s3] =	stream.linear.scatter [tilespmem:s22], [sflag:$0x6], $0x80, $0x38;
	[tilespmem:$0x16C00] =	vst v63  }
0x5f: {  	p0 =	sne.s32 s17, $0x7700;
	s17 =	sadd.s32 $0x10688, s18;
	s22 =	sadd.s32 $0x10, s14  }
0x60: {  	[hbm4b:s22+s3] =	stream.linear.scatter [tilespmem:s17], [sflag:$0x6], $0x80, $0x38;
	[tilespmem:$0x16C00] =	vst v63  }
0x61: {  	s17 =	sadd.s32 $0x10710, s18;
	s22 =	sadd.s32 $0x20, s14  }
0x62: {  	[hbm4b:s22+s3] =	stream.linear.scatter [tilespmem:s17], [sflag:$0x6], $0x80, $0x38;
	[tilespmem:$0x16C00] =	vst v63  }
0x63: {  	s17 =	sadd.s32 $0x10798, s18;
	s22 =	sadd.s32 $0x30, s14  }
0x64: {  	[hbm4b:s22+s3] =	stream.linear.scatter [tilespmem:s17], [sflag:$0x6], $0x80, $0x38;
	[tilespmem:$0x16C00] =	vst v63  }
0x65: {  	s17 =	sadd.s32 $0x10820, s18;
	s22 =	sadd.s32 $0x40, s14  }
0x66: {  	[hbm4b:s22+s3] =	stream.linear.scatter [tilespmem:s17], [sflag:$0x6], $0x80, $0x38;
	[tilespmem:$0x16C00] =	vst v63  }
.Ltmp1:
0x67: {  	s17 =	sadd.s32 $0x108A8, s18;
	s22 =	sadd.s32 $0x50, s14;
	(pc) =	sbr.rel @p0 .LBB2_4-.Ltmp1, $4  }
0x68: {  	[hbm4b:s22+s3] =	stream.linear.scatter [tilespmem:s17], [sflag:$0x6], $0x80, $0x38;
	[tilespmem:$0x16C00] =	vst v63  }
0x69: {  	s17 =	sadd.s32 $0x10930, s18;
	s22 =	sadd.s32 $0x60, s14;
	s18 =	sadd.s32 $0x109B8, s18  }
0x6a: {  	[hbm4b:s22+s3] =	stream.linear.scatter [tilespmem:s17], [sflag:$0x6], $0x80, $0x38;
	[tilespmem:$0x16C00] =	vst v63  }
0x6b: {  	s22 =	sadd.s32 $0x70, s14;
	s14 =	sadd.s32 $0x4000, s14;
	s17 =	smov.u32 s21  }
0x6c: {  	[hbm4b:s22+s3] =	stream.linear.scatter [tilespmem:s18], [sflag:$0x6], $0x80, $0x38;
	[tilespmem:$0x16C00] =	vst v63  }
0x6d: {  	s17 =	sadd.s32 $0x10600, s5  }
0x6e: {  	[hbm4b:s14+s3] =	stream.linear.scatter [tilespmem:s17], [sflag:$0x6], $0x80, $0x38;
	[tilespmem:$0x16C00] =	vst v63  }
0x6f: {  	s7 =	sadd.s32 $0x10688, s5;
	s11 =	sadd.s32 $0x10, s14  }
0x70: {  	[hbm4b:s11+s3] =	stream.linear.scatter [tilespmem:s7], [sflag:$0x6], $0x80, $0x38;
	[tilespmem:$0x16C00] =	vst v63  }
0x71: {  	s18 =	sadd.s32 $0x10710, s5;
	s21 =	sadd.s32 $0x20, s14  }
0x72: {  	[hbm4b:s21+s3] =	stream.linear.scatter [tilespmem:s18], [sflag:$0x6], $0x80, $0x38;
	[tilespmem:$0x16C00] =	vst v63  }
0x73: {  	s22 =	sadd.s32 $0x10798, s5;
	s24 =	sadd.s32 $0x30, s14  }
0x74: {  	[hbm4b:s24+s3] =	stream.linear.scatter [tilespmem:s22], [sflag:$0x6], $0x80, $0x38;
	[tilespmem:$0x16C00] =	vst v63  }
0x75: {  	s7 =	sadd.s32 $0x10820, s5;
	s11 =	sadd.s32 $0x40, s14  }
0x76: {  	[hbm4b:s11+s3] =	stream.linear.scatter [tilespmem:s7], [sflag:$0x6], $0x80, $0x38;
	[tilespmem:$0x16C00] =	vst v63  }
0x77: {  	s18 =	sadd.s32 $0x108A8, s5;
	s21 =	sadd.s32 $0x50, s14  }
0x78: {  	[hbm4b:s21+s3] =	stream.linear.scatter [tilespmem:s18], [sflag:$0x6], $0x80, $0x38;
	[tilespmem:$0x16C00] =	vst v63  }
0x79: {  	s22 =	sadd.s32 $0x10930, s5;
	s24 =	sadd.s32 $0x60, s14  }
0x7a: {  	[hbm4b:s24+s3] =	stream.linear.scatter [tilespmem:s22], [sflag:$0x6], $0x80, $0x38;
	[tilespmem:$0x16C00] =	vst v63  }
0x7b: {  	s7 =	sadd.s32 $0x109B8, s5;
	s11 =	sadd.s32 $0x70, s14  }
0x7c: {  	[hbm4b:s11+s3] =	stream.linear.scatter [tilespmem:s7], [sflag:$0x6], $0x80, $0x38;
	[tilespmem:$0x16C00] =	vst v63  }
0x7d: {  	s14 =	simm.s32 $0x100;
	s7 =	simm.s32 $0xA400  }
0x7e: {  	[tilespmem:s7], [sflag:$0x3] =	stream.indirect.gather [hbm4b:s4+s23], $0x40, s14, s23, $0xb8;
	[tilespmem:$0x16C00] =	vst v63  }
0x7f: {  	s17 =	simm.s32 $0x12800  }
0x80: {  	[hbm4b:s12+s3] =	stream.linear.scatter [tilespmem:s17], [sflag:$0x7], $0x80, $0x38;
	[tilespmem:$0x16C00] =	vst v63  }
0x81: {  	s18 =	simm.s32 $0x12888;
	s21 =	sadd.s32 $0x10, s12  }
0x82: {  	[hbm4b:s21+s3] =	stream.linear.scatter [tilespmem:s18], [sflag:$0x7], $0x80, $0x38;
	[tilespmem:$0x16C00] =	vst v63  }
0x83: {  	s22 =	simm.s32 $0x12910;
	s24 =	sadd.s32 $0x20, s12  }
0x84: {  	[hbm4b:s24+s3] =	stream.linear.scatter [tilespmem:s22], [sflag:$0x7], $0x80, $0x38;
	[tilespmem:$0x16C00] =	vst v63  }
0x85: {  	s11 =	sadd.s32 $0x30, s12;
	s7 =	simm.s32 $0x12998  }
0x86: {  	[hbm4b:s11+s3] =	stream.linear.scatter [tilespmem:s7], [sflag:$0x7], $0x80, $0x38;
	[tilespmem:$0x16C00] =	vst v63  }
0x87: {  	s14 =	simm.s32 $0x12A20;
	s17 =	sadd.s32 $0x40, s12  }
0x88: {  	[hbm4b:s17+s3] =	stream.linear.scatter [tilespmem:s14], [sflag:$0x7], $0x80, $0x38;
	[tilespmem:$0x16C00] =	vst v63  }
0x89: {  	s5 =	simm.s32 $0x440;
	s18 =	simm.s32 $0x12AA8;
	s21 =	sadd.s32 $0x50, s12  }
0x8a: {  	[hbm4b:s21+s3] =	stream.linear.scatter [tilespmem:s18], [sflag:$0x7], $0x80, $0x38;
	[tilespmem:$0x16C00] =	vst v63  }
0x8b: {  	s22 =	simm.s32 $0x12B30;
	s24 =	sadd.s32 $0x60, s12;
	s17 =	simm.s32 $0x2200  }
0x8c: {  	[hbm4b:s24+s3] =	stream.linear.scatter [tilespmem:s22], [sflag:$0x7], $0x80, $0x38;
	[tilespmem:$0x16C00] =	vst v63  }
0x8d: {  	s14 =	sadd.s32 $0x4000, s12;
	s18 =	simm.s32 $0x12BB8;
	s22 =	sadd.s32 $0x70, s12  }
.LBB2_6:
0x8e: {  	[hbm4b:s22+s3] =	stream.linear.scatter [tilespmem:s18], [sflag:$0x7], $0x80, $0x38;
	[tilespmem:$0x16C00] =	vst v63  }
0x8f: {  	s18 =	smov.u32 s5;
	s5 =	smov.u32 s17  }
0x90: {  	s21 =	sadd.s32 $0x1100, s17;
	s5 =	sshra.s32 s5, $0x2;
	s22 =	sadd.s32 $0x12800, s18  }
0x91: {  	[hbm4b:s14+s3] =	stream.linear.scatter [tilespmem:s22], [sflag:$0x7], $0x80, $0x38;
	[tilespmem:$0x16C00] =	vst v63  }
0x92: {  	p0 =	sne.s32 s17, $0x7700;
	s17 =	sadd.s32 $0x12888, s18;
	s22 =	sadd.s32 $0x10, s14  }
0x93: {  	[hbm4b:s22+s3] =	stream.linear.scatter [tilespmem:s17], [sflag:$0x7], $0x80, $0x38;
	[tilespmem:$0x16C00] =	vst v63  }
0x94: {  	s17 =	sadd.s32 $0x12910, s18;
	s22 =	sadd.s32 $0x20, s14  }
0x95: {  	[hbm4b:s22+s3] =	stream.linear.scatter [tilespmem:s17], [sflag:$0x7], $0x80, $0x38;
	[tilespmem:$0x16C00] =	vst v63  }
0x96: {  	s17 =	sadd.s32 $0x12998, s18;
	s22 =	sadd.s32 $0x30, s14  }
0x97: {  	[hbm4b:s22+s3] =	stream.linear.scatter [tilespmem:s17], [sflag:$0x7], $0x80, $0x38;
	[tilespmem:$0x16C00] =	vst v63  }
0x98: {  	s17 =	sadd.s32 $0x12A20, s18;
	s22 =	sadd.s32 $0x40, s14  }
0x99: {  	[hbm4b:s22+s3] =	stream.linear.scatter [tilespmem:s17], [sflag:$0x7], $0x80, $0x38;
	[tilespmem:$0x16C00] =	vst v63  }
.Ltmp2:
0x9a: {  	s17 =	sadd.s32 $0x12AA8, s18;
	s22 =	sadd.s32 $0x50, s14;
	(pc) =	sbr.rel @p0 .LBB2_6-.Ltmp2, $4  }
0x9b: {  	[hbm4b:s22+s3] =	stream.linear.scatter [tilespmem:s17], [sflag:$0x7], $0x80, $0x38;
	[tilespmem:$0x16C00] =	vst v63  }
0x9c: {  	s17 =	sadd.s32 $0x12B30, s18;
	s22 =	sadd.s32 $0x60, s14;
	s18 =	sadd.s32 $0x12BB8, s18  }
0x9d: {  	[hbm4b:s22+s3] =	stream.linear.scatter [tilespmem:s17], [sflag:$0x7], $0x80, $0x38;
	[tilespmem:$0x16C00] =	vst v63  }
0x9e: {  	s22 =	sadd.s32 $0x70, s14;
	s14 =	sadd.s32 $0x4000, s14;
	s17 =	smov.u32 s21  }
0x9f: {  	[hbm4b:s22+s3] =	stream.linear.scatter [tilespmem:s18], [sflag:$0x7], $0x80, $0x38;
	[tilespmem:$0x16C00] =	vst v63  }
0xa0: {  	s17 =	sadd.s32 $0x12800, s5  }
0xa1: {  	[hbm4b:s14+s3] =	stream.linear.scatter [tilespmem:s17], [sflag:$0x7], $0x80, $0x38;
	[tilespmem:$0x16C00] =	vst v63  }
0xa2: {  	s7 =	sadd.s32 $0x12888, s5;
	s11 =	sadd.s32 $0x10, s14  }
0xa3: {  	[hbm4b:s11+s3] =	stream.linear.scatter [tilespmem:s7], [sflag:$0x7], $0x80, $0x38;
	[tilespmem:$0x16C00] =	vst v63  }
0xa4: {  	s18 =	sadd.s32 $0x12910, s5;
	s21 =	sadd.s32 $0x20, s14  }
0xa5: {  	[hbm4b:s21+s3] =	stream.linear.scatter [tilespmem:s18], [sflag:$0x7], $0x80, $0x38;
	[tilespmem:$0x16C00] =	vst v63  }
0xa6: {  	s22 =	sadd.s32 $0x12998, s5;
	s24 =	sadd.s32 $0x30, s14  }
0xa7: {  	[hbm4b:s24+s3] =	stream.linear.scatter [tilespmem:s22], [sflag:$0x7], $0x80, $0x38;
	[tilespmem:$0x16C00] =	vst v63  }
0xa8: {  	s7 =	sadd.s32 $0x12A20, s5;
	s11 =	sadd.s32 $0x40, s14  }
0xa9: {  	[hbm4b:s11+s3] =	stream.linear.scatter [tilespmem:s7], [sflag:$0x7], $0x80, $0x38;
	[tilespmem:$0x16C00] =	vst v63  }
0xaa: {  	s18 =	sadd.s32 $0x12AA8, s5;
	s21 =	sadd.s32 $0x50, s14  }
0xab: {  	[hbm4b:s21+s3] =	stream.linear.scatter [tilespmem:s18], [sflag:$0x7], $0x80, $0x38;
	[tilespmem:$0x16C00] =	vst v63  }
0xac: {  	s22 =	sadd.s32 $0x12B30, s5;
	s24 =	sadd.s32 $0x60, s14  }
0xad: {  	[hbm4b:s24+s3] =	stream.linear.scatter [tilespmem:s22], [sflag:$0x7], $0x80, $0x38;
	[tilespmem:$0x16C00] =	vst v63  }
0xae: {  	s7 =	sadd.s32 $0x12BB8, s5;
	s11 =	sadd.s32 $0x70, s14  }
0xaf: {  	[hbm4b:s11+s3] =	stream.linear.scatter [tilespmem:s7], [sflag:$0x7], $0x80, $0x38;
	[tilespmem:$0x16C00] =	vst v63  }
0xb0: {  	s14 =	simm.s32 $0x180;
	s7 =	simm.s32 $0xC400  }
0xb1: {  	[tilespmem:s7], [sflag:$0x4] =	stream.indirect.gather [hbm4b:s4+s23], $0x40, s14, s23, $0xb8;
	[tilespmem:$0x16C00] =	vst v63  }
0xb2: {  	s17 =	simm.s32 $0x14A00;
	s22 =	simm.s32 $0x0  }
0xb3: {  	[hbm4b:s13+s22] =	stream.linear.scatter [tilespmem:s17], [sflag:$0x8], $0x80, $0x38;
	[tilespmem:$0x16C00] =	vst v63  }
0xb4: {  	s18 =	simm.s32 $0x14A88;
	s21 =	sadd.s32 $0x10, s13  }
0xb5: {  	[hbm4b:s21+s22] =	stream.linear.scatter [tilespmem:s18], [sflag:$0x8], $0x80, $0x38;
	[tilespmem:$0x16C00] =	vst v63  }
0xb6: {  	s24 =	sadd.s32 $0x20, s13;
	s23 =	simm.s32 $0x14B10  }
0xb7: {  	[hbm4b:s24+s22] =	stream.linear.scatter [tilespmem:s23], [sflag:$0x8], $0x80, $0x38;
	[tilespmem:$0x16C00] =	vst v63  }
0xb8: {  	s11 =	sadd.s32 $0x30, s13;
	s7 =	simm.s32 $0x14B98  }
0xb9: {  	[hbm4b:s11+s22] =	stream.linear.scatter [tilespmem:s7], [sflag:$0x8], $0x80, $0x38;
	[tilespmem:$0x16C00] =	vst v63  }
0xba: {  	s14 =	simm.s32 $0x14C20;
	s17 =	sadd.s32 $0x40, s13  }
0xbb: {  	[hbm4b:s17+s22] =	stream.linear.scatter [tilespmem:s14], [sflag:$0x8], $0x80, $0x38;
	[tilespmem:$0x16C00] =	vst v63  }
0xbc: {  	s5 =	simm.s32 $0x440;
	s18 =	simm.s32 $0x14CA8;
	s21 =	sadd.s32 $0x50, s13  }
0xbd: {  	[hbm4b:s21+s22] =	stream.linear.scatter [tilespmem:s18], [sflag:$0x8], $0x80, $0x38;
	[tilespmem:$0x16C00] =	vst v63  }
0xbe: {  	s23 =	simm.s32 $0x14D30;
	s24 =	sadd.s32 $0x60, s13;
	s17 =	simm.s32 $0x2200  }
0xbf: {  	[hbm4b:s24+s22] =	stream.linear.scatter [tilespmem:s23], [sflag:$0x8], $0x80, $0x38;
	[tilespmem:$0x16C00] =	vst v63  }
0xc0: {  	s14 =	sadd.s32 $0x4000, s13;
	s18 =	simm.s32 $0x14DB8;
	s23 =	sadd.s32 $0x70, s13  }
.LBB2_8:
0xc1: {  	[hbm4b:s23+s22] =	stream.linear.scatter [tilespmem:s18], [sflag:$0x8], $0x80, $0x38;
	[tilespmem:$0x16C00] =	vst v63  }
0xc2: {  	s18 =	smov.u32 s5;
	s5 =	smov.u32 s17  }
0xc3: {  	s21 =	sadd.s32 $0x1100, s17;
	s5 =	sshra.s32 s5, $0x2;
	s23 =	sadd.s32 $0x14A00, s18  }
0xc4: {  	[hbm4b:s14+s22] =	stream.linear.scatter [tilespmem:s23], [sflag:$0x8], $0x80, $0x38;
	[tilespmem:$0x16C00] =	vst v63  }
0xc5: {  	p0 =	sne.s32 s17, $0x7700;
	s17 =	sadd.s32 $0x14A88, s18;
	s23 =	sadd.s32 $0x10, s14  }
0xc6: {  	[hbm4b:s23+s22] =	stream.linear.scatter [tilespmem:s17], [sflag:$0x8], $0x80, $0x38;
	[tilespmem:$0x16C00] =	vst v63  }
0xc7: {  	s17 =	sadd.s32 $0x14B10, s18;
	s23 =	sadd.s32 $0x20, s14  }
0xc8: {  	[hbm4b:s23+s22] =	stream.linear.scatter [tilespmem:s17], [sflag:$0x8], $0x80, $0x38;
	[tilespmem:$0x16C00] =	vst v63  }
0xc9: {  	s17 =	sadd.s32 $0x14B98, s18;
	s23 =	sadd.s32 $0x30, s14  }
0xca: {  	[hbm4b:s23+s22] =	stream.linear.scatter [tilespmem:s17], [sflag:$0x8], $0x80, $0x38;
	[tilespmem:$0x16C00] =	vst v63  }
0xcb: {  	s17 =	sadd.s32 $0x14C20, s18;
	s23 =	sadd.s32 $0x40, s14  }
0xcc: {  	[hbm4b:s23+s22] =	stream.linear.scatter [tilespmem:s17], [sflag:$0x8], $0x80, $0x38;
	[tilespmem:$0x16C00] =	vst v63  }
.Ltmp3:
0xcd: {  	s17 =	sadd.s32 $0x14CA8, s18;
	s23 =	sadd.s32 $0x50, s14;
	(pc) =	sbr.rel @p0 .LBB2_8-.Ltmp3, $4  }
0xce: {  	[hbm4b:s23+s22] =	stream.linear.scatter [tilespmem:s17], [sflag:$0x8], $0x80, $0x38;
	[tilespmem:$0x16C00] =	vst v63  }
0xcf: {  	s17 =	sadd.s32 $0x14D30, s18;
	s23 =	sadd.s32 $0x60, s14;
	s18 =	sadd.s32 $0x14DB8, s18  }
0xd0: {  	[hbm4b:s23+s22] =	stream.linear.scatter [tilespmem:s17], [sflag:$0x8], $0x80, $0x38;
	[tilespmem:$0x16C00] =	vst v63  }
0xd1: {  	s23 =	sadd.s32 $0x70, s14;
	s14 =	sadd.s32 $0x4000, s14;
	s17 =	smov.u32 s21  }
0xd2: {  	[hbm4b:s23+s22] =	stream.linear.scatter [tilespmem:s18], [sflag:$0x8], $0x80, $0x38;
	[tilespmem:$0x16C00] =	vst v63  }
0xd3: {  	s17 =	sadd.s32 $0x14A00, s5  }
0xd4: {  	[hbm4b:s14+s22] =	stream.linear.scatter [tilespmem:s17], [sflag:$0x8], $0x80, $0x38;
	[tilespmem:$0x16C00] =	vst v63  }
0xd5: {  	s23 =	sadd.s32 $0x14A88, s5;
	s24 =	sadd.s32 $0x10, s14  }
0xd6: {  	[hbm4b:s24+s22] =	stream.linear.scatter [tilespmem:s23], [sflag:$0x8], $0x80, $0x38;
	[tilespmem:$0x16C00] =	vst v63  }
0xd7: {  	s7 =	sadd.s32 $0x14B10, s5;
	s11 =	sadd.s32 $0x20, s14  }
0xd8: {  	[hbm4b:s11+s22] =	stream.linear.scatter [tilespmem:s7], [sflag:$0x8], $0x80, $0x38;
	[tilespmem:$0x16C00] =	vst v63  }
0xd9: {  	s18 =	sadd.s32 $0x14B98, s5;
	s21 =	sadd.s32 $0x30, s14  }
0xda: {  	[hbm4b:s21+s22] =	stream.linear.scatter [tilespmem:s18], [sflag:$0x8], $0x80, $0x38;
	[tilespmem:$0x16C00] =	vst v63  }
0xdb: {  	s23 =	sadd.s32 $0x14C20, s5;
	s24 =	sadd.s32 $0x40, s14  }
0xdc: {  	[hbm4b:s24+s22] =	stream.linear.scatter [tilespmem:s23], [sflag:$0x8], $0x80, $0x38;
	[tilespmem:$0x16C00] =	vst v63  }
0xdd: {  	s7 =	sadd.s32 $0x14CA8, s5;
	s11 =	sadd.s32 $0x50, s14  }
0xde: {  	[hbm4b:s11+s22] =	stream.linear.scatter [tilespmem:s7], [sflag:$0x8], $0x80, $0x38;
	[tilespmem:$0x16C00] =	vst v63  }
0xdf: {  	s18 =	sadd.s32 $0x14D30, s5;
	s21 =	sadd.s32 $0x60, s14  }
0xe0: {  	[hbm4b:s21+s22] =	stream.linear.scatter [tilespmem:s18], [sflag:$0x8], $0x80, $0x38;
	[tilespmem:$0x16C00] =	vst v63  }
0xe1: {  	s23 =	sadd.s32 $0x14DB8, s5;
	s24 =	sadd.s32 $0x70, s14  }
0xe2: {  	[hbm4b:s24+s22] =	stream.linear.scatter [tilespmem:s23], [sflag:$0x8], $0x80, $0x38;
	[tilespmem:$0x16C00] =	vst v63  }
.LBB2_10:
0xe3: {  	_ =	swait.ge [sflag:s25], $0x2000  }
0xe4: {  	[sflag:s25] =	ssyncset.done $0x0  }
0xe5: {  	[sflag:s25] =	ssyncadd.s32 $0xFFFFE000  }
0xe6: {  	_ =	swait.ge [sflag:s26], $0x2000  }
0xe7: {  	s5 =	simm.s32 $0x7;
	[sflag:s26] =	ssyncset.done $0x0  }
0xe8: {  	s18 =	simm.s32 $0x0;
	s24 =	simm.s32 $0x6500;
	v33 =	vmov s5;
	[sflag:s26] =	ssyncadd.s32 $0xFFFFE000  }
0xe9: {  	s21 =	simm.s32 $0x1;
	v34 =	vmov s18;
	v33 =	vshrl.u32 v33, $0x3;
	v35 =	vld [tilespmem:s24+$0xC0]  }
0xea: {  	v41 =	vmov s21;
	v34 =	vshrl.u32 v34, $0x3;
	v33 =	vshll.u32 v33, v1;
	v37 =	vld [tilespmem:s24+$0xD0]  }
0xeb: {  	v41 =	vshrl.u32 v41, $0x3;
	v34 =	vshll.u32 v34, v1;
	v33 =	vbroadcast v33, $0x0;
	v39 =	vld [tilespmem:s24+$0xE0]  }
0xec: {  	v41 =	vshll.u32 v41, v1;
	v34 =	vbroadcast v34, $0x0;
	v42 =	vld [tilespmem:s24+$0xF0]  }
0xed: {  	v41 =	vbroadcast v41, $0x0;
	v36 =	vadd.s32 v29, v33;
	v43 =	vld [tilespmem:s24+$0xFFFFFF00]  }
0xee: {  	v44 =	vadd.s32 v0, v34;
	v45 =	vld [tilespmem:s24+$0xFFFFFF10]  }
0xef: {  	v57 =	vld [tilespmem:s24+$0xFFFFFF40];
	v58 =	vadd.s32 v5, v41  }
0xf0: {  	v38 =	vadd.s32 v30, v33;
	v53 =	vld [tilespmem:s24+$0xFFFFFF20]  }
0xf1: {  	v46 =	vadd.s32 v2, v34;
	v55 =	vld [tilespmem:s24+$0xFFFFFF30]  }
0xf2: {  	v59 =	vld [tilespmem:s24+$0xFFFFFF50];
	v60 =	vadd.s32 v6, v41;
	[tilespmem:v36+s28+$0x0] =	vst.idx.msk $0xffff, v35  }
0xf3: {  	s7 =	simm.s32 $0x3;
	v40 =	vadd.s32 v31, v33;
	v61 =	vld [tilespmem:s24+$0xFFFFFF60];
	[tilespmem:v44+s28+$0x0] =	vst.idx.msk $0xffff, v43  }
0xf4: {  	v49 =	vmov s7;
	v54 =	vadd.s32 v3, v34;
	v63 =	vld [tilespmem:s24+$0xFFFFFF70];
	[tilespmem:v58+s28+$0x0] =	vst.idx.msk $0xffff, v57  }
0xf5: {  	s23 =	simm.s32 $0x2;
	v62 =	vadd.s32 v7, v41;
	v48 =	vadd.s32 v8, v41;
	v41 =	vshrl.u32 v49, $0x3;
	[tilespmem:v38+s28+$0x0] =	vst.idx.msk $0xffff, v37  }
0xf6: {  	v56 =	vmov s23;
	v33 =	vadd.s32 v32, v33;
	v41 =	vshll.u32 v41, v1;
	[tilespmem:v46+s28+$0x0] =	vst.idx.msk $0xffff, v45  }
0xf7: {  	v34 =	vadd.s32 v4, v34;
	v50 =	vld [tilespmem:s24+$0xFFFFFF80];
	v41 =	vbroadcast v41, $0x0;
	v38 =	vshrl.u32 v56, $0x3;
	[tilespmem:v60+s28+$0x0] =	vst.idx.msk $0xffff, v59  }
0xf8: {  	v52 =	vld [tilespmem:s24+$0xFFFFFF90];
	[tilespmem:v40+s28+$0x0] =	vst.idx.msk $0xffff, v39;
	v38 =	vshll.u32 v38, v1  }
0xf9: {  	v58 =	vld [tilespmem:s24+$0xFFFFFFC0];
	v59 =	vadd.s32 v13, v41;
	[tilespmem:v54+s28+$0x0] =	vst.idx.msk $0xffff, v53;
	v38 =	vbroadcast v38, $0x0  }
0xfa: {  	v60 =	vld [tilespmem:s24+$0xFFFFFFD0];
	[tilespmem:v62+s28+$0x0] =	vst.idx.msk $0xffff, v61;
	v61 =	vadd.s32 v14, v41  }
0xfb: {  	s11 =	simm.s32 $0x4;
	v56 =	vld [tilespmem:s24+$0xFFFFFFB0];
	[tilespmem:v33+s28+$0x0] =	vst.idx.msk $0xffff, v42;
	v51 =	vadd.s32 v9, v38  }
0xfc: {  	v57 =	vmov s11;
	v54 =	vld [tilespmem:s24+$0xFFFFFFA0];
	[tilespmem:v34+s28+$0x0] =	vst.idx.msk $0xffff, v55;
	v53 =	vadd.s32 v10, v38  }
0xfd: {  	v44 =	vshrl.u32 v57, $0x3;
	v62 =	vld [tilespmem:s24+$0xFFFFFFE0];
	[tilespmem:v48+s28+$0x0] =	vst.idx.msk $0xffff, v63;
	v55 =	vadd.s32 v11, v38  }
0xfe: {  	v44 =	vshll.u32 v44, v1;
	v48 =	vld [tilespmem:s24+$0xFFFFFFF0];
	v38 =	vadd.s32 v12, v38;
	[tilespmem:v59+s28+$0x0] =	vst.idx.msk $0xffff, v58  }
0xff: {  	s14 =	simm.s32 $0x5;
	v63 =	vadd.s32 v15, v41;
	v44 =	vbroadcast v44, $0x0;
	[tilespmem:v61+s28+$0x0] =	vst.idx.msk $0xffff, v60  }
0x100: {  	v49 =	vmov s14;
	v41 =	vadd.s32 v16, v41;
	[tilespmem:v51+s28+$0x0] =	vst.idx.msk $0xffff, v50  }
0x101: {  	v42 =	vshrl.u32 v49, $0x3;
	v50 =	vld [tilespmem:s24+$0x0];
	v51 =	vadd.s32 v17, v44;
	[tilespmem:v53+s28+$0x0] =	vst.idx.msk $0xffff, v52  }
0x102: {  	v42 =	vshll.u32 v42, v1;
	v52 =	vld [tilespmem:s24+$0x10];
	v53 =	vadd.s32 v18, v44;
	[tilespmem:v55+s28+$0x0] =	vst.idx.msk $0xffff, v54  }
0x103: {  	s17 =	simm.s32 $0x6;
	v54 =	vld [tilespmem:s24+$0x20];
	v55 =	vadd.s32 v19, v44;
	[tilespmem:v38+s28+$0x0] =	vst.idx.msk $0xffff, v56;
	v56 =	vbroadcast v42, $0x0  }
0x104: {  	v57 =	vld [tilespmem:s24+$0x30];
	v58 =	vadd.s32 v20, v44;
	v59 =	vmov s17;
	[tilespmem:v63+s28+$0x0] =	vst.idx.msk $0xffff, v62  }
0x105: {  	v60 =	vld [tilespmem:s24+$0x40];
	v37 =	vshrl.u32 v59, $0x3;
	[tilespmem:v41+s28+$0x0] =	vst.idx.msk $0xffff, v48;
	v47 =	vadd.s32 v21, v56  }
0x106: {  	v33 =	vld [tilespmem:s24+$0x50];
	v61 =	vshll.u32 v37, v1;
	[tilespmem:v51+s28+$0x0] =	vst.idx.msk $0xffff, v50;
	v43 =	vadd.s32 v22, v56  }
0x107: {  	s23 =	sshll.u32 s22, $0x14;
	s18 =	simm.s32 $0xF;
	v37 =	vld [tilespmem:s24+$0x60];
	v35 =	vbroadcast v61, $0x0;
	v42 =	vadd.s32 v23, v56;
	[tilespmem:v53+s28+$0x0] =	vst.idx.msk $0xffff, v52  }
0x108: {  	s14 =	sor.u32 s6, s23;
	v34 =	vld [tilespmem:s24+$0x70];
	v62 =	vmov s18;
	v38 =	vadd.s32 v24, v56;
	[tilespmem:v55+s28+$0x0] =	vst.idx.msk $0xffff, v54  }
0x109: {  	s21 =	sshrl.u32 s14, $0x3;
	v36 =	vld [tilespmem:s24+$0x80];
	v63 =	vshrl.u32 v62, $0x3;
	v39 =	vadd.s32 v25, v35;
	[tilespmem:v58+s28+$0x0] =	vst.idx.msk $0xffff, v57  }
0x10a: {  	s14 =	simm.s32 $0x8;
	s5 =	sadd.s32 s2, s21;
	v40 =	vld [tilespmem:s24+$0x90];
	s17 =	simm.s32 $0x10;
	v41 =	vadd.s32 v26, v35;
	v44 =	vshll.u32 v63, v1;
	[tilespmem:v47+s28+$0x0] =	vst.idx.msk $0xffff, v60  }
.LBB2_11:
0x10b: {  	p0 =	slt.u32 s17, $0x78;
	v44 =	vbroadcast v44, $0x0;
	[tilespmem:v43+s28+$0x0] =	vst.idx.msk $0xffff, v33;
	v33 =	vld [tilespmem:s24+$0xA0];
	v43 =	vadd.s32 v27, v35  }
0x10c: {  	v45 =	vmov s14;
	v35 =	vadd.s32 v28, v35;
	[tilespmem:v42+s28+$0x0] =	vst.idx.msk $0xffff, v37;
	v37 =	vld [tilespmem:s24+$0xB0];
	s24 =	sadd.s32 $0x200, s24  }
0x10d: {  	v42 =	vshrl.u32 v45, $0x3;
	v45 =	vld [tilespmem:s24+$0xC0];
	v46 =	vadd.s32 v29, v44;
	[tilespmem:v38+s28+$0x0] =	vst.idx.msk $0xffff, v34  }
0x10e: {  	v34 =	vshll.u32 v42, v1;
	v42 =	vadd.s32 v30, v44;
	v38 =	vld [tilespmem:s24+$0xD0];
	[tilespmem:v39+s28+$0x0] =	vst.idx.msk $0xffff, v36  }
0x10f: {  	s18 =	sadd.s32 $0x1, s14;
	v34 =	vbroadcast v34, $0x0;
	v39 =	vadd.s32 v31, v44;
	v36 =	vld [tilespmem:s24+$0xE0];
	[tilespmem:v41+s28+$0x0] =	vst.idx.msk $0xffff, v40  }
0x110: {  	v44 =	vadd.s32 v32, v44;
	v40 =	vmov s18;
	v41 =	vld [tilespmem:s24+$0xF0];
	[tilespmem:v43+s28+$0x0] =	vst.idx.msk $0xffff, v33  }
0x111: {  	v43 =	vadd.s32 v0, v34;
	v40 =	vshrl.u32 v40, $0x3;
	v33 =	vld [tilespmem:s24+$0xFFFFFF00];
	[tilespmem:v35+s28+$0x0] =	vst.idx.msk $0xffff, v37  }
0x112: {  	v37 =	vadd.s32 v2, v34;
	v40 =	vshll.u32 v40, v1;
	v35 =	vld [tilespmem:s24+$0xFFFFFF10];
	[tilespmem:v46+s28+$0x0] =	vst.idx.msk $0xffff, v45  }
0x113: {  	s18 =	sadd.s32 $0x2, s14;
	v46 =	vadd.s32 v3, v34;
	v40 =	vbroadcast v40, $0x0;
	v45 =	vld [tilespmem:s24+$0xFFFFFF20];
	[tilespmem:v42+s28+$0x0] =	vst.idx.msk $0xffff, v38  }
0x114: {  	v34 =	vadd.s32 v4, v34;
	v42 =	vmov s18;
	v38 =	vld [tilespmem:s24+$0xFFFFFF30];
	[tilespmem:v39+s28+$0x0] =	vst.idx.msk $0xffff, v36  }
0x115: {  	v39 =	vadd.s32 v5, v40;
	v42 =	vshrl.u32 v42, $0x3;
	v36 =	vld [tilespmem:s24+$0xFFFFFF40];
	[tilespmem:v44+s28+$0x0] =	vst.idx.msk $0xffff, v41  }
0x116: {  	v41 =	vadd.s32 v6, v40;
	v42 =	vshll.u32 v42, v1;
	[tilespmem:v43+s28+$0x0] =	vst.idx.msk $0xffff, v33;
	v33 =	vld [tilespmem:s24+$0xFFFFFF50]  }
0x117: {  	s18 =	sadd.s32 $0x3, s14;
	v42 =	vbroadcast v42, $0x0;
	[tilespmem:v37+s28+$0x0] =	vst.idx.msk $0xffff, v35;
	v35 =	vld [tilespmem:s24+$0xFFFFFF60];
	v37 =	vadd.s32 v7, v40  }
0x118: {  	v44 =	vmov s18;
	v40 =	vadd.s32 v8, v40;
	[tilespmem:v46+s28+$0x0] =	vst.idx.msk $0xffff, v45;
	v43 =	vld [tilespmem:s24+$0xFFFFFF70]  }
0x119: {  	v44 =	vshrl.u32 v44, $0x3;
	[tilespmem:v34+s28+$0x0] =	vst.idx.msk $0xffff, v38;
	v34 =	vld [tilespmem:s24+$0xFFFFFF80];
	v38 =	vadd.s32 v9, v42  }
0x11a: {  	v44 =	vshll.u32 v44, v1;
	[tilespmem:v39+s28+$0x0] =	vst.idx.msk $0xffff, v36;
	v36 =	vld [tilespmem:s24+$0xFFFFFF90];
	v39 =	vadd.s32 v10, v42  }
0x11b: {  	s18 =	sadd.s32 $0x4, s14;
	v44 =	vbroadcast v44, $0x0;
	[tilespmem:v41+s28+$0x0] =	vst.idx.msk $0xffff, v33;
	v33 =	vld [tilespmem:s24+$0xFFFFFFA0];
	v41 =	vadd.s32 v11, v42  }
0x11c: {  	[tilespmem:v37+s28+$0x0] =	vst.idx.msk $0xffff, v35;
	v35 =	vld [tilespmem:s24+$0xFFFFFFB0];
	v37 =	vadd.s32 v12, v42;
	v42 =	vmov s18  }
0x11d: {  	[tilespmem:v40+s28+$0x0] =	vst.idx.msk $0xffff, v43;
	v40 =	vld [tilespmem:s24+$0xFFFFFFC0];
	v43 =	vadd.s32 v13, v44;
	v42 =	vshrl.u32 v42, $0x3  }
0x11e: {  	[tilespmem:v38+s28+$0x0] =	vst.idx.msk $0xffff, v34;
	v34 =	vld [tilespmem:s24+$0xFFFFFFD0];
	v38 =	vadd.s32 v14, v44;
	v42 =	vshll.u32 v42, v1  }
0x11f: {  	s18 =	sadd.s32 $0x5, s14;
	[tilespmem:v39+s28+$0x0] =	vst.idx.msk $0xffff, v36;
	v36 =	vld [tilespmem:s24+$0xFFFFFFE0];
	v39 =	vadd.s32 v15, v44;
	v42 =	vbroadcast v42, $0x0  }
0x120: {  	[tilespmem:v41+s28+$0x0] =	vst.idx.msk $0xffff, v33;
	v33 =	vld [tilespmem:s24+$0xFFFFFFF0];
	v41 =	vadd.s32 v16, v44;
	v44 =	vmov s18  }
0x121: {  	[tilespmem:v37+s28+$0x0] =	vst.idx.msk $0xffff, v35;
	v35 =	vld [tilespmem:s24+$0x0];
	v37 =	vadd.s32 v17, v42;
	v44 =	vshrl.u32 v44, $0x3  }
0x122: {  	v45 =	vadd.s32 v18, v42;
	[tilespmem:v43+s28+$0x0] =	vst.idx.msk $0xffff, v40;
	v40 =	vld [tilespmem:s24+$0x10];
	v43 =	vshll.u32 v44, v1  }
0x123: {  	s18 =	sadd.s32 $0x6, s14;
	s14 =	smov.u32 s17;
	[tilespmem:v38+s28+$0x0] =	vst.idx.msk $0xffff, v34;
	v34 =	vld [tilespmem:s24+$0x20];
	v38 =	vadd.s32 v19, v42;
	v44 =	vbroadcast v43, $0x0  }
0x124: {  	[tilespmem:v39+s28+$0x0] =	vst.idx.msk $0xffff, v36;
	v36 =	vld [tilespmem:s24+$0x30];
	v39 =	vadd.s32 v20, v42;
	v42 =	vmov s18  }
0x125: {  	[tilespmem:v41+s28+$0x0] =	vst.idx.msk $0xffff, v33;
	v41 =	vld [tilespmem:s24+$0x40];
	v46 =	vadd.s32 v21, v44;
	v42 =	vshrl.u32 v42, $0x3  }
.Ltmp4:
0x126: {  	v43 =	vadd.s32 v22, v44;
	[tilespmem:v37+s28+$0x0] =	vst.idx.msk $0xffff, v35;
	v33 =	vld [tilespmem:s24+$0x50];
	v35 =	vshll.u32 v42, v1;
	(pc) =	sbr.rel @p0 .LBB2_11-.Ltmp4, $4  }
0x127: {  	s18 =	sadd.s32 $0x7, s17;
	v42 =	vadd.s32 v23, v44;
	[tilespmem:v45+s28+$0x0] =	vst.idx.msk $0xffff, v40;
	v37 =	vld [tilespmem:s24+$0x60];
	v35 =	vbroadcast v35, $0x0  }
0x128: {  	v40 =	vmov s18;
	[tilespmem:v38+s28+$0x0] =	vst.idx.msk $0xffff, v34;
	v34 =	vld [tilespmem:s24+$0x70];
	v38 =	vadd.s32 v24, v44  }
0x129: {  	v40 =	vshrl.u32 v40, $0x3;
	[tilespmem:v39+s28+$0x0] =	vst.idx.msk $0xffff, v36;
	v36 =	vld [tilespmem:s24+$0x80];
	v39 =	vadd.s32 v25, v35  }
0x12a: {  	s17 =	sadd.s32 $0x8, s17;
	v44 =	vshll.u32 v40, v1;
	[tilespmem:v46+s28+$0x0] =	vst.idx.msk $0xffff, v41;
	v40 =	vld [tilespmem:s24+$0x90];
	v41 =	vadd.s32 v26, v35  }
0x12b: {  	_ =	sdelay $0x3  }
0x12c: {  	v44 =	vbroadcast v44, $0x0;
	[tilespmem:v43+s28+$0x0] =	vst.idx.msk $0xffff, v33;
	v60 =	vld [tilespmem:s24+$0xA0];
	v61 =	vadd.s32 v27, v35  }
0x12d: {  	v45 =	vmov s14;
	v62 =	vld [tilespmem:s24+$0xB0];
	v63 =	vadd.s32 v28, v35;
	s17 =	sadd.s32 $0x200, s24;
	[tilespmem:v42+s28+$0x0] =	vst.idx.msk $0xffff, v37  }
0x12e: {  	v48 =	vshrl.u32 v45, $0x3;
	v49 =	vld [tilespmem:s17+$0xC0];
	v46 =	vadd.s32 v29, v44;
	[tilespmem:v38+s28+$0x0] =	vst.idx.msk $0xffff, v34  }
0x12f: {  	v51 =	vld [tilespmem:s17+$0xD0];
	v50 =	vshll.u32 v48, v1;
	v52 =	vadd.s32 v30, v44;
	[tilespmem:v39+s28+$0x0] =	vst.idx.msk $0xffff, v36  }
0x130: {  	s18 =	sadd.s32 $0x1, s14;
	v53 =	vld [tilespmem:s17+$0xE0];
	v54 =	vadd.s32 v31, v44;
	v34 =	vbroadcast v50, $0x0;
	[tilespmem:v41+s28+$0x0] =	vst.idx.msk $0xffff, v40  }
0x131: {  	v55 =	vmov s18;
	v56 =	vld [tilespmem:s17+$0xF0];
	v44 =	vadd.s32 v32, v44;
	[tilespmem:v61+s28+$0x0] =	vst.idx.msk $0xffff, v60  }
0x132: {  	v57 =	vld [tilespmem:s17+$0xFFFFFF00];
	v40 =	vshrl.u32 v55, $0x3;
	v58 =	vadd.s32 v0, v34;
	[tilespmem:v63+s28+$0x0] =	vst.idx.msk $0xffff, v62  }
0x133: {  	s21 =	sadd.s32 $0x2, s14;
	v59 =	vld [tilespmem:s17+$0xFFFFFF10];
	v60 =	vadd.s32 v2, v34;
	v40 =	vshll.u32 v40, v1;
	[tilespmem:v46+s28+$0x0] =	vst.idx.msk $0xffff, v49  }
0x134: {  	v47 =	vmov s21;
	v61 =	vld [tilespmem:s17+$0xFFFFFF20];
	v62 =	vadd.s32 v3, v34;
	v40 =	vbroadcast v40, $0x0;
	[tilespmem:v52+s28+$0x0] =	vst.idx.msk $0xffff, v51  }
0x135: {  	v42 =	vshrl.u32 v47, $0x3;
	v63 =	vld [tilespmem:s17+$0xFFFFFF30];
	v34 =	vadd.s32 v4, v34;
	[tilespmem:v54+s28+$0x0] =	vst.idx.msk $0xffff, v53  }
0x136: {  	v48 =	vld [tilespmem:s17+$0xFFFFFF40];
	v42 =	vshll.u32 v42, v1;
	v49 =	vadd.s32 v5, v40;
	[tilespmem:v44+s28+$0x0] =	vst.idx.msk $0xffff, v56  }
0x137: {  	v50 =	vld [tilespmem:s17+$0xFFFFFF50];
	v42 =	vbroadcast v42, $0x0;
	v51 =	vadd.s32 v6, v40;
	[tilespmem:v58+s28+$0x0] =	vst.idx.msk $0xffff, v57  }
0x138: {  	s24 =	sadd.s32 $0x3, s14;
	v52 =	vld [tilespmem:s17+$0xFFFFFF60];
	v53 =	vadd.s32 v7, v40;
	[tilespmem:v60+s28+$0x0] =	vst.idx.msk $0xffff, v59  }
0x139: {  	v55 =	vmov s24;
	v56 =	vld [tilespmem:s17+$0xFFFFFF80];
	v57 =	vadd.s32 v9, v42;
	[tilespmem:v62+s28+$0x0] =	vst.idx.msk $0xffff, v61  }
0x13a: {  	v54 =	vld [tilespmem:s17+$0xFFFFFF70];
	v40 =	vadd.s32 v8, v40;
	v44 =	vshrl.u32 v55, $0x3;
	[tilespmem:v34+s28+$0x0] =	vst.idx.msk $0xffff, v63  }
0x13b: {  	v58 =	vld [tilespmem:s17+$0xFFFFFF90];
	v59 =	vadd.s32 v10, v42;
	v44 =	vshll.u32 v44, v1;
	[tilespmem:v49+s28+$0x0] =	vst.idx.msk $0xffff, v48  }
0x13c: {  	s7 =	sadd.s32 $0x4, s14;
	v60 =	vld [tilespmem:s17+$0xFFFFFFA0];
	v61 =	vadd.s32 v11, v42;
	v44 =	vbroadcast v44, $0x0;
	[tilespmem:v51+s28+$0x0] =	vst.idx.msk $0xffff, v50  }
0x13d: {  	v62 =	vld [tilespmem:s17+$0xFFFFFFB0];
	v63 =	vadd.s32 v12, v42;
	v48 =	vmov s7;
	[tilespmem:v53+s28+$0x0] =	vst.idx.msk $0xffff, v52  }
0x13e: {  	v49 =	vld [tilespmem:s17+$0xFFFFFFC0];
	v50 =	vadd.s32 v13, v44;
	v42 =	vshrl.u32 v48, $0x3;
	[tilespmem:v57+s28+$0x0] =	vst.idx.msk $0xffff, v56  }
0x13f: {  	s11 =	sadd.s32 $0x5, s14;
	v51 =	vld [tilespmem:s17+$0xFFFFFFD0];
	v52 =	vadd.s32 v14, v44;
	v42 =	vshll.u32 v42, v1;
	[tilespmem:v40+s28+$0x0] =	vst.idx.msk $0xffff, v54  }
0x140: {  	v53 =	vld [tilespmem:s17+$0xFFFFFFE0];
	v57 =	vmov s11;
	[tilespmem:v59+s28+$0x0] =	vst.idx.msk $0xffff, v58;
	v54 =	vadd.s32 v15, v44;
	v42 =	vbroadcast v42, $0x0  }
0x141: {  	v55 =	vld [tilespmem:s17+$0xFFFFFFF0];
	v56 =	vadd.s32 v16, v44;
	v44 =	vshrl.u32 v57, $0x3;
	[tilespmem:v61+s28+$0x0] =	vst.idx.msk $0xffff, v60  }
0x142: {  	v58 =	vld [tilespmem:s17+$0x0];
	v44 =	vshll.u32 v44, v1;
	[tilespmem:v63+s28+$0x0] =	vst.idx.msk $0xffff, v62;
	v59 =	vadd.s32 v17, v42  }
0x143: {  	v60 =	vld [tilespmem:s17+$0x10];
	v61 =	vadd.s32 v18, v42;
	v44 =	vbroadcast v44, $0x0;
	[tilespmem:v50+s28+$0x0] =	vst.idx.msk $0xffff, v49  }
0x144: {  	s18 =	sadd.s32 $0x6, s14;
	v62 =	vld [tilespmem:s17+$0x20];
	v63 =	vadd.s32 v19, v42;
	[tilespmem:v52+s28+$0x0] =	vst.idx.msk $0xffff, v51  }
0x145: {  	v48 =	vmov s18;
	v49 =	vld [tilespmem:s17+$0x40];
	v50 =	vadd.s32 v21, v44;
	[tilespmem:v54+s28+$0x0] =	vst.idx.msk $0xffff, v53  }
0x146: {  	v46 =	vld [tilespmem:s17+$0x30];
	v47 =	vadd.s32 v20, v42;
	v42 =	vshrl.u32 v48, $0x3;
	[tilespmem:v56+s28+$0x0] =	vst.idx.msk $0xffff, v55  }
0x147: {  	v42 =	vshll.u32 v42, v1;
	v51 =	vld [tilespmem:s17+$0x50];
	v52 =	vadd.s32 v22, v44;
	[tilespmem:v59+s28+$0x0] =	vst.idx.msk $0xffff, v58  }
0x148: {  	v42 =	vbroadcast v42, $0x0;
	v53 =	vld [tilespmem:s17+$0x60];
	v54 =	vadd.s32 v23, v44;
	[tilespmem:v61+s28+$0x0] =	vst.idx.msk $0xffff, v60  }
0x149: {  	v55 =	vld [tilespmem:s17+$0x70];
	v56 =	vadd.s32 v24, v44;
	[tilespmem:v63+s28+$0x0] =	vst.idx.msk $0xffff, v62  }
0x14a: {  	v57 =	vld [tilespmem:s17+$0x80];
	v58 =	vadd.s32 v25, v42;
	[tilespmem:v50+s28+$0x0] =	vst.idx.msk $0xffff, v49  }
0x14b: {  	v59 =	vld [tilespmem:s17+$0x90];
	v60 =	vadd.s32 v26, v42;
	[tilespmem:v47+s28+$0x0] =	vst.idx.msk $0xffff, v46  }
0x14c: {  	v61 =	vld [tilespmem:s17+$0xA0];
	v62 =	vadd.s32 v27, v42;
	[tilespmem:v52+s28+$0x0] =	vst.idx.msk $0xffff, v51  }
0x14d: {  	v63 =	vld [tilespmem:s17+$0xB0];
	v42 =	vadd.s32 v28, v42;
	[tilespmem:v54+s28+$0x0] =	vst.idx.msk $0xffff, v53  }
0x14e: {  	[tilespmem:v56+s28+$0x0] =	vst.idx.msk $0xffff, v55  }
0x14f: {  	p0 =	seq.s32 s22, $0x31;
	[tilespmem:v58+s28+$0x0] =	vst.idx.msk $0xffff, v57  }
0x150: {  	s14 =	sshll.u32 @!p0 s22, $0x9;
	[tilespmem:v60+s28+$0x0] =	vst.idx.msk $0xffff, v59  }
0x151: {  	s24 =	sand.u32 @!p0 $0x3FFFFE00, s14;
	[tilespmem:v62+s28+$0x0] =	vst.idx.msk $0xffff, v61  }
0x152: {  	s14 =	sadd.s32 @!p0 $0x200, s24;
	s18 =	simm.s32 @!p0 $0x6400;
	s17 =	simm.s32 @!p0 $0x80;
	[tilespmem:v42+s28+$0x0] =	vst.idx.msk $0xffff, v63  }
0x153: {  	[tilespmem:s18], [sflag:$0x1] =	stream.indirect.gather @!p0 [hbm4b:s4+s17], $0x40, s14, s17, $0xb8;
	[tilespmem:$0x16C00] =	vst v63  }
0x154: {  	s21 =	simm.s32 $0xE400  }
0x155: {  	[hbm4b:s5+s3] =	stream.linear.scatter [tilespmem:s21], [sflag:$0x5], $0x80, $0x38;
	[tilespmem:$0x16C00] =	vst v63  }
0x156: {  	s7 =	simm.s32 $0xE488;
	s11 =	sadd.s32 $0x10, s5  }
0x157: {  	[hbm4b:s11+s3] =	stream.linear.scatter [tilespmem:s7], [sflag:$0x5], $0x80, $0x38;
	[tilespmem:$0x16C00] =	vst v63  }
0x158: {  	s18 =	simm.s32 $0xE510;
	s21 =	sadd.s32 $0x20, s5  }
0x159: {  	[hbm4b:s21+s3] =	stream.linear.scatter [tilespmem:s18], [sflag:$0x5], $0x80, $0x38;
	[tilespmem:$0x16C00] =	vst v63  }
0x15a: {  	s7 =	simm.s32 $0xE598;
	s11 =	sadd.s32 $0x30, s5  }
0x15b: {  	[hbm4b:s11+s3] =	stream.linear.scatter [tilespmem:s7], [sflag:$0x5], $0x80, $0x38;
	[tilespmem:$0x16C00] =	vst v63  }
0x15c: {  	s18 =	simm.s32 $0xE620;
	s21 =	sadd.s32 $0x40, s5  }
0x15d: {  	[hbm4b:s21+s3] =	stream.linear.scatter [tilespmem:s18], [sflag:$0x5], $0x80, $0x38;
	[tilespmem:$0x16C00] =	vst v63  }
0x15e: {  	s14 =	simm.s32 $0x440;
	s7 =	simm.s32 $0xE6A8;
	s11 =	sadd.s32 $0x50, s5  }
0x15f: {  	[hbm4b:s11+s3] =	stream.linear.scatter [tilespmem:s7], [sflag:$0x5], $0x80, $0x38;
	[tilespmem:$0x16C00] =	vst v63  }
0x160: {  	s17 =	simm.s32 $0x2200;
	s18 =	simm.s32 $0xE730;
	s21 =	sadd.s32 $0x60, s5  }
0x161: {  	[hbm4b:s21+s3] =	stream.linear.scatter [tilespmem:s18], [sflag:$0x5], $0x80, $0x38;
	[tilespmem:$0x16C00] =	vst v63  }
0x162: {  	s18 =	simm.s32 $0xE7B8;
	s21 =	sadd.s32 $0x70, s5;
	s5 =	sadd.s32 $0x4000, s5  }
.LBB2_13:
0x163: {  	[hbm4b:s21+s3] =	stream.linear.scatter [tilespmem:s18], [sflag:$0x5], $0x80, $0x38;
	[tilespmem:$0x16C00] =	vst v63  }
0x164: {  	s18 =	smov.u32 s14;
	s14 =	smov.u32 s17  }
0x165: {  	s7 =	sadd.s32 $0x1100, s17;
	s14 =	sshra.s32 s14, $0x2;
	s21 =	sadd.s32 $0xE400, s18  }
0x166: {  	[hbm4b:s5+s3] =	stream.linear.scatter [tilespmem:s21], [sflag:$0x5], $0x80, $0x38;
	[tilespmem:$0x16C00] =	vst v63  }
0x167: {  	p1 =	sne.s32 s17, $0x7700;
	s17 =	sadd.s32 $0xE488, s18;
	s21 =	sadd.s32 $0x10, s5  }
0x168: {  	[hbm4b:s21+s3] =	stream.linear.scatter [tilespmem:s17], [sflag:$0x5], $0x80, $0x38;
	[tilespmem:$0x16C00] =	vst v63  }
0x169: {  	s17 =	sadd.s32 $0xE510, s18;
	s21 =	sadd.s32 $0x20, s5  }
0x16a: {  	[hbm4b:s21+s3] =	stream.linear.scatter [tilespmem:s17], [sflag:$0x5], $0x80, $0x38;
	[tilespmem:$0x16C00] =	vst v63  }
0x16b: {  	s17 =	sadd.s32 $0xE598, s18;
	s21 =	sadd.s32 $0x30, s5  }
0x16c: {  	[hbm4b:s21+s3] =	stream.linear.scatter [tilespmem:s17], [sflag:$0x5], $0x80, $0x38;
	[tilespmem:$0x16C00] =	vst v63  }
0x16d: {  	s17 =	sadd.s32 $0xE620, s18;
	s21 =	sadd.s32 $0x40, s5  }
0x16e: {  	[hbm4b:s21+s3] =	stream.linear.scatter [tilespmem:s17], [sflag:$0x5], $0x80, $0x38;
	[tilespmem:$0x16C00] =	vst v63  }
.Ltmp5:
0x16f: {  	s17 =	sadd.s32 $0xE6A8, s18;
	s21 =	sadd.s32 $0x50, s5;
	(pc) =	sbr.rel @p1 .LBB2_13-.Ltmp5, $4  }
0x170: {  	[hbm4b:s21+s3] =	stream.linear.scatter [tilespmem:s17], [sflag:$0x5], $0x80, $0x38;
	[tilespmem:$0x16C00] =	vst v63  }
0x171: {  	s17 =	sadd.s32 $0xE730, s18;
	s21 =	sadd.s32 $0x60, s5;
	s18 =	sadd.s32 $0xE7B8, s18  }
0x172: {  	[hbm4b:s21+s3] =	stream.linear.scatter [tilespmem:s17], [sflag:$0x5], $0x80, $0x38;
	[tilespmem:$0x16C00] =	vst v63  }
0x173: {  	s21 =	sadd.s32 $0x70, s5;
	s5 =	sadd.s32 $0x4000, s5;
	s17 =	smov.u32 s7  }
0x174: {  	[hbm4b:s21+s3] =	stream.linear.scatter [tilespmem:s18], [sflag:$0x5], $0x80, $0x38;
	[tilespmem:$0x16C00] =	vst v63  }
0x175: {  	s7 =	sadd.s32 $0xE400, s14  }
0x176: {  	[hbm4b:s5+s3] =	stream.linear.scatter [tilespmem:s7], [sflag:$0x5], $0x80, $0x38;
	[tilespmem:$0x16C00] =	vst v63  }
0x177: {  	s18 =	sadd.s32 $0xE488, s14;
	s17 =	sadd.s32 $0x10, s5  }
0x178: {  	[hbm4b:s17+s3] =	stream.linear.scatter [tilespmem:s18], [sflag:$0x5], $0x80, $0x38;
	[tilespmem:$0x16C00] =	vst v63  }
0x179: {  	s21 =	sadd.s32 $0xE510, s14;
	s11 =	sadd.s32 $0x20, s5  }
0x17a: {  	[hbm4b:s11+s3] =	stream.linear.scatter [tilespmem:s21], [sflag:$0x5], $0x80, $0x38;
	[tilespmem:$0x16C00] =	vst v63  }
0x17b: {  	s17 =	sadd.s32 $0xE598, s14;
	s18 =	sadd.s32 $0x30, s5  }
0x17c: {  	[hbm4b:s18+s3] =	stream.linear.scatter [tilespmem:s17], [sflag:$0x5], $0x80, $0x38;
	[tilespmem:$0x16C00] =	vst v63  }
0x17d: {  	s21 =	sadd.s32 $0xE620, s14;
	s11 =	sadd.s32 $0x40, s5  }
0x17e: {  	[hbm4b:s11+s3] =	stream.linear.scatter [tilespmem:s21], [sflag:$0x5], $0x80, $0x38;
	[tilespmem:$0x16C00] =	vst v63  }
0x17f: {  	s17 =	sadd.s32 $0xE6A8, s14;
	s18 =	sadd.s32 $0x50, s5  }
0x180: {  	[hbm4b:s18+s3] =	stream.linear.scatter [tilespmem:s17], [sflag:$0x5], $0x80, $0x38;
	[tilespmem:$0x16C00] =	vst v63  }
0x181: {  	s21 =	sadd.s32 $0xE730, s14;
	s11 =	sadd.s32 $0x60, s5  }
0x182: {  	[hbm4b:s11+s3] =	stream.linear.scatter [tilespmem:s21], [sflag:$0x5], $0x80, $0x38;
	[tilespmem:$0x16C00] =	vst v63  }
0x183: {  	s17 =	sadd.s32 $0xE7B8, s14;
	s18 =	sadd.s32 $0x70, s5  }
0x184: {  	[hbm4b:s18+s3] =	stream.linear.scatter [tilespmem:s17], [sflag:$0x5], $0x80, $0x38;
	[tilespmem:$0x16C00] =	vst v63  }
0x185: {  	_ =	swait.ge [sflag:s29], $0x2000  }
0x186: {  	[sflag:s29] =	ssyncset.done $0x0  }
0x187: {  	[sflag:s29] =	ssyncadd.s32 $0xFFFFE000  }
0x188: {  	_ =	swait.ge [sflag:s30], $0x2000  }
0x189: {  	s21 =	simm.s32 $0x7;
	[sflag:s30] =	ssyncset.done $0x0  }
0x18a: {  	s7 =	simm.s32 $0x0;
	s14 =	simm.s32 $0x8500;
	v33 =	vmov s21;
	[sflag:s30] =	ssyncadd.s32 $0xFFFFE000  }
0x18b: {  	v34 =	vmov s7;
	s11 =	simm.s32 $0x1;
	v33 =	vshrl.u32 v33, $0x3;
	v35 =	vld [tilespmem:s14+$0xC0]  }
0x18c: {  	v34 =	vshrl.u32 v34, $0x3;
	v41 =	vmov s11;
	v33 =	vshll.u32 v33, v1;
	v37 =	vld [tilespmem:s14+$0xD0]  }
0x18d: {  	v34 =	vshll.u32 v34, v1;
	v41 =	vshrl.u32 v41, $0x3;
	v33 =	vbroadcast v33, $0x0;
	v39 =	vld [tilespmem:s14+$0xE0]  }
0x18e: {  	v34 =	vbroadcast v34, $0x0;
	v41 =	vshll.u32 v41, v1;
	v42 =	vld [tilespmem:s14+$0xF0]  }
0x18f: {  	v41 =	vbroadcast v41, $0x0;
	v36 =	vadd.s32 v29, v33;
	v43 =	vld [tilespmem:s14+$0xFFFFFF00]  }
0x190: {  	v44 =	vadd.s32 v0, v34;
	v45 =	vld [tilespmem:s14+$0xFFFFFF10]  }
0x191: {  	v55 =	vadd.s32 v5, v41;
	v54 =	vld [tilespmem:s14+$0xFFFFFF40]  }
0x192: {  	v38 =	vadd.s32 v30, v33;
	v50 =	vld [tilespmem:s14+$0xFFFFFF20]  }
0x193: {  	v46 =	vadd.s32 v2, v34;
	v52 =	vld [tilespmem:s14+$0xFFFFFF30]  }
0x194: {  	v57 =	vadd.s32 v6, v41;
	v56 =	vld [tilespmem:s14+$0xFFFFFF50];
	[tilespmem:v36+s31+$0x0] =	vst.idx.msk $0xffff, v35  }
0x195: {  	s18 =	simm.s32 $0x3;
	v40 =	vadd.s32 v31, v33;
	v58 =	vld [tilespmem:s14+$0xFFFFFF60];
	[tilespmem:v44+s31+$0x0] =	vst.idx.msk $0xffff, v43  }
0x196: {  	v51 =	vadd.s32 v3, v34;
	v62 =	vmov s18;
	v60 =	vld [tilespmem:s14+$0xFFFFFF70];
	[tilespmem:v55+s31+$0x0] =	vst.idx.msk $0xffff, v54  }
0x197: {  	v59 =	vadd.s32 v7, v41;
	v61 =	vadd.s32 v8, v41;
	v41 =	vshrl.u32 v62, $0x3;
	[tilespmem:v38+s31+$0x0] =	vst.idx.msk $0xffff, v37  }
0x198: {  	s17 =	simm.s32 $0x2;
	v41 =	vshll.u32 v41, v1;
	[tilespmem:v46+s31+$0x0] =	vst.idx.msk $0xffff, v45  }
0x199: {  	v53 =	vmov s17;
	v33 =	vadd.s32 v32, v33;
	v41 =	vbroadcast v41, $0x0;
	[tilespmem:v57+s31+$0x0] =	vst.idx.msk $0xffff, v56  }
0x19a: {  	v34 =	vadd.s32 v4, v34;
	v63 =	vld [tilespmem:s14+$0xFFFFFF80];
	v38 =	vshrl.u32 v53, $0x3;
	[tilespmem:v40+s31+$0x0] =	vst.idx.msk $0xffff, v39  }
0x19b: {  	v55 =	vld [tilespmem:s14+$0xFFFFFFC0];
	v56 =	vadd.s32 v13, v41;
	v38 =	vshll.u32 v38, v1;
	[tilespmem:v51+s31+$0x0] =	vst.idx.msk $0xffff, v50  }
0x19c: {  	v57 =	vld [tilespmem:s14+$0xFFFFFFD0];
	[tilespmem:v59+s31+$0x0] =	vst.idx.msk $0xffff, v58;
	v58 =	vadd.s32 v14, v41;
	v38 =	vbroadcast v38, $0x0  }
0x19d: {  	v59 =	vld [tilespmem:s14+$0xFFFFFFE0];
	[tilespmem:v61+s31+$0x0] =	vst.idx.msk $0xffff, v60;
	v60 =	vadd.s32 v15, v41  }
0x19e: {  	s7 =	simm.s32 $0x5;
	v49 =	vld [tilespmem:s14+$0xFFFFFF90];
	[tilespmem:v33+s31+$0x0] =	vst.idx.msk $0xffff, v42;
	v48 =	vadd.s32 v9, v38  }
0x19f: {  	s21 =	simm.s32 $0x4;
	v62 =	vmov s7;
	v51 =	vld [tilespmem:s14+$0xFFFFFFA0];
	[tilespmem:v34+s31+$0x0] =	vst.idx.msk $0xffff, v52;
	v50 =	vadd.s32 v10, v38  }
0x1a0: {  	v54 =	vmov s21;
	v61 =	vld [tilespmem:s14+$0xFFFFFFF0];
	v42 =	vshrl.u32 v62, $0x3;
	v52 =	vadd.s32 v11, v38;
	[tilespmem:v56+s31+$0x0] =	vst.idx.msk $0xffff, v55  }
0x1a1: {  	v53 =	vld [tilespmem:s14+$0xFFFFFFB0];
	v44 =	vshrl.u32 v54, $0x3;
	v42 =	vshll.u32 v42, v1;
	v38 =	vadd.s32 v12, v38;
	[tilespmem:v58+s31+$0x0] =	vst.idx.msk $0xffff, v57  }
0x1a2: {  	v37 =	vld [tilespmem:s14+$0x60];
	v44 =	vshll.u32 v44, v1;
	v41 =	vadd.s32 v16, v41;
	v47 =	vbroadcast v42, $0x0;
	[tilespmem:v60+s31+$0x0] =	vst.idx.msk $0xffff, v59  }
0x1a3: {  	v44 =	vbroadcast v44, $0x0;
	v34 =	vld [tilespmem:s14+$0x50];
	[tilespmem:v48+s31+$0x0] =	vst.idx.msk $0xffff, v63  }
0x1a4: {  	v60 =	vld [tilespmem:s14+$0x40];
	v48 =	vadd.s32 v21, v47;
	[tilespmem:v50+s31+$0x0] =	vst.idx.msk $0xffff, v49  }
0x1a5: {  	s11 =	simm.s32 $0x6;
	v63 =	vld [tilespmem:s14+$0x0];
	[tilespmem:v52+s31+$0x0] =	vst.idx.msk $0xffff, v51;
	v52 =	vadd.s32 v17, v44  }
0x1a6: {  	v54 =	vadd.s32 v18, v44;
	v59 =	vmov s11;
	[tilespmem:v38+s31+$0x0] =	vst.idx.msk $0xffff, v53;
	v53 =	vld [tilespmem:s14+$0x10]  }
0x1a7: {  	v55 =	vld [tilespmem:s14+$0x20];
	v56 =	vadd.s32 v19, v44;
	[tilespmem:v41+s31+$0x0] =	vst.idx.msk $0xffff, v61;
	v61 =	vshrl.u32 v59, $0x3  }
0x1a8: {  	v57 =	vld [tilespmem:s14+$0x30];
	v58 =	vadd.s32 v20, v44;
	v33 =	vshll.u32 v61, v1  }
0x1a9: {  	v43 =	vadd.s32 v22, v47;
	v35 =	vbroadcast v33, $0x0;
	v33 =	vld [tilespmem:s14+$0x70];
	[tilespmem:v48+s31+$0x0] =	vst.idx.msk $0xffff, v60  }
0x1aa: {  	s17 =	simm.s32 $0xF;
	v42 =	vadd.s32 v23, v47;
	[tilespmem:v52+s31+$0x0] =	vst.idx.msk $0xffff, v63  }
0x1ab: {  	s18 =	sor.u32 s8, s23;
	v62 =	vmov s17;
	v38 =	vadd.s32 v24, v47;
	[tilespmem:v54+s31+$0x0] =	vst.idx.msk $0xffff, v53  }
0x1ac: {  	s21 =	sshrl.u32 s18, $0x3;
	v36 =	vld [tilespmem:s14+$0x80];
	v39 =	vadd.s32 v25, v35;
	v63 =	vshrl.u32 v62, $0x3;
	[tilespmem:v56+s31+$0x0] =	vst.idx.msk $0xffff, v55  }
0x1ad: {  	s18 =	simm.s32 $0x10;
	s5 =	sadd.s32 s2, s21;
	v40 =	vld [tilespmem:s14+$0x90];
	s17 =	simm.s32 $0x8;
	v41 =	vadd.s32 v26, v35;
	v44 =	vshll.u32 v63, v1;
	[tilespmem:v58+s31+$0x0] =	vst.idx.msk $0xffff, v57  }
.LBB2_15:
0x1ae: {  	p1 =	slt.u32 s18, $0x78;
	v44 =	vbroadcast v44, $0x0;
	[tilespmem:v43+s31+$0x0] =	vst.idx.msk $0xffff, v34;
	v34 =	vld [tilespmem:s14+$0xA0];
	v43 =	vadd.s32 v27, v35  }
0x1af: {  	v45 =	vmov s17;
	v35 =	vadd.s32 v28, v35;
	[tilespmem:v42+s31+$0x0] =	vst.idx.msk $0xffff, v37;
	v37 =	vld [tilespmem:s14+$0xB0];
	s14 =	sadd.s32 $0x200, s14  }
0x1b0: {  	v42 =	vshrl.u32 v45, $0x3;
	v45 =	vld [tilespmem:s14+$0xC0];
	v46 =	vadd.s32 v29, v44;
	[tilespmem:v38+s31+$0x0] =	vst.idx.msk $0xffff, v33  }
0x1b1: {  	v33 =	vshll.u32 v42, v1;
	v42 =	vadd.s32 v30, v44;
	v38 =	vld [tilespmem:s14+$0xD0];
	[tilespmem:v39+s31+$0x0] =	vst.idx.msk $0xffff, v36  }
0x1b2: {  	s7 =	sadd.s32 $0x1, s17;
	v33 =	vbroadcast v33, $0x0;
	v39 =	vadd.s32 v31, v44;
	v36 =	vld [tilespmem:s14+$0xE0];
	[tilespmem:v41+s31+$0x0] =	vst.idx.msk $0xffff, v40  }
0x1b3: {  	v44 =	vadd.s32 v32, v44;
	v40 =	vmov s7;
	v41 =	vld [tilespmem:s14+$0xF0];
	[tilespmem:v43+s31+$0x0] =	vst.idx.msk $0xffff, v34  }
0x1b4: {  	v43 =	vadd.s32 v0, v33;
	v40 =	vshrl.u32 v40, $0x3;
	v34 =	vld [tilespmem:s14+$0xFFFFFF00];
	[tilespmem:v35+s31+$0x0] =	vst.idx.msk $0xffff, v37  }
0x1b5: {  	v37 =	vadd.s32 v2, v33;
	v40 =	vshll.u32 v40, v1;
	v35 =	vld [tilespmem:s14+$0xFFFFFF10];
	[tilespmem:v46+s31+$0x0] =	vst.idx.msk $0xffff, v45  }
0x1b6: {  	s7 =	sadd.s32 $0x2, s17;
	v46 =	vadd.s32 v3, v33;
	v40 =	vbroadcast v40, $0x0;
	v45 =	vld [tilespmem:s14+$0xFFFFFF20];
	[tilespmem:v42+s31+$0x0] =	vst.idx.msk $0xffff, v38  }
0x1b7: {  	v33 =	vadd.s32 v4, v33;
	v42 =	vmov s7;
	v38 =	vld [tilespmem:s14+$0xFFFFFF30];
	[tilespmem:v39+s31+$0x0] =	vst.idx.msk $0xffff, v36  }
0x1b8: {  	v39 =	vadd.s32 v5, v40;
	v42 =	vshrl.u32 v42, $0x3;
	v36 =	vld [tilespmem:s14+$0xFFFFFF40];
	[tilespmem:v44+s31+$0x0] =	vst.idx.msk $0xffff, v41  }
0x1b9: {  	v41 =	vadd.s32 v6, v40;
	v42 =	vshll.u32 v42, v1;
	[tilespmem:v43+s31+$0x0] =	vst.idx.msk $0xffff, v34;
	v34 =	vld [tilespmem:s14+$0xFFFFFF50]  }
0x1ba: {  	s7 =	sadd.s32 $0x3, s17;
	v42 =	vbroadcast v42, $0x0;
	[tilespmem:v37+s31+$0x0] =	vst.idx.msk $0xffff, v35;
	v35 =	vld [tilespmem:s14+$0xFFFFFF60];
	v37 =	vadd.s32 v7, v40  }
0x1bb: {  	v44 =	vmov s7;
	v40 =	vadd.s32 v8, v40;
	[tilespmem:v46+s31+$0x0] =	vst.idx.msk $0xffff, v45;
	v43 =	vld [tilespmem:s14+$0xFFFFFF70]  }
0x1bc: {  	v44 =	vshrl.u32 v44, $0x3;
	[tilespmem:v33+s31+$0x0] =	vst.idx.msk $0xffff, v38;
	v33 =	vld [tilespmem:s14+$0xFFFFFF80];
	v38 =	vadd.s32 v9, v42  }
0x1bd: {  	v44 =	vshll.u32 v44, v1;
	[tilespmem:v39+s31+$0x0] =	vst.idx.msk $0xffff, v36;
	v36 =	vld [tilespmem:s14+$0xFFFFFF90];
	v39 =	vadd.s32 v10, v42  }
0x1be: {  	s7 =	sadd.s32 $0x4, s17;
	v44 =	vbroadcast v44, $0x0;
	[tilespmem:v41+s31+$0x0] =	vst.idx.msk $0xffff, v34;
	v34 =	vld [tilespmem:s14+$0xFFFFFFA0];
	v41 =	vadd.s32 v11, v42  }
0x1bf: {  	[tilespmem:v37+s31+$0x0] =	vst.idx.msk $0xffff, v35;
	v35 =	vld [tilespmem:s14+$0xFFFFFFB0];
	v37 =	vadd.s32 v12, v42;
	v42 =	vmov s7  }
0x1c0: {  	[tilespmem:v40+s31+$0x0] =	vst.idx.msk $0xffff, v43;
	v40 =	vld [tilespmem:s14+$0xFFFFFFC0];
	v43 =	vadd.s32 v13, v44;
	v42 =	vshrl.u32 v42, $0x3  }
0x1c1: {  	[tilespmem:v38+s31+$0x0] =	vst.idx.msk $0xffff, v33;
	v33 =	vld [tilespmem:s14+$0xFFFFFFD0];
	v38 =	vadd.s32 v14, v44;
	v42 =	vshll.u32 v42, v1  }
0x1c2: {  	s7 =	sadd.s32 $0x5, s17;
	[tilespmem:v39+s31+$0x0] =	vst.idx.msk $0xffff, v36;
	v36 =	vld [tilespmem:s14+$0xFFFFFFE0];
	v39 =	vadd.s32 v15, v44;
	v42 =	vbroadcast v42, $0x0  }
0x1c3: {  	[tilespmem:v41+s31+$0x0] =	vst.idx.msk $0xffff, v34;
	v34 =	vld [tilespmem:s14+$0xFFFFFFF0];
	v41 =	vadd.s32 v16, v44;
	v44 =	vmov s7  }
0x1c4: {  	[tilespmem:v37+s31+$0x0] =	vst.idx.msk $0xffff, v35;
	v35 =	vld [tilespmem:s14+$0x0];
	v37 =	vadd.s32 v17, v42;
	v44 =	vshrl.u32 v44, $0x3  }
0x1c5: {  	v45 =	vadd.s32 v18, v42;
	[tilespmem:v43+s31+$0x0] =	vst.idx.msk $0xffff, v40;
	v40 =	vld [tilespmem:s14+$0x10];
	v43 =	vshll.u32 v44, v1  }
0x1c6: {  	s7 =	sadd.s32 $0x6, s17;
	s17 =	smov.u32 s18;
	[tilespmem:v38+s31+$0x0] =	vst.idx.msk $0xffff, v33;
	v33 =	vld [tilespmem:s14+$0x20];
	v38 =	vadd.s32 v19, v42;
	v44 =	vbroadcast v43, $0x0  }
0x1c7: {  	[tilespmem:v39+s31+$0x0] =	vst.idx.msk $0xffff, v36;
	v36 =	vld [tilespmem:s14+$0x30];
	v39 =	vadd.s32 v20, v42;
	v42 =	vmov s7  }
0x1c8: {  	[tilespmem:v41+s31+$0x0] =	vst.idx.msk $0xffff, v34;
	v41 =	vld [tilespmem:s14+$0x40];
	v46 =	vadd.s32 v21, v44;
	v42 =	vshrl.u32 v42, $0x3  }
.Ltmp6:
0x1c9: {  	v43 =	vadd.s32 v22, v44;
	[tilespmem:v37+s31+$0x0] =	vst.idx.msk $0xffff, v35;
	v34 =	vld [tilespmem:s14+$0x50];
	v35 =	vshll.u32 v42, v1;
	(pc) =	sbr.rel @p1 .LBB2_15-.Ltmp6, $4  }
0x1ca: {  	s7 =	sadd.s32 $0x7, s18;
	v42 =	vadd.s32 v23, v44;
	[tilespmem:v45+s31+$0x0] =	vst.idx.msk $0xffff, v40;
	v37 =	vld [tilespmem:s14+$0x60];
	v35 =	vbroadcast v35, $0x0  }
0x1cb: {  	v40 =	vmov s7;
	[tilespmem:v38+s31+$0x0] =	vst.idx.msk $0xffff, v33;
	v33 =	vld [tilespmem:s14+$0x70];
	v38 =	vadd.s32 v24, v44  }
0x1cc: {  	v40 =	vshrl.u32 v40, $0x3;
	[tilespmem:v39+s31+$0x0] =	vst.idx.msk $0xffff, v36;
	v36 =	vld [tilespmem:s14+$0x80];
	v39 =	vadd.s32 v25, v35  }
0x1cd: {  	s18 =	sadd.s32 $0x8, s18;
	v44 =	vshll.u32 v40, v1;
	[tilespmem:v46+s31+$0x0] =	vst.idx.msk $0xffff, v41;
	v40 =	vld [tilespmem:s14+$0x90];
	v41 =	vadd.s32 v26, v35  }
0x1ce: {  	_ =	sdelay $0x3  }
0x1cf: {  	v44 =	vbroadcast v44, $0x0;
	[tilespmem:v43+s31+$0x0] =	vst.idx.msk $0xffff, v34;
	v60 =	vld [tilespmem:s14+$0xA0];
	v61 =	vadd.s32 v27, v35  }
0x1d0: {  	v45 =	vmov s17;
	v62 =	vld [tilespmem:s14+$0xB0];
	v63 =	vadd.s32 v28, v35;
	s14 =	sadd.s32 $0x200, s14;
	[tilespmem:v42+s31+$0x0] =	vst.idx.msk $0xffff, v37  }
0x1d1: {  	v48 =	vshrl.u32 v45, $0x3;
	v49 =	vld [tilespmem:s14+$0xC0];
	v46 =	vadd.s32 v29, v44;
	[tilespmem:v38+s31+$0x0] =	vst.idx.msk $0xffff, v33  }
0x1d2: {  	v51 =	vld [tilespmem:s14+$0xD0];
	v50 =	vshll.u32 v48, v1;
	v52 =	vadd.s32 v30, v44;
	[tilespmem:v39+s31+$0x0] =	vst.idx.msk $0xffff, v36  }
0x1d3: {  	s7 =	sadd.s32 $0x1, s17;
	v53 =	vld [tilespmem:s14+$0xE0];
	v54 =	vadd.s32 v31, v44;
	v33 =	vbroadcast v50, $0x0;
	[tilespmem:v41+s31+$0x0] =	vst.idx.msk $0xffff, v40  }
0x1d4: {  	v55 =	vmov s7;
	v56 =	vld [tilespmem:s14+$0xF0];
	v44 =	vadd.s32 v32, v44;
	[tilespmem:v61+s31+$0x0] =	vst.idx.msk $0xffff, v60  }
0x1d5: {  	v57 =	vld [tilespmem:s14+$0xFFFFFF00];
	v40 =	vshrl.u32 v55, $0x3;
	v58 =	vadd.s32 v0, v33;
	[tilespmem:v63+s31+$0x0] =	vst.idx.msk $0xffff, v62  }
0x1d6: {  	s21 =	sadd.s32 $0x2, s17;
	v59 =	vld [tilespmem:s14+$0xFFFFFF10];
	v60 =	vadd.s32 v2, v33;
	v40 =	vshll.u32 v40, v1;
	[tilespmem:v46+s31+$0x0] =	vst.idx.msk $0xffff, v49  }
0x1d7: {  	v47 =	vmov s21;
	v61 =	vld [tilespmem:s14+$0xFFFFFF20];
	v62 =	vadd.s32 v3, v33;
	v40 =	vbroadcast v40, $0x0;
	[tilespmem:v52+s31+$0x0] =	vst.idx.msk $0xffff, v51  }
0x1d8: {  	v42 =	vshrl.u32 v47, $0x3;
	v63 =	vld [tilespmem:s14+$0xFFFFFF30];
	v33 =	vadd.s32 v4, v33;
	[tilespmem:v54+s31+$0x0] =	vst.idx.msk $0xffff, v53  }
0x1d9: {  	v48 =	vld [tilespmem:s14+$0xFFFFFF40];
	v42 =	vshll.u32 v42, v1;
	v49 =	vadd.s32 v5, v40;
	[tilespmem:v44+s31+$0x0] =	vst.idx.msk $0xffff, v56  }
0x1da: {  	v50 =	vld [tilespmem:s14+$0xFFFFFF50];
	v42 =	vbroadcast v42, $0x0;
	v51 =	vadd.s32 v6, v40;
	[tilespmem:v58+s31+$0x0] =	vst.idx.msk $0xffff, v57  }
0x1db: {  	s11 =	sadd.s32 $0x3, s17;
	v52 =	vld [tilespmem:s14+$0xFFFFFF60];
	v53 =	vadd.s32 v7, v40;
	[tilespmem:v60+s31+$0x0] =	vst.idx.msk $0xffff, v59  }
0x1dc: {  	v55 =	vmov s11;
	v56 =	vld [tilespmem:s14+$0xFFFFFF80];
	v57 =	vadd.s32 v9, v42;
	[tilespmem:v62+s31+$0x0] =	vst.idx.msk $0xffff, v61  }
0x1dd: {  	v54 =	vld [tilespmem:s14+$0xFFFFFF70];
	v40 =	vadd.s32 v8, v40;
	v44 =	vshrl.u32 v55, $0x3;
	[tilespmem:v33+s31+$0x0] =	vst.idx.msk $0xffff, v63  }
0x1de: {  	v58 =	vld [tilespmem:s14+$0xFFFFFF90];
	v59 =	vadd.s32 v10, v42;
	v44 =	vshll.u32 v44, v1;
	[tilespmem:v49+s31+$0x0] =	vst.idx.msk $0xffff, v48  }
0x1df: {  	s18 =	sadd.s32 $0x4, s17;
	v60 =	vld [tilespmem:s14+$0xFFFFFFA0];
	v61 =	vadd.s32 v11, v42;
	v44 =	vbroadcast v44, $0x0;
	[tilespmem:v51+s31+$0x0] =	vst.idx.msk $0xffff, v50  }
0x1e0: {  	v62 =	vld [tilespmem:s14+$0xFFFFFFB0];
	v63 =	vadd.s32 v12, v42;
	v48 =	vmov s18;
	[tilespmem:v53+s31+$0x0] =	vst.idx.msk $0xffff, v52  }
0x1e1: {  	v49 =	vld [tilespmem:s14+$0xFFFFFFC0];
	v50 =	vadd.s32 v13, v44;
	v42 =	vshrl.u32 v48, $0x3;
	[tilespmem:v57+s31+$0x0] =	vst.idx.msk $0xffff, v56  }
0x1e2: {  	s21 =	sadd.s32 $0x5, s17;
	v51 =	vld [tilespmem:s14+$0xFFFFFFD0];
	v52 =	vadd.s32 v14, v44;
	v42 =	vshll.u32 v42, v1;
	[tilespmem:v40+s31+$0x0] =	vst.idx.msk $0xffff, v54  }
0x1e3: {  	v53 =	vld [tilespmem:s14+$0xFFFFFFE0];
	v57 =	vmov s21;
	[tilespmem:v59+s31+$0x0] =	vst.idx.msk $0xffff, v58;
	v54 =	vadd.s32 v15, v44;
	v42 =	vbroadcast v42, $0x0  }
0x1e4: {  	v55 =	vld [tilespmem:s14+$0xFFFFFFF0];
	v56 =	vadd.s32 v16, v44;
	v44 =	vshrl.u32 v57, $0x3;
	[tilespmem:v61+s31+$0x0] =	vst.idx.msk $0xffff, v60  }
0x1e5: {  	v58 =	vld [tilespmem:s14+$0x0];
	v44 =	vshll.u32 v44, v1;
	[tilespmem:v63+s31+$0x0] =	vst.idx.msk $0xffff, v62;
	v59 =	vadd.s32 v17, v42  }
0x1e6: {  	v60 =	vld [tilespmem:s14+$0x10];
	v61 =	vadd.s32 v18, v42;
	v44 =	vbroadcast v44, $0x0;
	[tilespmem:v50+s31+$0x0] =	vst.idx.msk $0xffff, v49  }
0x1e7: {  	s11 =	sadd.s32 $0x6, s17;
	v62 =	vld [tilespmem:s14+$0x20];
	v63 =	vadd.s32 v19, v42;
	[tilespmem:v52+s31+$0x0] =	vst.idx.msk $0xffff, v51  }
0x1e8: {  	v48 =	vmov s11;
	v49 =	vld [tilespmem:s14+$0x40];
	v50 =	vadd.s32 v21, v44;
	[tilespmem:v54+s31+$0x0] =	vst.idx.msk $0xffff, v53  }
0x1e9: {  	v46 =	vld [tilespmem:s14+$0x30];
	v47 =	vadd.s32 v20, v42;
	v42 =	vshrl.u32 v48, $0x3;
	[tilespmem:v56+s31+$0x0] =	vst.idx.msk $0xffff, v55  }
0x1ea: {  	v42 =	vshll.u32 v42, v1;
	v51 =	vld [tilespmem:s14+$0x50];
	v52 =	vadd.s32 v22, v44;
	[tilespmem:v59+s31+$0x0] =	vst.idx.msk $0xffff, v58  }
0x1eb: {  	v42 =	vbroadcast v42, $0x0;
	v53 =	vld [tilespmem:s14+$0x60];
	v54 =	vadd.s32 v23, v44;
	[tilespmem:v61+s31+$0x0] =	vst.idx.msk $0xffff, v60  }
0x1ec: {  	v55 =	vld [tilespmem:s14+$0x70];
	v56 =	vadd.s32 v24, v44;
	[tilespmem:v63+s31+$0x0] =	vst.idx.msk $0xffff, v62  }
0x1ed: {  	v57 =	vld [tilespmem:s14+$0x80];
	v58 =	vadd.s32 v25, v42;
	[tilespmem:v50+s31+$0x0] =	vst.idx.msk $0xffff, v49  }
0x1ee: {  	v59 =	vld [tilespmem:s14+$0x90];
	v60 =	vadd.s32 v26, v42;
	[tilespmem:v47+s31+$0x0] =	vst.idx.msk $0xffff, v46  }
0x1ef: {  	v61 =	vld [tilespmem:s14+$0xA0];
	v62 =	vadd.s32 v27, v42;
	[tilespmem:v52+s31+$0x0] =	vst.idx.msk $0xffff, v51  }
0x1f0: {  	v63 =	vld [tilespmem:s14+$0xB0];
	v42 =	vadd.s32 v28, v42;
	[tilespmem:v54+s31+$0x0] =	vst.idx.msk $0xffff, v53  }
0x1f1: {  	[tilespmem:v56+s31+$0x0] =	vst.idx.msk $0xffff, v55  }
0x1f2: {  	[tilespmem:v58+s31+$0x0] =	vst.idx.msk $0xffff, v57  }
0x1f3: {  	[tilespmem:v60+s31+$0x0] =	vst.idx.msk $0xffff, v59  }
0x1f4: {  	[tilespmem:v62+s31+$0x0] =	vst.idx.msk $0xffff, v61  }
0x1f5: {  	s7 =	sadd.s32 @!p0 $0x280, s24;
	s17 =	simm.s32 @!p0 $0x8400;
	s14 =	simm.s32 @!p0 $0x80;
	[tilespmem:v42+s31+$0x0] =	vst.idx.msk $0xffff, v63  }
0x1f6: {  	[tilespmem:s17], [sflag:$0x2] =	stream.indirect.gather @!p0 [hbm4b:s4+s14], $0x40, s7, s14, $0xb8;
	[tilespmem:$0x16C00] =	vst v63  }
0x1f7: {  	s14 =	simm.s32 $0x10600  }
0x1f8: {  	[hbm4b:s5+s3] =	stream.linear.scatter [tilespmem:s14], [sflag:$0x6], $0x80, $0x38;
	[tilespmem:$0x16C00] =	vst v63  }
0x1f9: {  	s18 =	sadd.s32 $0x10, s5;
	s17 =	simm.s32 $0x10688  }
0x1fa: {  	[hbm4b:s18+s3] =	stream.linear.scatter [tilespmem:s17], [sflag:$0x6], $0x80, $0x38;
	[tilespmem:$0x16C00] =	vst v63  }
0x1fb: {  	s11 =	sadd.s32 $0x20, s5;
	s21 =	simm.s32 $0x10710  }
0x1fc: {  	[hbm4b:s11+s3] =	stream.linear.scatter [tilespmem:s21], [sflag:$0x6], $0x80, $0x38;
	[tilespmem:$0x16C00] =	vst v63  }
0x1fd: {  	s17 =	simm.s32 $0x10798;
	s18 =	sadd.s32 $0x30, s5  }
0x1fe: {  	[hbm4b:s18+s3] =	stream.linear.scatter [tilespmem:s17], [sflag:$0x6], $0x80, $0x38;
	[tilespmem:$0x16C00] =	vst v63  }
0x1ff: {  	s21 =	simm.s32 $0x10820;
	s11 =	sadd.s32 $0x40, s5  }
0x200: {  	[hbm4b:s11+s3] =	stream.linear.scatter [tilespmem:s21], [sflag:$0x6], $0x80, $0x38;
	[tilespmem:$0x16C00] =	vst v63  }
0x201: {  	s14 =	simm.s32 $0x108A8;
	s17 =	sadd.s32 $0x50, s5;
	s18 =	simm.s32 $0x10930  }
0x202: {  	[hbm4b:s17+s3] =	stream.linear.scatter [tilespmem:s14], [sflag:$0x6], $0x80, $0x38;
	[tilespmem:$0x16C00] =	vst v63  }
0x203: {  	s21 =	sadd.s32 $0x60, s5;
	s14 =	simm.s32 $0x440;
	s17 =	simm.s32 $0x2200  }
0x204: {  	[hbm4b:s21+s3] =	stream.linear.scatter [tilespmem:s18], [sflag:$0x6], $0x80, $0x38;
	[tilespmem:$0x16C00] =	vst v63  }
0x205: {  	s18 =	simm.s32 $0x109B8;
	s21 =	sadd.s32 $0x70, s5;
	s5 =	sadd.s32 $0x4000, s5  }
.LBB2_17:
0x206: {  	[hbm4b:s21+s3] =	stream.linear.scatter [tilespmem:s18], [sflag:$0x6], $0x80, $0x38;
	[tilespmem:$0x16C00] =	vst v63  }
0x207: {  	s7 =	smov.u32 s14;
	s14 =	smov.u32 s17  }
0x208: {  	s11 =	sadd.s32 $0x1100, s17;
	s14 =	sshra.s32 s14, $0x2;
	s18 =	sadd.s32 $0x10600, s7  }
0x209: {  	[hbm4b:s5+s3] =	stream.linear.scatter [tilespmem:s18], [sflag:$0x6], $0x80, $0x38;
	[tilespmem:$0x16C00] =	vst v63  }
0x20a: {  	p1 =	sne.s32 s17, $0x7700;
	s17 =	sadd.s32 $0x10688, s7;
	s18 =	sadd.s32 $0x10, s5  }
0x20b: {  	[hbm4b:s18+s3] =	stream.linear.scatter [tilespmem:s17], [sflag:$0x6], $0x80, $0x38;
	[tilespmem:$0x16C00] =	vst v63  }
0x20c: {  	s17 =	sadd.s32 $0x10710, s7;
	s18 =	sadd.s32 $0x20, s5  }
0x20d: {  	[hbm4b:s18+s3] =	stream.linear.scatter [tilespmem:s17], [sflag:$0x6], $0x80, $0x38;
	[tilespmem:$0x16C00] =	vst v63  }
0x20e: {  	s17 =	sadd.s32 $0x10798, s7;
	s18 =	sadd.s32 $0x30, s5  }
0x20f: {  	[hbm4b:s18+s3] =	stream.linear.scatter [tilespmem:s17], [sflag:$0x6], $0x80, $0x38;
	[tilespmem:$0x16C00] =	vst v63  }
0x210: {  	s17 =	sadd.s32 $0x10820, s7;
	s18 =	sadd.s32 $0x40, s5  }
0x211: {  	[hbm4b:s18+s3] =	stream.linear.scatter [tilespmem:s17], [sflag:$0x6], $0x80, $0x38;
	[tilespmem:$0x16C00] =	vst v63  }
.Ltmp7:
0x212: {  	s17 =	sadd.s32 $0x108A8, s7;
	s18 =	sadd.s32 $0x50, s5;
	(pc) =	sbr.rel @p1 .LBB2_17-.Ltmp7, $4  }
0x213: {  	[hbm4b:s18+s3] =	stream.linear.scatter [tilespmem:s17], [sflag:$0x6], $0x80, $0x38;
	[tilespmem:$0x16C00] =	vst v63  }
0x214: {  	s21 =	sadd.s32 $0x70, s5;
	s17 =	sadd.s32 $0x10930, s7;
	s18 =	sadd.s32 $0x60, s5  }
0x215: {  	[hbm4b:s18+s3] =	stream.linear.scatter [tilespmem:s17], [sflag:$0x6], $0x80, $0x38;
	[tilespmem:$0x16C00] =	vst v63  }
0x216: {  	s5 =	sadd.s32 $0x4000, s5;
	s18 =	sadd.s32 $0x109B8, s7;
	s17 =	smov.u32 s11  }
0x217: {  	[hbm4b:s21+s3] =	stream.linear.scatter [tilespmem:s18], [sflag:$0x6], $0x80, $0x38;
	[tilespmem:$0x16C00] =	vst v63  }
0x218: {  	s7 =	sadd.s32 $0x10600, s14  }
0x219: {  	[hbm4b:s5+s3] =	stream.linear.scatter [tilespmem:s7], [sflag:$0x6], $0x80, $0x38;
	[tilespmem:$0x16C00] =	vst v63  }
0x21a: {  	s17 =	sadd.s32 $0x10688, s14;
	s11 =	sadd.s32 $0x10, s5  }
0x21b: {  	[hbm4b:s11+s3] =	stream.linear.scatter [tilespmem:s17], [sflag:$0x6], $0x80, $0x38;
	[tilespmem:$0x16C00] =	vst v63  }
0x21c: {  	s18 =	sadd.s32 $0x10710, s14;
	s21 =	sadd.s32 $0x20, s5  }
0x21d: {  	[hbm4b:s21+s3] =	stream.linear.scatter [tilespmem:s18], [sflag:$0x6], $0x80, $0x38;
	[tilespmem:$0x16C00] =	vst v63  }
0x21e: {  	s11 =	sadd.s32 $0x10798, s14;
	s17 =	sadd.s32 $0x30, s5  }
0x21f: {  	[hbm4b:s17+s3] =	stream.linear.scatter [tilespmem:s11], [sflag:$0x6], $0x80, $0x38;
	[tilespmem:$0x16C00] =	vst v63  }
0x220: {  	s18 =	sadd.s32 $0x10820, s14;
	s21 =	sadd.s32 $0x40, s5  }
0x221: {  	[hbm4b:s21+s3] =	stream.linear.scatter [tilespmem:s18], [sflag:$0x6], $0x80, $0x38;
	[tilespmem:$0x16C00] =	vst v63  }
0x222: {  	s11 =	sadd.s32 $0x108A8, s14;
	s17 =	sadd.s32 $0x50, s5  }
0x223: {  	[hbm4b:s17+s3] =	stream.linear.scatter [tilespmem:s11], [sflag:$0x6], $0x80, $0x38;
	[tilespmem:$0x16C00] =	vst v63  }
0x224: {  	s18 =	sadd.s32 $0x10930, s14;
	s21 =	sadd.s32 $0x60, s5  }
0x225: {  	[hbm4b:s21+s3] =	stream.linear.scatter [tilespmem:s18], [sflag:$0x6], $0x80, $0x38;
	[tilespmem:$0x16C00] =	vst v63  }
0x226: {  	s17 =	sadd.s32 $0x109B8, s14;
	s18 =	sadd.s32 $0x70, s5  }
0x227: {  	[hbm4b:s18+s3] =	stream.linear.scatter [tilespmem:s17], [sflag:$0x6], $0x80, $0x38;
	[tilespmem:$0x16C00] =	vst v63  }
0x228: {  	_ =	swait.ge [sflag:s1], $0x2000  }
0x229: {  	[sflag:s1] =	ssyncset.done $0x0  }
0x22a: {  	[sflag:s1] =	ssyncadd.s32 $0xFFFFE000  }
0x22b: {  	_ =	swait.ge [sflag:s0], $0x2000  }
0x22c: {  	s21 =	simm.s32 $0x7;
	[sflag:s0] =	ssyncset.done $0x0  }
0x22d: {  	s7 =	simm.s32 $0x0;
	s14 =	simm.s32 $0xA500;
	v33 =	vmov s21;
	[sflag:s0] =	ssyncadd.s32 $0xFFFFE000  }
0x22e: {  	v34 =	vmov s7;
	s11 =	simm.s32 $0x1;
	v33 =	vshrl.u32 v33, $0x3;
	v35 =	vld [tilespmem:s14+$0xC0]  }
0x22f: {  	v34 =	vshrl.u32 v34, $0x3;
	v41 =	vmov s11;
	v33 =	vshll.u32 v33, v1;
	v37 =	vld [tilespmem:s14+$0xD0]  }
0x230: {  	v34 =	vshll.u32 v34, v1;
	v41 =	vshrl.u32 v41, $0x3;
	v33 =	vbroadcast v33, $0x0;
	v39 =	vld [tilespmem:s14+$0xE0]  }
0x231: {  	v34 =	vbroadcast v34, $0x0;
	v41 =	vshll.u32 v41, v1;
	v42 =	vld [tilespmem:s14+$0xF0]  }
0x232: {  	v41 =	vbroadcast v41, $0x0;
	v36 =	vadd.s32 v29, v33;
	v43 =	vld [tilespmem:s14+$0xFFFFFF00]  }
0x233: {  	v44 =	vadd.s32 v0, v34;
	v45 =	vld [tilespmem:s14+$0xFFFFFF10]  }
0x234: {  	v55 =	vadd.s32 v5, v41;
	v54 =	vld [tilespmem:s14+$0xFFFFFF40]  }
0x235: {  	v38 =	vadd.s32 v30, v33;
	v50 =	vld [tilespmem:s14+$0xFFFFFF20]  }
0x236: {  	v46 =	vadd.s32 v2, v34;
	v52 =	vld [tilespmem:s14+$0xFFFFFF30]  }
0x237: {  	v57 =	vadd.s32 v6, v41;
	v56 =	vld [tilespmem:s14+$0xFFFFFF50];
	[tilespmem:v36+s15+$0x0] =	vst.idx.msk $0xffff, v35  }
0x238: {  	s18 =	simm.s32 $0x3;
	v40 =	vadd.s32 v31, v33;
	v58 =	vld [tilespmem:s14+$0xFFFFFF60];
	[tilespmem:v44+s15+$0x0] =	vst.idx.msk $0xffff, v43  }
0x239: {  	v51 =	vadd.s32 v3, v34;
	v62 =	vmov s18;
	v60 =	vld [tilespmem:s14+$0xFFFFFF70];
	[tilespmem:v55+s15+$0x0] =	vst.idx.msk $0xffff, v54  }
0x23a: {  	v59 =	vadd.s32 v7, v41;
	v61 =	vadd.s32 v8, v41;
	v41 =	vshrl.u32 v62, $0x3;
	[tilespmem:v38+s15+$0x0] =	vst.idx.msk $0xffff, v37  }
0x23b: {  	s17 =	simm.s32 $0x2;
	v41 =	vshll.u32 v41, v1;
	[tilespmem:v46+s15+$0x0] =	vst.idx.msk $0xffff, v45  }
0x23c: {  	v53 =	vmov s17;
	v33 =	vadd.s32 v32, v33;
	v41 =	vbroadcast v41, $0x0;
	[tilespmem:v57+s15+$0x0] =	vst.idx.msk $0xffff, v56  }
0x23d: {  	v34 =	vadd.s32 v4, v34;
	v63 =	vld [tilespmem:s14+$0xFFFFFF80];
	v38 =	vshrl.u32 v53, $0x3;
	[tilespmem:v40+s15+$0x0] =	vst.idx.msk $0xffff, v39  }
0x23e: {  	v55 =	vld [tilespmem:s14+$0xFFFFFFC0];
	v56 =	vadd.s32 v13, v41;
	v38 =	vshll.u32 v38, v1;
	[tilespmem:v51+s15+$0x0] =	vst.idx.msk $0xffff, v50  }
0x23f: {  	v57 =	vld [tilespmem:s14+$0xFFFFFFD0];
	[tilespmem:v59+s15+$0x0] =	vst.idx.msk $0xffff, v58;
	v58 =	vadd.s32 v14, v41;
	v38 =	vbroadcast v38, $0x0  }
0x240: {  	v59 =	vld [tilespmem:s14+$0xFFFFFFE0];
	[tilespmem:v61+s15+$0x0] =	vst.idx.msk $0xffff, v60;
	v60 =	vadd.s32 v15, v41  }
0x241: {  	s7 =	simm.s32 $0x5;
	v49 =	vld [tilespmem:s14+$0xFFFFFF90];
	[tilespmem:v33+s15+$0x0] =	vst.idx.msk $0xffff, v42;
	v48 =	vadd.s32 v9, v38  }
0x242: {  	s21 =	simm.s32 $0x4;
	v62 =	vmov s7;
	v51 =	vld [tilespmem:s14+$0xFFFFFFA0];
	[tilespmem:v34+s15+$0x0] =	vst.idx.msk $0xffff, v52;
	v50 =	vadd.s32 v10, v38  }
0x243: {  	v54 =	vmov s21;
	v61 =	vld [tilespmem:s14+$0xFFFFFFF0];
	v42 =	vshrl.u32 v62, $0x3;
	v52 =	vadd.s32 v11, v38;
	[tilespmem:v56+s15+$0x0] =	vst.idx.msk $0xffff, v55  }
0x244: {  	v53 =	vld [tilespmem:s14+$0xFFFFFFB0];
	v44 =	vshrl.u32 v54, $0x3;
	v42 =	vshll.u32 v42, v1;
	v38 =	vadd.s32 v12, v38;
	[tilespmem:v58+s15+$0x0] =	vst.idx.msk $0xffff, v57  }
0x245: {  	v37 =	vld [tilespmem:s14+$0x60];
	v44 =	vshll.u32 v44, v1;
	v41 =	vadd.s32 v16, v41;
	v47 =	vbroadcast v42, $0x0;
	[tilespmem:v60+s15+$0x0] =	vst.idx.msk $0xffff, v59  }
0x246: {  	v44 =	vbroadcast v44, $0x0;
	v34 =	vld [tilespmem:s14+$0x50];
	[tilespmem:v48+s15+$0x0] =	vst.idx.msk $0xffff, v63  }
0x247: {  	v60 =	vld [tilespmem:s14+$0x40];
	v48 =	vadd.s32 v21, v47;
	[tilespmem:v50+s15+$0x0] =	vst.idx.msk $0xffff, v49  }
0x248: {  	s11 =	simm.s32 $0x6;
	v63 =	vld [tilespmem:s14+$0x0];
	[tilespmem:v52+s15+$0x0] =	vst.idx.msk $0xffff, v51;
	v52 =	vadd.s32 v17, v44  }
0x249: {  	v54 =	vadd.s32 v18, v44;
	v59 =	vmov s11;
	[tilespmem:v38+s15+$0x0] =	vst.idx.msk $0xffff, v53;
	v53 =	vld [tilespmem:s14+$0x10]  }
0x24a: {  	v55 =	vld [tilespmem:s14+$0x20];
	v56 =	vadd.s32 v19, v44;
	[tilespmem:v41+s15+$0x0] =	vst.idx.msk $0xffff, v61;
	v61 =	vshrl.u32 v59, $0x3  }
0x24b: {  	v57 =	vld [tilespmem:s14+$0x30];
	v58 =	vadd.s32 v20, v44;
	v33 =	vshll.u32 v61, v1  }
0x24c: {  	v43 =	vadd.s32 v22, v47;
	v35 =	vbroadcast v33, $0x0;
	v33 =	vld [tilespmem:s14+$0x70];
	[tilespmem:v48+s15+$0x0] =	vst.idx.msk $0xffff, v60  }
0x24d: {  	s17 =	simm.s32 $0xF;
	v42 =	vadd.s32 v23, v47;
	[tilespmem:v52+s15+$0x0] =	vst.idx.msk $0xffff, v63  }
0x24e: {  	s18 =	sor.u32 s9, s23;
	v62 =	vmov s17;
	v38 =	vadd.s32 v24, v47;
	[tilespmem:v54+s15+$0x0] =	vst.idx.msk $0xffff, v53  }
0x24f: {  	s21 =	sshrl.u32 s18, $0x3;
	v36 =	vld [tilespmem:s14+$0x80];
	v39 =	vadd.s32 v25, v35;
	v63 =	vshrl.u32 v62, $0x3;
	[tilespmem:v56+s15+$0x0] =	vst.idx.msk $0xffff, v55  }
0x250: {  	s18 =	simm.s32 $0x10;
	s5 =	sadd.s32 s2, s21;
	v40 =	vld [tilespmem:s14+$0x90];
	s17 =	simm.s32 $0x8;
	v41 =	vadd.s32 v26, v35;
	v44 =	vshll.u32 v63, v1;
	[tilespmem:v58+s15+$0x0] =	vst.idx.msk $0xffff, v57  }
.LBB2_19:
0x251: {  	p1 =	slt.u32 s18, $0x78;
	v44 =	vbroadcast v44, $0x0;
	[tilespmem:v43+s15+$0x0] =	vst.idx.msk $0xffff, v34;
	v34 =	vld [tilespmem:s14+$0xA0];
	v43 =	vadd.s32 v27, v35  }
0x252: {  	v45 =	vmov s17;
	v35 =	vadd.s32 v28, v35;
	[tilespmem:v42+s15+$0x0] =	vst.idx.msk $0xffff, v37;
	v37 =	vld [tilespmem:s14+$0xB0];
	s14 =	sadd.s32 $0x200, s14  }
0x253: {  	v42 =	vshrl.u32 v45, $0x3;
	v45 =	vld [tilespmem:s14+$0xC0];
	v46 =	vadd.s32 v29, v44;
	[tilespmem:v38+s15+$0x0] =	vst.idx.msk $0xffff, v33  }
0x254: {  	v33 =	vshll.u32 v42, v1;
	v42 =	vadd.s32 v30, v44;
	v38 =	vld [tilespmem:s14+$0xD0];
	[tilespmem:v39+s15+$0x0] =	vst.idx.msk $0xffff, v36  }
0x255: {  	s7 =	sadd.s32 $0x1, s17;
	v33 =	vbroadcast v33, $0x0;
	v39 =	vadd.s32 v31, v44;
	v36 =	vld [tilespmem:s14+$0xE0];
	[tilespmem:v41+s15+$0x0] =	vst.idx.msk $0xffff, v40  }
0x256: {  	v44 =	vadd.s32 v32, v44;
	v40 =	vmov s7;
	v41 =	vld [tilespmem:s14+$0xF0];
	[tilespmem:v43+s15+$0x0] =	vst.idx.msk $0xffff, v34  }
0x257: {  	v43 =	vadd.s32 v0, v33;
	v40 =	vshrl.u32 v40, $0x3;
	v34 =	vld [tilespmem:s14+$0xFFFFFF00];
	[tilespmem:v35+s15+$0x0] =	vst.idx.msk $0xffff, v37  }
0x258: {  	v37 =	vadd.s32 v2, v33;
	v40 =	vshll.u32 v40, v1;
	v35 =	vld [tilespmem:s14+$0xFFFFFF10];
	[tilespmem:v46+s15+$0x0] =	vst.idx.msk $0xffff, v45  }
0x259: {  	s7 =	sadd.s32 $0x2, s17;
	v46 =	vadd.s32 v3, v33;
	v40 =	vbroadcast v40, $0x0;
	v45 =	vld [tilespmem:s14+$0xFFFFFF20];
	[tilespmem:v42+s15+$0x0] =	vst.idx.msk $0xffff, v38  }
0x25a: {  	v33 =	vadd.s32 v4, v33;
	v42 =	vmov s7;
	v38 =	vld [tilespmem:s14+$0xFFFFFF30];
	[tilespmem:v39+s15+$0x0] =	vst.idx.msk $0xffff, v36  }
0x25b: {  	v39 =	vadd.s32 v5, v40;
	v42 =	vshrl.u32 v42, $0x3;
	v36 =	vld [tilespmem:s14+$0xFFFFFF40];
	[tilespmem:v44+s15+$0x0] =	vst.idx.msk $0xffff, v41  }
0x25c: {  	v41 =	vadd.s32 v6, v40;
	v42 =	vshll.u32 v42, v1;
	[tilespmem:v43+s15+$0x0] =	vst.idx.msk $0xffff, v34;
	v34 =	vld [tilespmem:s14+$0xFFFFFF50]  }
0x25d: {  	s7 =	sadd.s32 $0x3, s17;
	v42 =	vbroadcast v42, $0x0;
	[tilespmem:v37+s15+$0x0] =	vst.idx.msk $0xffff, v35;
	v35 =	vld [tilespmem:s14+$0xFFFFFF60];
	v37 =	vadd.s32 v7, v40  }
0x25e: {  	v44 =	vmov s7;
	v40 =	vadd.s32 v8, v40;
	[tilespmem:v46+s15+$0x0] =	vst.idx.msk $0xffff, v45;
	v43 =	vld [tilespmem:s14+$0xFFFFFF70]  }
0x25f: {  	v44 =	vshrl.u32 v44, $0x3;
	[tilespmem:v33+s15+$0x0] =	vst.idx.msk $0xffff, v38;
	v33 =	vld [tilespmem:s14+$0xFFFFFF80];
	v38 =	vadd.s32 v9, v42  }
0x260: {  	v44 =	vshll.u32 v44, v1;
	[tilespmem:v39+s15+$0x0] =	vst.idx.msk $0xffff, v36;
	v36 =	vld [tilespmem:s14+$0xFFFFFF90];
	v39 =	vadd.s32 v10, v42  }
0x261: {  	s7 =	sadd.s32 $0x4, s17;
	v44 =	vbroadcast v44, $0x0;
	[tilespmem:v41+s15+$0x0] =	vst.idx.msk $0xffff, v34;
	v34 =	vld [tilespmem:s14+$0xFFFFFFA0];
	v41 =	vadd.s32 v11, v42  }
0x262: {  	[tilespmem:v37+s15+$0x0] =	vst.idx.msk $0xffff, v35;
	v35 =	vld [tilespmem:s14+$0xFFFFFFB0];
	v37 =	vadd.s32 v12, v42;
	v42 =	vmov s7  }
0x263: {  	[tilespmem:v40+s15+$0x0] =	vst.idx.msk $0xffff, v43;
	v40 =	vld [tilespmem:s14+$0xFFFFFFC0];
	v43 =	vadd.s32 v13, v44;
	v42 =	vshrl.u32 v42, $0x3  }
0x264: {  	[tilespmem:v38+s15+$0x0] =	vst.idx.msk $0xffff, v33;
	v33 =	vld [tilespmem:s14+$0xFFFFFFD0];
	v38 =	vadd.s32 v14, v44;
	v42 =	vshll.u32 v42, v1  }
0x265: {  	s7 =	sadd.s32 $0x5, s17;
	[tilespmem:v39+s15+$0x0] =	vst.idx.msk $0xffff, v36;
	v36 =	vld [tilespmem:s14+$0xFFFFFFE0];
	v39 =	vadd.s32 v15, v44;
	v42 =	vbroadcast v42, $0x0  }
0x266: {  	[tilespmem:v41+s15+$0x0] =	vst.idx.msk $0xffff, v34;
	v34 =	vld [tilespmem:s14+$0xFFFFFFF0];
	v41 =	vadd.s32 v16, v44;
	v44 =	vmov s7  }
0x267: {  	[tilespmem:v37+s15+$0x0] =	vst.idx.msk $0xffff, v35;
	v35 =	vld [tilespmem:s14+$0x0];
	v37 =	vadd.s32 v17, v42;
	v44 =	vshrl.u32 v44, $0x3  }
0x268: {  	v45 =	vadd.s32 v18, v42;
	[tilespmem:v43+s15+$0x0] =	vst.idx.msk $0xffff, v40;
	v40 =	vld [tilespmem:s14+$0x10];
	v43 =	vshll.u32 v44, v1  }
0x269: {  	s7 =	sadd.s32 $0x6, s17;
	s17 =	smov.u32 s18;
	[tilespmem:v38+s15+$0x0] =	vst.idx.msk $0xffff, v33;
	v33 =	vld [tilespmem:s14+$0x20];
	v38 =	vadd.s32 v19, v42;
	v44 =	vbroadcast v43, $0x0  }
0x26a: {  	[tilespmem:v39+s15+$0x0] =	vst.idx.msk $0xffff, v36;
	v36 =	vld [tilespmem:s14+$0x30];
	v39 =	vadd.s32 v20, v42;
	v42 =	vmov s7  }
0x26b: {  	[tilespmem:v41+s15+$0x0] =	vst.idx.msk $0xffff, v34;
	v41 =	vld [tilespmem:s14+$0x40];
	v46 =	vadd.s32 v21, v44;
	v42 =	vshrl.u32 v42, $0x3  }
.Ltmp8:
0x26c: {  	v43 =	vadd.s32 v22, v44;
	[tilespmem:v37+s15+$0x0] =	vst.idx.msk $0xffff, v35;
	v34 =	vld [tilespmem:s14+$0x50];
	v35 =	vshll.u32 v42, v1;
	(pc) =	sbr.rel @p1 .LBB2_19-.Ltmp8, $4  }
0x26d: {  	s7 =	sadd.s32 $0x7, s18;
	v42 =	vadd.s32 v23, v44;
	[tilespmem:v45+s15+$0x0] =	vst.idx.msk $0xffff, v40;
	v37 =	vld [tilespmem:s14+$0x60];
	v35 =	vbroadcast v35, $0x0  }
0x26e: {  	v40 =	vmov s7;
	[tilespmem:v38+s15+$0x0] =	vst.idx.msk $0xffff, v33;
	v33 =	vld [tilespmem:s14+$0x70];
	v38 =	vadd.s32 v24, v44  }
0x26f: {  	v40 =	vshrl.u32 v40, $0x3;
	[tilespmem:v39+s15+$0x0] =	vst.idx.msk $0xffff, v36;
	v36 =	vld [tilespmem:s14+$0x80];
	v39 =	vadd.s32 v25, v35  }
0x270: {  	s18 =	sadd.s32 $0x8, s18;
	v44 =	vshll.u32 v40, v1;
	[tilespmem:v46+s15+$0x0] =	vst.idx.msk $0xffff, v41;
	v40 =	vld [tilespmem:s14+$0x90];
	v41 =	vadd.s32 v26, v35  }
0x271: {  	_ =	sdelay $0x3  }
0x272: {  	v44 =	vbroadcast v44, $0x0;
	[tilespmem:v43+s15+$0x0] =	vst.idx.msk $0xffff, v34;
	v60 =	vld [tilespmem:s14+$0xA0];
	v61 =	vadd.s32 v27, v35  }
0x273: {  	v45 =	vmov s17;
	v62 =	vld [tilespmem:s14+$0xB0];
	v63 =	vadd.s32 v28, v35;
	s14 =	sadd.s32 $0x200, s14;
	[tilespmem:v42+s15+$0x0] =	vst.idx.msk $0xffff, v37  }
0x274: {  	v48 =	vshrl.u32 v45, $0x3;
	v49 =	vld [tilespmem:s14+$0xC0];
	v46 =	vadd.s32 v29, v44;
	[tilespmem:v38+s15+$0x0] =	vst.idx.msk $0xffff, v33  }
0x275: {  	v51 =	vld [tilespmem:s14+$0xD0];
	v50 =	vshll.u32 v48, v1;
	v52 =	vadd.s32 v30, v44;
	[tilespmem:v39+s15+$0x0] =	vst.idx.msk $0xffff, v36  }
0x276: {  	s7 =	sadd.s32 $0x1, s17;
	v53 =	vld [tilespmem:s14+$0xE0];
	v54 =	vadd.s32 v31, v44;
	v33 =	vbroadcast v50, $0x0;
	[tilespmem:v41+s15+$0x0] =	vst.idx.msk $0xffff, v40  }
0x277: {  	v55 =	vmov s7;
	v56 =	vld [tilespmem:s14+$0xF0];
	v44 =	vadd.s32 v32, v44;
	[tilespmem:v61+s15+$0x0] =	vst.idx.msk $0xffff, v60  }
0x278: {  	v57 =	vld [tilespmem:s14+$0xFFFFFF00];
	v40 =	vshrl.u32 v55, $0x3;
	v58 =	vadd.s32 v0, v33;
	[tilespmem:v63+s15+$0x0] =	vst.idx.msk $0xffff, v62  }
0x279: {  	s18 =	sadd.s32 $0x2, s17;
	v59 =	vld [tilespmem:s14+$0xFFFFFF10];
	v60 =	vadd.s32 v2, v33;
	v40 =	vshll.u32 v40, v1;
	[tilespmem:v46+s15+$0x0] =	vst.idx.msk $0xffff, v49  }
0x27a: {  	v47 =	vmov s18;
	v61 =	vld [tilespmem:s14+$0xFFFFFF20];
	v62 =	vadd.s32 v3, v33;
	v40 =	vbroadcast v40, $0x0;
	[tilespmem:v52+s15+$0x0] =	vst.idx.msk $0xffff, v51  }
0x27b: {  	v42 =	vshrl.u32 v47, $0x3;
	v63 =	vld [tilespmem:s14+$0xFFFFFF30];
	v33 =	vadd.s32 v4, v33;
	[tilespmem:v54+s15+$0x0] =	vst.idx.msk $0xffff, v53  }
0x27c: {  	v48 =	vld [tilespmem:s14+$0xFFFFFF40];
	v42 =	vshll.u32 v42, v1;
	v49 =	vadd.s32 v5, v40;
	[tilespmem:v44+s15+$0x0] =	vst.idx.msk $0xffff, v56  }
0x27d: {  	v50 =	vld [tilespmem:s14+$0xFFFFFF50];
	v42 =	vbroadcast v42, $0x0;
	v51 =	vadd.s32 v6, v40;
	[tilespmem:v58+s15+$0x0] =	vst.idx.msk $0xffff, v57  }
0x27e: {  	s21 =	sadd.s32 $0x3, s17;
	v52 =	vld [tilespmem:s14+$0xFFFFFF60];
	v53 =	vadd.s32 v7, v40;
	[tilespmem:v60+s15+$0x0] =	vst.idx.msk $0xffff, v59  }
0x27f: {  	v55 =	vmov s21;
	v56 =	vld [tilespmem:s14+$0xFFFFFF80];
	v57 =	vadd.s32 v9, v42;
	[tilespmem:v62+s15+$0x0] =	vst.idx.msk $0xffff, v61  }
0x280: {  	v54 =	vld [tilespmem:s14+$0xFFFFFF70];
	v40 =	vadd.s32 v8, v40;
	v44 =	vshrl.u32 v55, $0x3;
	[tilespmem:v33+s15+$0x0] =	vst.idx.msk $0xffff, v63  }
0x281: {  	v58 =	vld [tilespmem:s14+$0xFFFFFF90];
	v59 =	vadd.s32 v10, v42;
	v44 =	vshll.u32 v44, v1;
	[tilespmem:v49+s15+$0x0] =	vst.idx.msk $0xffff, v48  }
0x282: {  	s11 =	sadd.s32 $0x4, s17;
	v60 =	vld [tilespmem:s14+$0xFFFFFFA0];
	v61 =	vadd.s32 v11, v42;
	v44 =	vbroadcast v44, $0x0;
	[tilespmem:v51+s15+$0x0] =	vst.idx.msk $0xffff, v50  }
0x283: {  	v62 =	vld [tilespmem:s14+$0xFFFFFFB0];
	v63 =	vadd.s32 v12, v42;
	v48 =	vmov s11;
	[tilespmem:v53+s15+$0x0] =	vst.idx.msk $0xffff, v52  }
0x284: {  	v49 =	vld [tilespmem:s14+$0xFFFFFFC0];
	v50 =	vadd.s32 v13, v44;
	v42 =	vshrl.u32 v48, $0x3;
	[tilespmem:v57+s15+$0x0] =	vst.idx.msk $0xffff, v56  }
0x285: {  	s18 =	sadd.s32 $0x5, s17;
	v51 =	vld [tilespmem:s14+$0xFFFFFFD0];
	v52 =	vadd.s32 v14, v44;
	v42 =	vshll.u32 v42, v1;
	[tilespmem:v40+s15+$0x0] =	vst.idx.msk $0xffff, v54  }
0x286: {  	v53 =	vld [tilespmem:s14+$0xFFFFFFE0];
	v57 =	vmov s18;
	[tilespmem:v59+s15+$0x0] =	vst.idx.msk $0xffff, v58;
	v54 =	vadd.s32 v15, v44;
	v42 =	vbroadcast v42, $0x0  }
0x287: {  	v55 =	vld [tilespmem:s14+$0xFFFFFFF0];
	v56 =	vadd.s32 v16, v44;
	v44 =	vshrl.u32 v57, $0x3;
	[tilespmem:v61+s15+$0x0] =	vst.idx.msk $0xffff, v60  }
0x288: {  	v58 =	vld [tilespmem:s14+$0x0];
	v44 =	vshll.u32 v44, v1;
	[tilespmem:v63+s15+$0x0] =	vst.idx.msk $0xffff, v62;
	v59 =	vadd.s32 v17, v42  }
0x289: {  	v60 =	vld [tilespmem:s14+$0x10];
	v61 =	vadd.s32 v18, v42;
	v44 =	vbroadcast v44, $0x0;
	[tilespmem:v50+s15+$0x0] =	vst.idx.msk $0xffff, v49  }
0x28a: {  	s21 =	sadd.s32 $0x6, s17;
	v62 =	vld [tilespmem:s14+$0x20];
	v63 =	vadd.s32 v19, v42;
	[tilespmem:v52+s15+$0x0] =	vst.idx.msk $0xffff, v51  }
0x28b: {  	v48 =	vmov s21;
	v49 =	vld [tilespmem:s14+$0x40];
	v50 =	vadd.s32 v21, v44;
	[tilespmem:v54+s15+$0x0] =	vst.idx.msk $0xffff, v53  }
0x28c: {  	v46 =	vld [tilespmem:s14+$0x30];
	v47 =	vadd.s32 v20, v42;
	v42 =	vshrl.u32 v48, $0x3;
	[tilespmem:v56+s15+$0x0] =	vst.idx.msk $0xffff, v55  }
0x28d: {  	v42 =	vshll.u32 v42, v1;
	v51 =	vld [tilespmem:s14+$0x50];
	v52 =	vadd.s32 v22, v44;
	[tilespmem:v59+s15+$0x0] =	vst.idx.msk $0xffff, v58  }
0x28e: {  	v42 =	vbroadcast v42, $0x0;
	v53 =	vld [tilespmem:s14+$0x60];
	v54 =	vadd.s32 v23, v44;
	[tilespmem:v61+s15+$0x0] =	vst.idx.msk $0xffff, v60  }
0x28f: {  	v55 =	vld [tilespmem:s14+$0x70];
	v56 =	vadd.s32 v24, v44;
	[tilespmem:v63+s15+$0x0] =	vst.idx.msk $0xffff, v62  }
0x290: {  	v57 =	vld [tilespmem:s14+$0x80];
	v58 =	vadd.s32 v25, v42;
	[tilespmem:v50+s15+$0x0] =	vst.idx.msk $0xffff, v49  }
0x291: {  	v59 =	vld [tilespmem:s14+$0x90];
	v60 =	vadd.s32 v26, v42;
	[tilespmem:v47+s15+$0x0] =	vst.idx.msk $0xffff, v46  }
0x292: {  	v61 =	vld [tilespmem:s14+$0xA0];
	v62 =	vadd.s32 v27, v42;
	[tilespmem:v52+s15+$0x0] =	vst.idx.msk $0xffff, v51  }
0x293: {  	v63 =	vld [tilespmem:s14+$0xB0];
	v42 =	vadd.s32 v28, v42;
	[tilespmem:v54+s15+$0x0] =	vst.idx.msk $0xffff, v53  }
0x294: {  	[tilespmem:v56+s15+$0x0] =	vst.idx.msk $0xffff, v55  }
0x295: {  	[tilespmem:v58+s15+$0x0] =	vst.idx.msk $0xffff, v57  }
0x296: {  	[tilespmem:v60+s15+$0x0] =	vst.idx.msk $0xffff, v59  }
0x297: {  	[tilespmem:v62+s15+$0x0] =	vst.idx.msk $0xffff, v61  }
0x298: {  	s7 =	sadd.s32 @!p0 $0x300, s24;
	s11 =	simm.s32 @!p0 $0x80;
	s14 =	simm.s32 @!p0 $0xA400;
	[tilespmem:v42+s15+$0x0] =	vst.idx.msk $0xffff, v63  }
0x299: {  	[tilespmem:s14], [sflag:$0x3] =	stream.indirect.gather @!p0 [hbm4b:s4+s11], $0x40, s7, s11, $0xb8;
	[tilespmem:$0x16C00] =	vst v63  }
0x29a: {  	s11 =	simm.s32 $0x12800  }
0x29b: {  	[hbm4b:s5+s3] =	stream.linear.scatter [tilespmem:s11], [sflag:$0x7], $0x80, $0x38;
	[tilespmem:$0x16C00] =	vst v63  }
0x29c: {  	s17 =	sadd.s32 $0x10, s5;
	s14 =	simm.s32 $0x12888  }
0x29d: {  	[hbm4b:s17+s3] =	stream.linear.scatter [tilespmem:s14], [sflag:$0x7], $0x80, $0x38;
	[tilespmem:$0x16C00] =	vst v63  }
0x29e: {  	s21 =	sadd.s32 $0x20, s5;
	s18 =	simm.s32 $0x12910  }
0x29f: {  	[hbm4b:s21+s3] =	stream.linear.scatter [tilespmem:s18], [sflag:$0x7], $0x80, $0x38;
	[tilespmem:$0x16C00] =	vst v63  }
0x2a0: {  	s14 =	simm.s32 $0x12998;
	s17 =	sadd.s32 $0x30, s5  }
0x2a1: {  	[hbm4b:s17+s3] =	stream.linear.scatter [tilespmem:s14], [sflag:$0x7], $0x80, $0x38;
	[tilespmem:$0x16C00] =	vst v63  }
0x2a2: {  	s18 =	simm.s32 $0x12A20;
	s21 =	sadd.s32 $0x40, s5  }
0x2a3: {  	[hbm4b:s21+s3] =	stream.linear.scatter [tilespmem:s18], [sflag:$0x7], $0x80, $0x38;
	[tilespmem:$0x16C00] =	vst v63  }
0x2a4: {  	s14 =	simm.s32 $0x12AA8;
	s17 =	sadd.s32 $0x50, s5;
	s18 =	simm.s32 $0x12B30  }
0x2a5: {  	[hbm4b:s17+s3] =	stream.linear.scatter [tilespmem:s14], [sflag:$0x7], $0x80, $0x38;
	[tilespmem:$0x16C00] =	vst v63  }
0x2a6: {  	s21 =	sadd.s32 $0x60, s5;
	s14 =	simm.s32 $0x440;
	s17 =	simm.s32 $0x2200  }
0x2a7: {  	[hbm4b:s21+s3] =	stream.linear.scatter [tilespmem:s18], [sflag:$0x7], $0x80, $0x38;
	[tilespmem:$0x16C00] =	vst v63  }
0x2a8: {  	s18 =	simm.s32 $0x12BB8;
	s21 =	sadd.s32 $0x70, s5;
	s5 =	sadd.s32 $0x4000, s5  }
.LBB2_21:
0x2a9: {  	[hbm4b:s21+s3] =	stream.linear.scatter [tilespmem:s18], [sflag:$0x7], $0x80, $0x38;
	[tilespmem:$0x16C00] =	vst v63  }
0x2aa: {  	s7 =	smov.u32 s14;
	s11 =	smov.u32 s17  }
0x2ab: {  	s14 =	sshra.s32 s11, $0x2;
	s11 =	sadd.s32 $0x1100, s17;
	s18 =	sadd.s32 $0x12800, s7  }
0x2ac: {  	[hbm4b:s5+s3] =	stream.linear.scatter [tilespmem:s18], [sflag:$0x7], $0x80, $0x38;
	[tilespmem:$0x16C00] =	vst v63  }
0x2ad: {  	p1 =	sne.s32 s17, $0x7700;
	s17 =	sadd.s32 $0x12888, s7;
	s18 =	sadd.s32 $0x10, s5  }
0x2ae: {  	[hbm4b:s18+s3] =	stream.linear.scatter [tilespmem:s17], [sflag:$0x7], $0x80, $0x38;
	[tilespmem:$0x16C00] =	vst v63  }
0x2af: {  	s17 =	sadd.s32 $0x12910, s7;
	s18 =	sadd.s32 $0x20, s5  }
0x2b0: {  	[hbm4b:s18+s3] =	stream.linear.scatter [tilespmem:s17], [sflag:$0x7], $0x80, $0x38;
	[tilespmem:$0x16C00] =	vst v63  }
0x2b1: {  	s17 =	sadd.s32 $0x12998, s7;
	s18 =	sadd.s32 $0x30, s5  }
0x2b2: {  	[hbm4b:s18+s3] =	stream.linear.scatter [tilespmem:s17], [sflag:$0x7], $0x80, $0x38;
	[tilespmem:$0x16C00] =	vst v63  }
0x2b3: {  	s17 =	sadd.s32 $0x12A20, s7;
	s18 =	sadd.s32 $0x40, s5  }
0x2b4: {  	[hbm4b:s18+s3] =	stream.linear.scatter [tilespmem:s17], [sflag:$0x7], $0x80, $0x38;
	[tilespmem:$0x16C00] =	vst v63  }
.Ltmp9:
0x2b5: {  	s17 =	sadd.s32 $0x12AA8, s7;
	s18 =	sadd.s32 $0x50, s5;
	(pc) =	sbr.rel @p1 .LBB2_21-.Ltmp9, $4  }
0x2b6: {  	[hbm4b:s18+s3] =	stream.linear.scatter [tilespmem:s17], [sflag:$0x7], $0x80, $0x38;
	[tilespmem:$0x16C00] =	vst v63  }
0x2b7: {  	s21 =	sadd.s32 $0x70, s5;
	s17 =	sadd.s32 $0x12B30, s7;
	s18 =	sadd.s32 $0x60, s5  }
0x2b8: {  	[hbm4b:s18+s3] =	stream.linear.scatter [tilespmem:s17], [sflag:$0x7], $0x80, $0x38;
	[tilespmem:$0x16C00] =	vst v63  }
0x2b9: {  	s5 =	sadd.s32 $0x4000, s5;
	s18 =	sadd.s32 $0x12BB8, s7;
	s17 =	smov.u32 s11  }
0x2ba: {  	[hbm4b:s21+s3] =	stream.linear.scatter [tilespmem:s18], [sflag:$0x7], $0x80, $0x38;
	[tilespmem:$0x16C00] =	vst v63  }
0x2bb: {  	s7 =	sadd.s32 $0x12800, s14  }
0x2bc: {  	[hbm4b:s5+s3] =	stream.linear.scatter [tilespmem:s7], [sflag:$0x7], $0x80, $0x38;
	[tilespmem:$0x16C00] =	vst v63  }
0x2bd: {  	s21 =	sadd.s32 $0x12888, s14;
	s11 =	sadd.s32 $0x10, s5  }
0x2be: {  	[hbm4b:s11+s3] =	stream.linear.scatter [tilespmem:s21], [sflag:$0x7], $0x80, $0x38;
	[tilespmem:$0x16C00] =	vst v63  }
0x2bf: {  	s17 =	sadd.s32 $0x20, s5;
	s11 =	sadd.s32 $0x12910, s14  }
0x2c0: {  	[hbm4b:s17+s3] =	stream.linear.scatter [tilespmem:s11], [sflag:$0x7], $0x80, $0x38;
	[tilespmem:$0x16C00] =	vst v63  }
0x2c1: {  	s18 =	sadd.s32 $0x12998, s14;
	s21 =	sadd.s32 $0x30, s5  }
0x2c2: {  	[hbm4b:s21+s3] =	stream.linear.scatter [tilespmem:s18], [sflag:$0x7], $0x80, $0x38;
	[tilespmem:$0x16C00] =	vst v63  }
0x2c3: {  	s11 =	sadd.s32 $0x12A20, s14;
	s17 =	sadd.s32 $0x40, s5  }
0x2c4: {  	[hbm4b:s17+s3] =	stream.linear.scatter [tilespmem:s11], [sflag:$0x7], $0x80, $0x38;
	[tilespmem:$0x16C00] =	vst v63  }
0x2c5: {  	s18 =	sadd.s32 $0x12AA8, s14;
	s21 =	sadd.s32 $0x50, s5  }
0x2c6: {  	[hbm4b:s21+s3] =	stream.linear.scatter [tilespmem:s18], [sflag:$0x7], $0x80, $0x38;
	[tilespmem:$0x16C00] =	vst v63  }
0x2c7: {  	s11 =	sadd.s32 $0x12B30, s14;
	s17 =	sadd.s32 $0x60, s5  }
0x2c8: {  	[hbm4b:s17+s3] =	stream.linear.scatter [tilespmem:s11], [sflag:$0x7], $0x80, $0x38;
	[tilespmem:$0x16C00] =	vst v63  }
0x2c9: {  	s18 =	sadd.s32 $0x12BB8, s14;
	s21 =	sadd.s32 $0x70, s5  }
0x2ca: {  	[hbm4b:s21+s3] =	stream.linear.scatter [tilespmem:s18], [sflag:$0x7], $0x80, $0x38;
	[tilespmem:$0x16C00] =	vst v63  }
0x2cb: {  	_ =	swait.ge [sflag:s16], $0x2000  }
0x2cc: {  	[sflag:s16] =	ssyncset.done $0x0  }
0x2cd: {  	[sflag:s16] =	ssyncadd.s32 $0xFFFFE000  }
0x2ce: {  	_ =	swait.ge [sflag:s19], $0x2000  }
0x2cf: {  	s7 =	simm.s32 $0x7;
	[sflag:s19] =	ssyncset.done $0x0  }
0x2d0: {  	v33 =	vmov s7;
	s14 =	simm.s32 $0xC500;
	s11 =	simm.s32 $0x0;
	[sflag:s19] =	ssyncadd.s32 $0xFFFFE000  }
0x2d1: {  	v33 =	vshrl.u32 v33, $0x3;
	s17 =	simm.s32 $0x1;
	v34 =	vmov s11;
	v35 =	vld [tilespmem:s14+$0xC0]  }
0x2d2: {  	v33 =	vshll.u32 v33, v1;
	v41 =	vmov s17;
	v34 =	vshrl.u32 v34, $0x3;
	v37 =	vld [tilespmem:s14+$0xD0]  }
0x2d3: {  	v33 =	vbroadcast v33, $0x0;
	v41 =	vshrl.u32 v41, $0x3;
	v34 =	vshll.u32 v34, v1;
	v39 =	vld [tilespmem:s14+$0xE0]  }
0x2d4: {  	v41 =	vshll.u32 v41, v1;
	v34 =	vbroadcast v34, $0x0;
	v42 =	vld [tilespmem:s14+$0xF0]  }
0x2d5: {  	v36 =	vadd.s32 v29, v33;
	v41 =	vbroadcast v41, $0x0;
	v43 =	vld [tilespmem:s14+$0xFFFFFF00]  }
0x2d6: {  	v44 =	vadd.s32 v0, v34;
	v45 =	vld [tilespmem:s14+$0xFFFFFF10]  }
0x2d7: {  	v55 =	vadd.s32 v5, v41;
	v54 =	vld [tilespmem:s14+$0xFFFFFF40]  }
0x2d8: {  	v38 =	vadd.s32 v30, v33;
	v50 =	vld [tilespmem:s14+$0xFFFFFF20]  }
0x2d9: {  	v46 =	vadd.s32 v2, v34;
	v52 =	vld [tilespmem:s14+$0xFFFFFF30]  }
0x2da: {  	v57 =	vadd.s32 v6, v41;
	v56 =	vld [tilespmem:s14+$0xFFFFFF50];
	[tilespmem:v36+s20+$0x0] =	vst.idx.msk $0xffff, v35  }
0x2db: {  	v40 =	vadd.s32 v31, v33;
	s21 =	simm.s32 $0x3;
	v58 =	vld [tilespmem:s14+$0xFFFFFF60];
	[tilespmem:v44+s20+$0x0] =	vst.idx.msk $0xffff, v43  }
0x2dc: {  	v62 =	vmov s21;
	v51 =	vadd.s32 v3, v34;
	v60 =	vld [tilespmem:s14+$0xFFFFFF70];
	[tilespmem:v55+s20+$0x0] =	vst.idx.msk $0xffff, v54  }
0x2dd: {  	v59 =	vadd.s32 v7, v41;
	v61 =	vadd.s32 v8, v41;
	v41 =	vshrl.u32 v62, $0x3;
	[tilespmem:v38+s20+$0x0] =	vst.idx.msk $0xffff, v37  }
0x2de: {  	s18 =	simm.s32 $0x2;
	v41 =	vshll.u32 v41, v1;
	[tilespmem:v46+s20+$0x0] =	vst.idx.msk $0xffff, v45  }
0x2df: {  	v33 =	vadd.s32 v32, v33;
	v53 =	vmov s18;
	v41 =	vbroadcast v41, $0x0;
	[tilespmem:v57+s20+$0x0] =	vst.idx.msk $0xffff, v56  }
0x2e0: {  	v34 =	vadd.s32 v4, v34;
	v63 =	vld [tilespmem:s14+$0xFFFFFF80];
	v38 =	vshrl.u32 v53, $0x3;
	[tilespmem:v40+s20+$0x0] =	vst.idx.msk $0xffff, v39  }
0x2e1: {  	v55 =	vld [tilespmem:s14+$0xFFFFFFC0];
	v56 =	vadd.s32 v13, v41;
	v38 =	vshll.u32 v38, v1;
	[tilespmem:v51+s20+$0x0] =	vst.idx.msk $0xffff, v50  }
0x2e2: {  	v57 =	vld [tilespmem:s14+$0xFFFFFFD0];
	[tilespmem:v59+s20+$0x0] =	vst.idx.msk $0xffff, v58;
	v58 =	vadd.s32 v14, v41;
	v38 =	vbroadcast v38, $0x0  }
0x2e3: {  	v59 =	vld [tilespmem:s14+$0xFFFFFFE0];
	[tilespmem:v61+s20+$0x0] =	vst.idx.msk $0xffff, v60;
	v60 =	vadd.s32 v15, v41  }
0x2e4: {  	s11 =	simm.s32 $0x5;
	v49 =	vld [tilespmem:s14+$0xFFFFFF90];
	[tilespmem:v33+s20+$0x0] =	vst.idx.msk $0xffff, v42;
	v48 =	vadd.s32 v9, v38  }
0x2e5: {  	s7 =	simm.s32 $0x4;
	v62 =	vmov s11;
	v51 =	vld [tilespmem:s14+$0xFFFFFFA0];
	[tilespmem:v34+s20+$0x0] =	vst.idx.msk $0xffff, v52;
	v50 =	vadd.s32 v10, v38  }
0x2e6: {  	v54 =	vmov s7;
	v61 =	vld [tilespmem:s14+$0xFFFFFFF0];
	v42 =	vshrl.u32 v62, $0x3;
	v52 =	vadd.s32 v11, v38;
	[tilespmem:v56+s20+$0x0] =	vst.idx.msk $0xffff, v55  }
0x2e7: {  	v53 =	vld [tilespmem:s14+$0xFFFFFFB0];
	v44 =	vshrl.u32 v54, $0x3;
	v42 =	vshll.u32 v42, v1;
	v38 =	vadd.s32 v12, v38;
	[tilespmem:v58+s20+$0x0] =	vst.idx.msk $0xffff, v57  }
0x2e8: {  	v37 =	vld [tilespmem:s14+$0x60];
	v44 =	vshll.u32 v44, v1;
	v41 =	vadd.s32 v16, v41;
	v47 =	vbroadcast v42, $0x0;
	[tilespmem:v60+s20+$0x0] =	vst.idx.msk $0xffff, v59  }
0x2e9: {  	v44 =	vbroadcast v44, $0x0;
	v34 =	vld [tilespmem:s14+$0x50];
	[tilespmem:v48+s20+$0x0] =	vst.idx.msk $0xffff, v63  }
0x2ea: {  	v60 =	vld [tilespmem:s14+$0x40];
	v48 =	vadd.s32 v21, v47;
	[tilespmem:v50+s20+$0x0] =	vst.idx.msk $0xffff, v49  }
0x2eb: {  	s17 =	simm.s32 $0x6;
	v63 =	vld [tilespmem:s14+$0x0];
	[tilespmem:v52+s20+$0x0] =	vst.idx.msk $0xffff, v51;
	v52 =	vadd.s32 v17, v44  }
0x2ec: {  	v54 =	vadd.s32 v18, v44;
	v59 =	vmov s17;
	[tilespmem:v38+s20+$0x0] =	vst.idx.msk $0xffff, v53;
	v53 =	vld [tilespmem:s14+$0x10]  }
0x2ed: {  	v55 =	vld [tilespmem:s14+$0x20];
	v56 =	vadd.s32 v19, v44;
	[tilespmem:v41+s20+$0x0] =	vst.idx.msk $0xffff, v61;
	v61 =	vshrl.u32 v59, $0x3  }
0x2ee: {  	v57 =	vld [tilespmem:s14+$0x30];
	v58 =	vadd.s32 v20, v44;
	v33 =	vshll.u32 v61, v1  }
0x2ef: {  	v43 =	vadd.s32 v22, v47;
	v35 =	vbroadcast v33, $0x0;
	v33 =	vld [tilespmem:s14+$0x70];
	[tilespmem:v48+s20+$0x0] =	vst.idx.msk $0xffff, v60  }
0x2f0: {  	s18 =	simm.s32 $0xF;
	v42 =	vadd.s32 v23, v47;
	[tilespmem:v52+s20+$0x0] =	vst.idx.msk $0xffff, v63  }
0x2f1: {  	s21 =	sor.u32 s10, s23;
	v62 =	vmov s18;
	v38 =	vadd.s32 v24, v47;
	[tilespmem:v54+s20+$0x0] =	vst.idx.msk $0xffff, v53  }
0x2f2: {  	s23 =	sshrl.u32 s21, $0x3;
	v36 =	vld [tilespmem:s14+$0x80];
	v39 =	vadd.s32 v25, v35;
	v63 =	vshrl.u32 v62, $0x3;
	[tilespmem:v56+s20+$0x0] =	vst.idx.msk $0xffff, v55  }
0x2f3: {  	s5 =	sadd.s32 s2, s23;
	v40 =	vld [tilespmem:s14+$0x90];
	s18 =	simm.s32 $0x10;
	s17 =	simm.s32 $0x8;
	v41 =	vadd.s32 v26, v35;
	v44 =	vshll.u32 v63, v1;
	[tilespmem:v58+s20+$0x0] =	vst.idx.msk $0xffff, v57  }
.LBB2_23:
0x2f4: {  	p1 =	slt.u32 s18, $0x78;
	v44 =	vbroadcast v44, $0x0;
	[tilespmem:v43+s20+$0x0] =	vst.idx.msk $0xffff, v34;
	v34 =	vld [tilespmem:s14+$0xA0];
	v43 =	vadd.s32 v27, v35  }
0x2f5: {  	v45 =	vmov s17;
	v35 =	vadd.s32 v28, v35;
	[tilespmem:v42+s20+$0x0] =	vst.idx.msk $0xffff, v37;
	v37 =	vld [tilespmem:s14+$0xB0];
	s14 =	sadd.s32 $0x200, s14  }
0x2f6: {  	v42 =	vshrl.u32 v45, $0x3;
	v45 =	vld [tilespmem:s14+$0xC0];
	v46 =	vadd.s32 v29, v44;
	[tilespmem:v38+s20+$0x0] =	vst.idx.msk $0xffff, v33  }
0x2f7: {  	v33 =	vshll.u32 v42, v1;
	v42 =	vadd.s32 v30, v44;
	v38 =	vld [tilespmem:s14+$0xD0];
	[tilespmem:v39+s20+$0x0] =	vst.idx.msk $0xffff, v36  }
0x2f8: {  	s7 =	sadd.s32 $0x1, s17;
	v33 =	vbroadcast v33, $0x0;
	v39 =	vadd.s32 v31, v44;
	v36 =	vld [tilespmem:s14+$0xE0];
	[tilespmem:v41+s20+$0x0] =	vst.idx.msk $0xffff, v40  }
0x2f9: {  	v44 =	vadd.s32 v32, v44;
	v40 =	vmov s7;
	v41 =	vld [tilespmem:s14+$0xF0];
	[tilespmem:v43+s20+$0x0] =	vst.idx.msk $0xffff, v34  }
0x2fa: {  	v43 =	vadd.s32 v0, v33;
	v40 =	vshrl.u32 v40, $0x3;
	v34 =	vld [tilespmem:s14+$0xFFFFFF00];
	[tilespmem:v35+s20+$0x0] =	vst.idx.msk $0xffff, v37  }
0x2fb: {  	v37 =	vadd.s32 v2, v33;
	v40 =	vshll.u32 v40, v1;
	v35 =	vld [tilespmem:s14+$0xFFFFFF10];
	[tilespmem:v46+s20+$0x0] =	vst.idx.msk $0xffff, v45  }
0x2fc: {  	s7 =	sadd.s32 $0x2, s17;
	v46 =	vadd.s32 v3, v33;
	v40 =	vbroadcast v40, $0x0;
	v45 =	vld [tilespmem:s14+$0xFFFFFF20];
	[tilespmem:v42+s20+$0x0] =	vst.idx.msk $0xffff, v38  }
0x2fd: {  	v33 =	vadd.s32 v4, v33;
	v42 =	vmov s7;
	v38 =	vld [tilespmem:s14+$0xFFFFFF30];
	[tilespmem:v39+s20+$0x0] =	vst.idx.msk $0xffff, v36  }
0x2fe: {  	v39 =	vadd.s32 v5, v40;
	v42 =	vshrl.u32 v42, $0x3;
	v36 =	vld [tilespmem:s14+$0xFFFFFF40];
	[tilespmem:v44+s20+$0x0] =	vst.idx.msk $0xffff, v41  }
0x2ff: {  	v41 =	vadd.s32 v6, v40;
	v42 =	vshll.u32 v42, v1;
	[tilespmem:v43+s20+$0x0] =	vst.idx.msk $0xffff, v34;
	v34 =	vld [tilespmem:s14+$0xFFFFFF50]  }
0x300: {  	s7 =	sadd.s32 $0x3, s17;
	v42 =	vbroadcast v42, $0x0;
	[tilespmem:v37+s20+$0x0] =	vst.idx.msk $0xffff, v35;
	v35 =	vld [tilespmem:s14+$0xFFFFFF60];
	v37 =	vadd.s32 v7, v40  }
0x301: {  	v44 =	vmov s7;
	v40 =	vadd.s32 v8, v40;
	[tilespmem:v46+s20+$0x0] =	vst.idx.msk $0xffff, v45;
	v43 =	vld [tilespmem:s14+$0xFFFFFF70]  }
0x302: {  	v44 =	vshrl.u32 v44, $0x3;
	[tilespmem:v33+s20+$0x0] =	vst.idx.msk $0xffff, v38;
	v33 =	vld [tilespmem:s14+$0xFFFFFF80];
	v38 =	vadd.s32 v9, v42  }
0x303: {  	v44 =	vshll.u32 v44, v1;
	[tilespmem:v39+s20+$0x0] =	vst.idx.msk $0xffff, v36;
	v36 =	vld [tilespmem:s14+$0xFFFFFF90];
	v39 =	vadd.s32 v10, v42  }
0x304: {  	s7 =	sadd.s32 $0x4, s17;
	v44 =	vbroadcast v44, $0x0;
	[tilespmem:v41+s20+$0x0] =	vst.idx.msk $0xffff, v34;
	v34 =	vld [tilespmem:s14+$0xFFFFFFA0];
	v41 =	vadd.s32 v11, v42  }
0x305: {  	[tilespmem:v37+s20+$0x0] =	vst.idx.msk $0xffff, v35;
	v35 =	vld [tilespmem:s14+$0xFFFFFFB0];
	v37 =	vadd.s32 v12, v42;
	v42 =	vmov s7  }
0x306: {  	[tilespmem:v40+s20+$0x0] =	vst.idx.msk $0xffff, v43;
	v40 =	vld [tilespmem:s14+$0xFFFFFFC0];
	v43 =	vadd.s32 v13, v44;
	v42 =	vshrl.u32 v42, $0x3  }
0x307: {  	[tilespmem:v38+s20+$0x0] =	vst.idx.msk $0xffff, v33;
	v33 =	vld [tilespmem:s14+$0xFFFFFFD0];
	v38 =	vadd.s32 v14, v44;
	v42 =	vshll.u32 v42, v1  }
0x308: {  	s7 =	sadd.s32 $0x5, s17;
	[tilespmem:v39+s20+$0x0] =	vst.idx.msk $0xffff, v36;
	v36 =	vld [tilespmem:s14+$0xFFFFFFE0];
	v39 =	vadd.s32 v15, v44;
	v42 =	vbroadcast v42, $0x0  }
0x309: {  	[tilespmem:v41+s20+$0x0] =	vst.idx.msk $0xffff, v34;
	v34 =	vld [tilespmem:s14+$0xFFFFFFF0];
	v41 =	vadd.s32 v16, v44;
	v44 =	vmov s7  }
0x30a: {  	[tilespmem:v37+s20+$0x0] =	vst.idx.msk $0xffff, v35;
	v35 =	vld [tilespmem:s14+$0x0];
	v37 =	vadd.s32 v17, v42;
	v44 =	vshrl.u32 v44, $0x3  }
0x30b: {  	v45 =	vadd.s32 v18, v42;
	[tilespmem:v43+s20+$0x0] =	vst.idx.msk $0xffff, v40;
	v40 =	vld [tilespmem:s14+$0x10];
	v43 =	vshll.u32 v44, v1  }
0x30c: {  	s7 =	sadd.s32 $0x6, s17;
	s17 =	smov.u32 s18;
	[tilespmem:v38+s20+$0x0] =	vst.idx.msk $0xffff, v33;
	v33 =	vld [tilespmem:s14+$0x20];
	v38 =	vadd.s32 v19, v42;
	v44 =	vbroadcast v43, $0x0  }
0x30d: {  	[tilespmem:v39+s20+$0x0] =	vst.idx.msk $0xffff, v36;
	v36 =	vld [tilespmem:s14+$0x30];
	v39 =	vadd.s32 v20, v42;
	v42 =	vmov s7  }
0x30e: {  	[tilespmem:v41+s20+$0x0] =	vst.idx.msk $0xffff, v34;
	v41 =	vld [tilespmem:s14+$0x40];
	v46 =	vadd.s32 v21, v44;
	v42 =	vshrl.u32 v42, $0x3  }
.Ltmp10:
0x30f: {  	v43 =	vadd.s32 v22, v44;
	[tilespmem:v37+s20+$0x0] =	vst.idx.msk $0xffff, v35;
	v34 =	vld [tilespmem:s14+$0x50];
	v35 =	vshll.u32 v42, v1;
	(pc) =	sbr.rel @p1 .LBB2_23-.Ltmp10, $4  }
0x310: {  	s7 =	sadd.s32 $0x7, s18;
	v42 =	vadd.s32 v23, v44;
	[tilespmem:v45+s20+$0x0] =	vst.idx.msk $0xffff, v40;
	v37 =	vld [tilespmem:s14+$0x60];
	v35 =	vbroadcast v35, $0x0  }
0x311: {  	v40 =	vmov s7;
	[tilespmem:v38+s20+$0x0] =	vst.idx.msk $0xffff, v33;
	v33 =	vld [tilespmem:s14+$0x70];
	v38 =	vadd.s32 v24, v44  }
0x312: {  	v40 =	vshrl.u32 v40, $0x3;
	[tilespmem:v39+s20+$0x0] =	vst.idx.msk $0xffff, v36;
	v36 =	vld [tilespmem:s14+$0x80];
	v39 =	vadd.s32 v25, v35  }
0x313: {  	s18 =	sadd.s32 $0x8, s18;
	v44 =	vshll.u32 v40, v1;
	[tilespmem:v46+s20+$0x0] =	vst.idx.msk $0xffff, v41;
	v40 =	vld [tilespmem:s14+$0x90];
	v41 =	vadd.s32 v26, v35  }
0x314: {  	_ =	sdelay $0x3  }
0x315: {  	v44 =	vbroadcast v44, $0x0;
	[tilespmem:v43+s20+$0x0] =	vst.idx.msk $0xffff, v34;
	v60 =	vld [tilespmem:s14+$0xA0];
	v61 =	vadd.s32 v27, v35  }
0x316: {  	v45 =	vmov s17;
	v62 =	vld [tilespmem:s14+$0xB0];
	v63 =	vadd.s32 v28, v35;
	s14 =	sadd.s32 $0x200, s14;
	[tilespmem:v42+s20+$0x0] =	vst.idx.msk $0xffff, v37  }
0x317: {  	v48 =	vshrl.u32 v45, $0x3;
	v49 =	vld [tilespmem:s14+$0xC0];
	v46 =	vadd.s32 v29, v44;
	[tilespmem:v38+s20+$0x0] =	vst.idx.msk $0xffff, v33  }
0x318: {  	v51 =	vld [tilespmem:s14+$0xD0];
	v50 =	vshll.u32 v48, v1;
	v52 =	vadd.s32 v30, v44;
	[tilespmem:v39+s20+$0x0] =	vst.idx.msk $0xffff, v36  }
0x319: {  	s7 =	sadd.s32 $0x1, s17;
	v53 =	vld [tilespmem:s14+$0xE0];
	v54 =	vadd.s32 v31, v44;
	v33 =	vbroadcast v50, $0x0;
	[tilespmem:v41+s20+$0x0] =	vst.idx.msk $0xffff, v40  }
0x31a: {  	v55 =	vmov s7;
	v56 =	vld [tilespmem:s14+$0xF0];
	v44 =	vadd.s32 v32, v44;
	[tilespmem:v61+s20+$0x0] =	vst.idx.msk $0xffff, v60  }
0x31b: {  	v57 =	vld [tilespmem:s14+$0xFFFFFF00];
	v40 =	vshrl.u32 v55, $0x3;
	v58 =	vadd.s32 v0, v33;
	[tilespmem:v63+s20+$0x0] =	vst.idx.msk $0xffff, v62  }
0x31c: {  	s23 =	sadd.s32 $0x2, s17;
	v59 =	vld [tilespmem:s14+$0xFFFFFF10];
	v60 =	vadd.s32 v2, v33;
	v40 =	vshll.u32 v40, v1;
	[tilespmem:v46+s20+$0x0] =	vst.idx.msk $0xffff, v49  }
0x31d: {  	v47 =	vmov s23;
	v61 =	vld [tilespmem:s14+$0xFFFFFF20];
	v62 =	vadd.s32 v3, v33;
	v40 =	vbroadcast v40, $0x0;
	[tilespmem:v52+s20+$0x0] =	vst.idx.msk $0xffff, v51  }
0x31e: {  	v42 =	vshrl.u32 v47, $0x3;
	v63 =	vld [tilespmem:s14+$0xFFFFFF30];
	v33 =	vadd.s32 v4, v33;
	[tilespmem:v54+s20+$0x0] =	vst.idx.msk $0xffff, v53  }
0x31f: {  	v48 =	vld [tilespmem:s14+$0xFFFFFF40];
	v42 =	vshll.u32 v42, v1;
	v49 =	vadd.s32 v5, v40;
	[tilespmem:v44+s20+$0x0] =	vst.idx.msk $0xffff, v56  }
0x320: {  	v50 =	vld [tilespmem:s14+$0xFFFFFF50];
	v42 =	vbroadcast v42, $0x0;
	v51 =	vadd.s32 v6, v40;
	[tilespmem:v58+s20+$0x0] =	vst.idx.msk $0xffff, v57  }
0x321: {  	s11 =	sadd.s32 $0x3, s17;
	v52 =	vld [tilespmem:s14+$0xFFFFFF60];
	v53 =	vadd.s32 v7, v40;
	[tilespmem:v60+s20+$0x0] =	vst.idx.msk $0xffff, v59  }
0x322: {  	v55 =	vmov s11;
	v56 =	vld [tilespmem:s14+$0xFFFFFF80];
	v57 =	vadd.s32 v9, v42;
	[tilespmem:v62+s20+$0x0] =	vst.idx.msk $0xffff, v61  }
0x323: {  	v54 =	vld [tilespmem:s14+$0xFFFFFF70];
	v40 =	vadd.s32 v8, v40;
	v44 =	vshrl.u32 v55, $0x3;
	[tilespmem:v33+s20+$0x0] =	vst.idx.msk $0xffff, v63  }
0x324: {  	v58 =	vld [tilespmem:s14+$0xFFFFFF90];
	v59 =	vadd.s32 v10, v42;
	v44 =	vshll.u32 v44, v1;
	[tilespmem:v49+s20+$0x0] =	vst.idx.msk $0xffff, v48  }
0x325: {  	s18 =	sadd.s32 $0x4, s17;
	v60 =	vld [tilespmem:s14+$0xFFFFFFA0];
	v61 =	vadd.s32 v11, v42;
	v44 =	vbroadcast v44, $0x0;
	[tilespmem:v51+s20+$0x0] =	vst.idx.msk $0xffff, v50  }
0x326: {  	v62 =	vld [tilespmem:s14+$0xFFFFFFB0];
	v63 =	vadd.s32 v12, v42;
	v48 =	vmov s18;
	[tilespmem:v53+s20+$0x0] =	vst.idx.msk $0xffff, v52  }
0x327: {  	v49 =	vld [tilespmem:s14+$0xFFFFFFC0];
	v50 =	vadd.s32 v13, v44;
	v42 =	vshrl.u32 v48, $0x3;
	[tilespmem:v57+s20+$0x0] =	vst.idx.msk $0xffff, v56  }
0x328: {  	s21 =	sadd.s32 $0x5, s17;
	v51 =	vld [tilespmem:s14+$0xFFFFFFD0];
	v52 =	vadd.s32 v14, v44;
	v42 =	vshll.u32 v42, v1;
	[tilespmem:v40+s20+$0x0] =	vst.idx.msk $0xffff, v54  }
0x329: {  	v53 =	vld [tilespmem:s14+$0xFFFFFFE0];
	v57 =	vmov s21;
	[tilespmem:v59+s20+$0x0] =	vst.idx.msk $0xffff, v58;
	v54 =	vadd.s32 v15, v44;
	v42 =	vbroadcast v42, $0x0  }
0x32a: {  	v55 =	vld [tilespmem:s14+$0xFFFFFFF0];
	v56 =	vadd.s32 v16, v44;
	v44 =	vshrl.u32 v57, $0x3;
	[tilespmem:v61+s20+$0x0] =	vst.idx.msk $0xffff, v60  }
0x32b: {  	v58 =	vld [tilespmem:s14+$0x0];
	v44 =	vshll.u32 v44, v1;
	[tilespmem:v63+s20+$0x0] =	vst.idx.msk $0xffff, v62;
	v59 =	vadd.s32 v17, v42  }
0x32c: {  	v60 =	vld [tilespmem:s14+$0x10];
	v61 =	vadd.s32 v18, v42;
	v44 =	vbroadcast v44, $0x0;
	[tilespmem:v50+s20+$0x0] =	vst.idx.msk $0xffff, v49  }
0x32d: {  	s23 =	sadd.s32 $0x6, s17;
	v62 =	vld [tilespmem:s14+$0x20];
	v63 =	vadd.s32 v19, v42;
	[tilespmem:v52+s20+$0x0] =	vst.idx.msk $0xffff, v51  }
0x32e: {  	v48 =	vmov s23;
	v49 =	vld [tilespmem:s14+$0x40];
	v50 =	vadd.s32 v21, v44;
	[tilespmem:v54+s20+$0x0] =	vst.idx.msk $0xffff, v53  }
0x32f: {  	v46 =	vld [tilespmem:s14+$0x30];
	v47 =	vadd.s32 v20, v42;
	v42 =	vshrl.u32 v48, $0x3;
	[tilespmem:v56+s20+$0x0] =	vst.idx.msk $0xffff, v55  }
0x330: {  	v42 =	vshll.u32 v42, v1;
	v51 =	vld [tilespmem:s14+$0x50];
	v52 =	vadd.s32 v22, v44;
	[tilespmem:v59+s20+$0x0] =	vst.idx.msk $0xffff, v58  }
0x331: {  	v42 =	vbroadcast v42, $0x0;
	v53 =	vld [tilespmem:s14+$0x60];
	v54 =	vadd.s32 v23, v44;
	[tilespmem:v61+s20+$0x0] =	vst.idx.msk $0xffff, v60  }
0x332: {  	v55 =	vld [tilespmem:s14+$0x70];
	v56 =	vadd.s32 v24, v44;
	[tilespmem:v63+s20+$0x0] =	vst.idx.msk $0xffff, v62  }
0x333: {  	v57 =	vld [tilespmem:s14+$0x80];
	v58 =	vadd.s32 v25, v42;
	[tilespmem:v50+s20+$0x0] =	vst.idx.msk $0xffff, v49  }
0x334: {  	v59 =	vld [tilespmem:s14+$0x90];
	v60 =	vadd.s32 v26, v42;
	[tilespmem:v47+s20+$0x0] =	vst.idx.msk $0xffff, v46  }
0x335: {  	v61 =	vld [tilespmem:s14+$0xA0];
	v62 =	vadd.s32 v27, v42;
	[tilespmem:v52+s20+$0x0] =	vst.idx.msk $0xffff, v51  }
0x336: {  	v63 =	vld [tilespmem:s14+$0xB0];
	v42 =	vadd.s32 v28, v42;
	[tilespmem:v54+s20+$0x0] =	vst.idx.msk $0xffff, v53  }
0x337: {  	[tilespmem:v56+s20+$0x0] =	vst.idx.msk $0xffff, v55  }
0x338: {  	[tilespmem:v58+s20+$0x0] =	vst.idx.msk $0xffff, v57  }
0x339: {  	[tilespmem:v60+s20+$0x0] =	vst.idx.msk $0xffff, v59  }
0x33a: {  	[tilespmem:v62+s20+$0x0] =	vst.idx.msk $0xffff, v61  }
0x33b: {  	s7 =	sadd.s32 @!p0 $0x380, s24;
	s11 =	simm.s32 @!p0 $0x80;
	s14 =	simm.s32 @!p0 $0xC400;
	[tilespmem:v42+s20+$0x0] =	vst.idx.msk $0xffff, v63  }
0x33c: {  	[tilespmem:s14], [sflag:$0x4] =	stream.indirect.gather @!p0 [hbm4b:s4+s11], $0x40, s7, s11, $0xb8;
	[tilespmem:$0x16C00] =	vst v63  }
0x33d: {  	s11 =	simm.s32 $0x14A00  }
0x33e: {  	[hbm4b:s5+s3] =	stream.linear.scatter [tilespmem:s11], [sflag:$0x8], $0x80, $0x38;
	[tilespmem:$0x16C00] =	vst v63  }
0x33f: {  	s17 =	sadd.s32 $0x10, s5;
	s14 =	simm.s32 $0x14A88  }
0x340: {  	[hbm4b:s17+s3] =	stream.linear.scatter [tilespmem:s14], [sflag:$0x8], $0x80, $0x38;
	[tilespmem:$0x16C00] =	vst v63  }
0x341: {  	s24 =	sadd.s32 $0x30, s5;
	s18 =	simm.s32 $0x14B10;
	s21 =	sadd.s32 $0x20, s5  }
0x342: {  	[hbm4b:s21+s3] =	stream.linear.scatter [tilespmem:s18], [sflag:$0x8], $0x80, $0x38;
	[tilespmem:$0x16C00] =	vst v63  }
0x343: {  	s23 =	simm.s32 $0x14B98;
	s14 =	simm.s32 $0x14C20;
	s17 =	sadd.s32 $0x40, s5  }
0x344: {  	[hbm4b:s24+s3] =	stream.linear.scatter [tilespmem:s23], [sflag:$0x8], $0x80, $0x38;
	[tilespmem:$0x16C00] =	vst v63  }
0x345: {  	s18 =	simm.s32 $0x14CA8;
	s21 =	sadd.s32 $0x50, s5;
	s23 =	simm.s32 $0x14D30  }
0x346: {  	[hbm4b:s17+s3] =	stream.linear.scatter [tilespmem:s14], [sflag:$0x8], $0x80, $0x38;
	[tilespmem:$0x16C00] =	vst v63  }
0x347: {  	s24 =	sadd.s32 $0x60, s5;
	s14 =	simm.s32 $0x440;
	s17 =	simm.s32 $0x2200  }
0x348: {  	[hbm4b:s21+s3] =	stream.linear.scatter [tilespmem:s18], [sflag:$0x8], $0x80, $0x38;
	[tilespmem:$0x16C00] =	vst v63  }
0x349: {  	s18 =	simm.s32 $0x14DB8;
	s21 =	sadd.s32 $0x70, s5;
	s5 =	sadd.s32 $0x4000, s5  }
0x34a: {  	[hbm4b:s24+s3] =	stream.linear.scatter [tilespmem:s23], [sflag:$0x8], $0x80, $0x38;
	[tilespmem:$0x16C00] =	vst v63  }
.LBB2_25:
0x34b: {  	[hbm4b:s21+s3] =	stream.linear.scatter [tilespmem:s18], [sflag:$0x8], $0x80, $0x38;
	[tilespmem:$0x16C00] =	vst v63  }
0x34c: {  	s7 =	smov.u32 s14;
	s11 =	smov.u32 s17  }
0x34d: {  	s14 =	sshra.s32 s11, $0x2;
	s11 =	sadd.s32 $0x1100, s17;
	s18 =	sadd.s32 $0x14A00, s7  }
0x34e: {  	[hbm4b:s5+s3] =	stream.linear.scatter [tilespmem:s18], [sflag:$0x8], $0x80, $0x38;
	[tilespmem:$0x16C00] =	vst v63  }
0x34f: {  	p0 =	sne.s32 s17, $0x7700;
	s17 =	sadd.s32 $0x14A88, s7;
	s18 =	sadd.s32 $0x10, s5  }
0x350: {  	[hbm4b:s18+s3] =	stream.linear.scatter [tilespmem:s17], [sflag:$0x8], $0x80, $0x38;
	[tilespmem:$0x16C00] =	vst v63  }
0x351: {  	s17 =	sadd.s32 $0x14B10, s7;
	s18 =	sadd.s32 $0x20, s5  }
0x352: {  	[hbm4b:s18+s3] =	stream.linear.scatter [tilespmem:s17], [sflag:$0x8], $0x80, $0x38;
	[tilespmem:$0x16C00] =	vst v63  }
0x353: {  	s17 =	sadd.s32 $0x14B98, s7;
	s18 =	sadd.s32 $0x30, s5  }
0x354: {  	[hbm4b:s18+s3] =	stream.linear.scatter [tilespmem:s17], [sflag:$0x8], $0x80, $0x38;
	[tilespmem:$0x16C00] =	vst v63  }
0x355: {  	s17 =	sadd.s32 $0x14C20, s7;
	s18 =	sadd.s32 $0x40, s5  }
0x356: {  	[hbm4b:s18+s3] =	stream.linear.scatter [tilespmem:s17], [sflag:$0x8], $0x80, $0x38;
	[tilespmem:$0x16C00] =	vst v63  }
.Ltmp11:
0x357: {  	s17 =	sadd.s32 $0x14CA8, s7;
	s18 =	sadd.s32 $0x50, s5;
	(pc) =	sbr.rel @p0 .LBB2_25-.Ltmp11, $4  }
0x358: {  	[hbm4b:s18+s3] =	stream.linear.scatter [tilespmem:s17], [sflag:$0x8], $0x80, $0x38;
	[tilespmem:$0x16C00] =	vst v63  }
0x359: {  	s21 =	sadd.s32 $0x70, s5;
	s17 =	sadd.s32 $0x14D30, s7;
	s18 =	sadd.s32 $0x60, s5  }
0x35a: {  	[hbm4b:s18+s3] =	stream.linear.scatter [tilespmem:s17], [sflag:$0x8], $0x80, $0x38;
	[tilespmem:$0x16C00] =	vst v63  }
0x35b: {  	s5 =	sadd.s32 $0x4000, s5;
	s18 =	sadd.s32 $0x14DB8, s7;
	s17 =	smov.u32 s11  }
0x35c: {  	[hbm4b:s21+s3] =	stream.linear.scatter [tilespmem:s18], [sflag:$0x8], $0x80, $0x38;
	[tilespmem:$0x16C00] =	vst v63  }
0x35d: {  	s7 =	sadd.s32 $0x14A00, s14  }
0x35e: {  	[hbm4b:s5+s3] =	stream.linear.scatter [tilespmem:s7], [sflag:$0x8], $0x80, $0x38;
	[tilespmem:$0x16C00] =	vst v63  }
0x35f: {  	s24 =	sadd.s32 $0x14A88, s14;
	s11 =	sadd.s32 $0x10, s5  }
0x360: {  	[hbm4b:s11+s3] =	stream.linear.scatter [tilespmem:s24], [sflag:$0x8], $0x80, $0x38;
	[tilespmem:$0x16C00] =	vst v63  }
0x361: {  	s17 =	sadd.s32 $0x20, s5;
	s11 =	sadd.s32 $0x14B10, s14  }
0x362: {  	[hbm4b:s17+s3] =	stream.linear.scatter [tilespmem:s11], [sflag:$0x8], $0x80, $0x38;
	[tilespmem:$0x16C00] =	vst v63  }
0x363: {  	s18 =	sadd.s32 $0x14B98, s14;
	s21 =	sadd.s32 $0x30, s5  }
0x364: {  	[hbm4b:s21+s3] =	stream.linear.scatter [tilespmem:s18], [sflag:$0x8], $0x80, $0x38;
	[tilespmem:$0x16C00] =	vst v63  }
0x365: {  	s23 =	sadd.s32 $0x14C20, s14;
	s22 =	sadd.s32 $0x1, s22;
	s24 =	sadd.s32 $0x40, s5  }
0x366: {  	[hbm4b:s24+s3] =	stream.linear.scatter [tilespmem:s23], [sflag:$0x8], $0x80, $0x38;
	[tilespmem:$0x16C00] =	vst v63  }
0x367: {  	p0 =	sne.s32 s22, $0x32;
	s11 =	sadd.s32 $0x14CA8, s14;
	s17 =	sadd.s32 $0x50, s5  }
0x368: {  	[hbm4b:s17+s3] =	stream.linear.scatter [tilespmem:s11], [sflag:$0x8], $0x80, $0x38;
	[tilespmem:$0x16C00] =	vst v63  }
.Ltmp12:
0x369: {  	_ = 	snop;
	(pc) =	sbr.rel @p0 .LBB2_10-.Ltmp12, $4  }
0x36a: {  	s18 =	sadd.s32 $0x14D30, s14;
	s21 =	sadd.s32 $0x60, s5  }
0x36b: {  	[hbm4b:s21+s3] =	stream.linear.scatter [tilespmem:s18], [sflag:$0x8], $0x80, $0x38;
	[tilespmem:$0x16C00] =	vst v63  }
0x36c: {  	s23 =	sadd.s32 $0x14DB8, s14;
	s24 =	sadd.s32 $0x70, s5  }
0x36d: {  	[hbm4b:s24+s3] =	stream.linear.scatter [tilespmem:s23], [sflag:$0x8], $0x80, $0x38;
	[tilespmem:$0x16C00] =	vst v63  }
0x36e: {  	_ =	swait.ge [sflag:s26], $0x2000  }
0x36f: {  	[sflag:s26] =	ssyncset.done $0x0  }
0x370: {  	[sflag:s26] =	ssyncadd.s32 $0xFFFFE000  }
0x371: {  	_ =	swait.ge [sflag:s30], $0x2000  }
0x372: {  	[sflag:s30] =	ssyncset.done $0x0  }
0x373: {  	[sflag:s30] =	ssyncadd.s32 $0xFFFFE000  }
0x374: {  	_ =	swait.ge [sflag:s0], $0x2000  }
0x375: {  	[sflag:s0] =	ssyncset.done $0x0  }
0x376: {  	[sflag:s0] =	ssyncadd.s32 $0xFFFFE000  }
0x377: {  	_ =	swait.ge [sflag:s19], $0x2000  }
0x378: {  	s7 =	rddreg [dreg:$0x7]  }
0x379: {  	s5 =	rddreg [dreg:$0x6];
	s7 =	sadd.s32 $0x1, s7  }
0x37a: {  	p0 =	sne.s32 s7, s5  }
.Ltmp13:
0x37b: {  	_ = 	snop;
	(pc) =	sbr.rel @p0 .LBB2_1-.Ltmp13, $3  }
0x37c: {  	_ =	sdelay $0x1  }
0x37d: {  	[sflag:s19] =	ssyncset.done $0x0  }
0x37e: {  	s23 =	simm.s32 $0x80;
	[sflag:s19] =	ssyncadd.s32 $0xFFFFE000  }
0x37f: {  	_ =	sfence.sel $0x180000  }
0x380: {  	[bflag:$0x0] =	sbarrier.arrive $0xFFFF  }
0x381: {  	_ =	strace $0x90000047  }
0x382: {  	s0 =	stileid.u32;
	[bflag:$0x2] =	sbarrier.arrive $0xFFFF  }
0x383: {  	p0 =	sne.s32 s0, $0x0;
	s0 =	rddreg [dreg:$0x2]  }
0x384: {  	s0 =	sadd.s32 @!p0 $0x100000, s0  }
0x385: {  	[sflag:s0] =	ssyncadd.tile.s32 @!p0 $0x1;
	_ =	shalt  }
.Lfunc_end2:
_tile_overlayer_lowered:
.L_overlay_start_2:
0x386: {  	(tag) =	ssettag $0x2  }
0x387: {  	s0 =	rddreg [dreg:$0x0];
	s2 =	stileid.u32  }
0x388: {  	s1 =	rddreg [dreg:$0x1];
	p0 =	sne.s32 s2, $0x0  }
0x389: {  	s3 =	rddreg [dreg:$0x2];
	[bflag:$0x3] =	sbarrier.arrive $0xFFFF;
	s2 =	simm.s32 @!p0 $0x1C09  }
0x38a: {  	[timem:s3], [sflag:s2] =	dma.local @!p0 [hbm:s0], s1  }
0x38b: {  	s0 =	simm.s32 @!p0 $0x9  }
0x38c: {  	_ =	swait.ge @!p0 [sflag:s0], s1  }
0x38d: {  	s1 =	ssub.s32 @!p0 $0x0, s1;
	[sflag:s0] =	ssyncset.done @!p0 $0x0  }
0x38e: {  	[sflag:s0] =	ssyncadd.s32 @!p0 s1  }
0x38f: {  	[bflag:$0x3] =	sbarrier.arrive $0xFFFF  }
0x390: {  	_ =	shalt  }

</sc_bundles>
